<compile_context>
chip_gen: v7x
topology: tpu7x:2x2x1
jax: 0.10.2.dev20260603
libtpu: 0.0.44.dev20260713+nightly
codegen_flags: <defaults>
</compile_context>

<pallas_src>
import functools

import jax
import jax.numpy as jnp
from jax import lax
from jax.experimental import pallas as pl
from jax.experimental.pallas import tpu as pltpu
from jax.experimental.pallas import tpu_sc as plsc

BB, FIN, FOUT, NN, KK = 4, 128, 256, 2048, 16
NBA = 256
NB = 256
EDGES = BB * NN * KK
M_EDGES = float(EDGES)
EPS = 1e-5
INF = 1e30
BIGI = 2 ** 30

NW = 32
CHUNK = 128
NCH_W = EDGES // (NW * CHUNK)


def _lrelu(x):
    return jnp.where(x >= 0, x, 0.2 * x)


def _dot(a, b):
    return lax.dot_general(a, b, (((1,), (0,)), ((), ())),
                           precision=lax.Precision.DEFAULT,
                           preferred_element_type=jnp.float32)


def _prep_body(xt_ref, x_ref, st_ref, w1t_ref, wxt_ref, wst_ref, bx_ref,
               bs_ref, idx_ref, y1_ref, a_ref, s_ref):
    xtb = xt_ref[0]
    xb = x_ref[0]
    prod = lax.dot_general(xtb, xb, (((1,), (0,)), ((), ())),
                           precision=lax.Precision.DEFAULT,
                           preferred_element_type=jnp.float32)
    cn = jnp.sum(xb * xb, axis=0, keepdims=True)
    rn = jnp.sum(xtb * xtb, axis=1, keepdims=True)
    d = -2.0 * prod + rn + cn
    i = pl.program_id(1)
    col = lax.broadcasted_iota(jnp.int32, (NBA, NN), 1)
    row = lax.broadcasted_iota(jnp.int32, (NBA, NN), 0) + i * NBA
    d = jnp.where(col == row, INF, d)
    colf = col.astype(jnp.float32)
    for k in range(KK):
        m = jnp.min(d, axis=1, keepdims=True)
        cand = jnp.where(d == m, colf, 1e9)
        jm = jnp.min(cand, axis=1, keepdims=True)
        idx_ref[0, :, k:k + 1] = jm.astype(jnp.int32)
        d = jnp.where(colf == jm, INF, d)
    y1_ref[0] = _dot(xtb, w1t_ref[...])
    wxt = wxt_ref[...]
    a_ref[0] = _dot(xtb, wxt[:FIN] - wxt[FIN:]) + bx_ref[...]
    s_ref[0] = _dot(st_ref[0], wst_ref[...]) + bs_ref[...]


def _prep_call(xt, x, stt, w1t, wxt, wst, bxr, bsr):
    nblk = NN // NBA
    return pl.pallas_call(
        _prep_body,
        grid=(BB, nblk),
        in_specs=[
            pl.BlockSpec((1, NBA, FIN), lambda b, i: (b, i, 0)),
            pl.BlockSpec((1, FIN, NN), lambda b, i: (b, 0, 0)),
            pl.BlockSpec((1, NBA, FOUT), lambda b, i: (b, i, 0)),
            pl.BlockSpec((FIN, FIN), lambda b, i: (0, 0)),
            pl.BlockSpec((2 * FIN, FOUT), lambda b, i: (0, 0)),
            pl.BlockSpec((FOUT, 2 * FOUT), lambda b, i: (0, 0)),
            pl.BlockSpec((1, FOUT), lambda b, i: (0, 0)),
            pl.BlockSpec((1, 2 * FOUT), lambda b, i: (0, 0)),
        ],
        out_specs=[
            pl.BlockSpec((1, NBA, KK), lambda b, i: (b, i, 0)),
            pl.BlockSpec((1, NBA, FIN), lambda b, i: (b, i, 0)),
            pl.BlockSpec((1, NBA, FOUT), lambda b, i: (b, i, 0)),
            pl.BlockSpec((1, NBA, 2 * FOUT), lambda b, i: (b, i, 0)),
        ],
        out_shape=[
            jax.ShapeDtypeStruct((BB, NN, KK), jnp.int32),
            jax.ShapeDtypeStruct((BB, NN, FIN), jnp.float32),
            jax.ShapeDtypeStruct((BB, NN, FOUT), jnp.float32),
            jax.ShapeDtypeStruct((BB, NN, 2 * FOUT), jnp.float32),
        ],
    )(xt, x, stt, w1t, wxt, wst, bxr, bsr)


def _gather_call(table, idxw):
    mesh = plsc.VectorSubcoreMesh(core_axis_name="c", subcore_axis_name="s")

    @functools.partial(
        pl.kernel,
        out_type=jax.ShapeDtypeStruct((EDGES, FIN), jnp.float32),
        mesh=mesh,
        scratch_types=[
            pltpu.VMEM((NCH_W, CHUNK), jnp.int32),
            pltpu.VMEM((CHUNK, FIN), jnp.float32),
            pltpu.VMEM((CHUNK, FIN), jnp.float32),
            pltpu.SemaphoreType.DMA,
            pltpu.SemaphoreType.DMA,
        ],
    )
    def gk(table_hbm, idx_hbm, out_hbm, idx_v, rows_a, rows_b, sem_a, sem_b):
        wid = lax.axis_index("s") * 2 + lax.axis_index("c")
        pltpu.sync_copy(idx_hbm.at[wid], idx_v)
        base = wid * (NCH_W * CHUNK)
        pltpu.async_copy(table_hbm.at[idx_v.at[0]], rows_a, sem_a)
        pltpu.async_copy(table_hbm.at[idx_v.at[1]], rows_b, sem_b)

        def body(i, carry):
            c = 2 * i
            pltpu.make_async_copy(table_hbm.at[idx_v.at[c]], rows_a,
                                  sem_a).wait()
            pltpu.sync_copy(rows_a, out_hbm.at[pl.ds(base + c * CHUNK, CHUNK)])

            @pl.when(c + 2 < NCH_W)
            def _():
                pltpu.async_copy(table_hbm.at[idx_v.at[c + 2]], rows_a, sem_a)

            pltpu.make_async_copy(table_hbm.at[idx_v.at[c + 1]], rows_b,
                                  sem_b).wait()
            pltpu.sync_copy(rows_b,
                            out_hbm.at[pl.ds(base + (c + 1) * CHUNK, CHUNK)])

            @pl.when(c + 3 < NCH_W)
            def _():
                pltpu.async_copy(table_hbm.at[idx_v.at[c + 3]], rows_b, sem_b)

            return carry

        lax.fori_loop(0, NCH_W // 2, body, 0)

    return gk(table, idxw)


def _edge_blocks(xg_ref, w1t, b1, wdt):
    xgf = xg_ref[0].reshape(KK * NB, FIN)
    hf = (_dot(xgf, w1t) + b1).reshape(KK, NB, FIN)
    xf = _dot(xgf, wdt).reshape(KK, NB, FOUT)
    return hf, xf


def _stats1_body(xg_ref, y1_ref, a_ref, w1t_ref, wxt_ref, b1_ref,
                 sh_ref, sx_ref):
    y1b = y1_ref[0]
    ab = a_ref[0]
    hf, xf = _edge_blocks(xg_ref, w1t_ref[...], b1_ref[...],
                          wxt_ref[...][FIN:])
    sh = jnp.zeros((1, FIN), jnp.float32)
    sh2 = jnp.zeros((1, FIN), jnp.float32)
    sx = jnp.zeros((1, FOUT), jnp.float32)
    sx2 = jnp.zeros((1, FOUT), jnp.float32)
    for k in range(KK):
        h = hf[k] - y1b
        sh = sh + jnp.sum(h, axis=0, keepdims=True)
        sh2 = sh2 + jnp.sum(h * h, axis=0, keepdims=True)
        xx = xf[k] + ab
        sx = sx + jnp.sum(xx, axis=0, keepdims=True)
        sx2 = sx2 + jnp.sum(xx * xx, axis=0, keepdims=True)
    ph = jnp.concatenate([sh, sh2, jnp.zeros((6, FIN), jnp.float32)], axis=0)
    px = jnp.concatenate([sx, sx2, jnp.zeros((6, FOUT), jnp.float32)], axis=0)
    first = (pl.program_id(0) == 0) & (pl.program_id(1) == 0)

    @pl.when(first)
    def _():
        sh_ref[...] = jnp.zeros_like(sh_ref)
        sx_ref[...] = jnp.zeros_like(sx_ref)

    sh_ref[...] += ph
    sx_ref[...] += px


def _stats1_call(xg4, y1t, at, w1t, wxt, b1r):
    nblk = NN // NB
    return pl.pallas_call(
        _stats1_body,
        grid=(BB, nblk),
        in_specs=[
            pl.BlockSpec((1, KK, NB, FIN), lambda b, i: (b, 0, i, 0)),
            pl.BlockSpec((1, NB, FIN), lambda b, i: (b, i, 0)),
            pl.BlockSpec((1, NB, FOUT), lambda b, i: (b, i, 0)),
            pl.BlockSpec((FIN, FIN), lambda b, i: (0, 0)),
            pl.BlockSpec((2 * FIN, FOUT), lambda b, i: (0, 0)),
            pl.BlockSpec((1, FIN), lambda b, i: (0, 0)),
        ],
        out_specs=[
            pl.BlockSpec((8, FIN), lambda b, i: (0, 0)),
            pl.BlockSpec((8, FOUT), lambda b, i: (0, 0)),
        ],
        out_shape=[
            jax.ShapeDtypeStruct((8, FIN), jnp.float32),
            jax.ShapeDtypeStruct((8, FOUT), jnp.float32),
        ],
    )(xg4, y1t, at, w1t, wxt, b1r)


def _bn_consts(sums, g, be, count):
    m = sums[0:1, :] / count
    v = sums[1:2, :] / count - m * m
    a = g / jnp.sqrt(v + EPS)
    return m, a, be


def _stats2_body(xg_ref, y1_ref, w1t_ref, b1_ref, shs_ref, g1_ref, be1_ref,
                 w2t_ref, b2_ref, shw_ref):
    y1b = y1_ref[0]
    m1, a1, be1 = _bn_consts(shs_ref[...], g1_ref[...], be1_ref[...], M_EDGES)
    xgf = xg_ref[0].reshape(KK * NB, FIN)
    hf = (_dot(xgf, w1t_ref[...]) + b1_ref[...]).reshape(KK, NB, FIN)
    u_list = [_lrelu(((hf[k] - y1b) - m1) * a1 + be1) for k in range(KK)]
    uf = jnp.concatenate(u_list, axis=0)
    hwf = _dot(uf, w2t_ref[...]) + b2_ref[...]
    s = jnp.sum(hwf, axis=0, keepdims=True)
    s2 = jnp.sum(hwf * hwf, axis=0, keepdims=True)
    p = jnp.concatenate([s, s2, jnp.zeros((6, FOUT), jnp.float32)], axis=0)
    first = (pl.program_id(0) == 0) & (pl.program_id(1) == 0)

    @pl.when(first)
    def _():
        shw_ref[...] = jnp.zeros_like(shw_ref)

    shw_ref[...] += p


def _stats2_call(xg4, y1t, w1t, b1r, shs, g1r, be1r, w2t, b2r):
    nblk = NN // NB
    return pl.pallas_call(
        _stats2_body,
        grid=(BB, nblk),
        in_specs=[
            pl.BlockSpec((1, KK, NB, FIN), lambda b, i: (b, 0, i, 0)),
            pl.BlockSpec((1, NB, FIN), lambda b, i: (b, i, 0)),
            pl.BlockSpec((FIN, FIN), lambda b, i: (0, 0)),
            pl.BlockSpec((1, FIN), lambda b, i: (0, 0)),
            pl.BlockSpec((8, FIN), lambda b, i: (0, 0)),
            pl.BlockSpec((1, FIN), lambda b, i: (0, 0)),
            pl.BlockSpec((1, FIN), lambda b, i: (0, 0)),
            pl.BlockSpec((FIN, FOUT), lambda b, i: (0, 0)),
            pl.BlockSpec((1, FOUT), lambda b, i: (0, 0)),
        ],
        out_specs=[pl.BlockSpec((8, FOUT), lambda b, i: (0, 0))],
        out_shape=[jax.ShapeDtypeStruct((8, FOUT), jnp.float32)],
    )(xg4, y1t, w1t, b1r, shs, g1r, be1r, w2t, b2r)[0]


def _main_body(xg_ref, y1_ref, a_ref, w1t_ref, wxt_ref, b1_ref,
               shs_ref, g1_ref, be1_ref, w2t_ref, b2_ref,
               shw_ref, g2_ref, be2_ref, sxs_ref, gx_ref, bex_ref,
               wot_ref, bo_ref, o_ref, ast_ref):
    y1b = y1_ref[0]
    ab = a_ref[0]
    m1, a1, be1 = _bn_consts(shs_ref[...], g1_ref[...], be1_ref[...], M_EDGES)
    m2, a2, be2 = _bn_consts(shw_ref[...], g2_ref[...], be2_ref[...], M_EDGES)
    m3, a3, bex = _bn_consts(sxs_ref[...], gx_ref[...], bex_ref[...], M_EDGES)
    hf, xf = _edge_blocks(xg_ref, w1t_ref[...], b1_ref[...],
                          wxt_ref[...][FIN:])
    u_list = [_lrelu(((hf[k] - y1b) - m1) * a1 + be1) for k in range(KK)]
    uf = jnp.concatenate(u_list, axis=0)
    hwf = _dot(uf, w2t_ref[...]) + b2_ref[...]
    hw4 = hwf.reshape(KK, NB, FOUT)
    z_list = []
    xxn_list = []
    for k in range(KK):
        z_list.append(_lrelu((hw4[k] - m2) * a2 + be2))
        xx = xf[k] + ab
        xxn_list.append(_lrelu((xx - m3) * a3 + bex))
    mx = z_list[0]
    for k in range(1, KK):
        mx = jnp.maximum(mx, z_list[k])
    e_list = []
    s = jnp.zeros((NB, FOUT), jnp.float32)
    for k in range(KK):
        e = jnp.exp(z_list[k] - mx)
        e_list.append(e)
        s = s + e
    rs = 1.0 / s
    acc = jnp.zeros((NB, FOUT), jnp.float32)
    for k in range(KK):
        acc = acc + _dot(xxn_list[k] * e_list[k] * rs, wot_ref[k])
    out = acc + bo_ref[...]
    o_ref[0] = out
    so = jnp.sum(out, axis=0, keepdims=True)
    so2 = jnp.sum(out * out, axis=0, keepdims=True)
    p = jnp.concatenate([so, so2, jnp.zeros((6, FOUT), jnp.float32)], axis=0)
    first = pl.program_id(1) == 0

    @pl.when(first)
    def _():
        ast_ref[...] = jnp.zeros_like(ast_ref)

    ast_ref[...] += p[None]


def _main_call(xg4, y1t, at, w1t, wxt, b1r, shs, g1r, be1r, w2t, b2r,
               shw, g2r, be2r, sxs, gxr, bexr, wot, bor):
    nblk = NN // NB
    cfull = lambda b, i: (0, 0)
    return pl.pallas_call(
        _main_body,
        grid=(BB, nblk),
        in_specs=[
            pl.BlockSpec((1, KK, NB, FIN), lambda b, i: (b, 0, i, 0)),
            pl.BlockSpec((1, NB, FIN), lambda b, i: (b, i, 0)),
            pl.BlockSpec((1, NB, FOUT), lambda b, i: (b, i, 0)),
            pl.BlockSpec((FIN, FIN), cfull),
            pl.BlockSpec((2 * FIN, FOUT), cfull),
            pl.BlockSpec((1, FIN), cfull),
            pl.BlockSpec((8, FIN), cfull),
            pl.BlockSpec((1, FIN), cfull),
            pl.BlockSpec((1, FIN), cfull),
            pl.BlockSpec((FIN, FOUT), cfull),
            pl.BlockSpec((1, FOUT), cfull),
            pl.BlockSpec((8, FOUT), cfull),
            pl.BlockSpec((1, FOUT), cfull),
            pl.BlockSpec((1, FOUT), cfull),
            pl.BlockSpec((8, FOUT), cfull),
            pl.BlockSpec((1, FOUT), cfull),
            pl.BlockSpec((1, FOUT), cfull),
            pl.BlockSpec((KK, FOUT, FOUT), lambda b, i: (0, 0, 0)),
            pl.BlockSpec((1, FOUT), cfull),
        ],
        out_specs=[
            pl.BlockSpec((1, NB, FOUT), lambda b, i: (b, i, 0)),
            pl.BlockSpec((1, 8, FOUT), lambda b, i: (b, 0, 0)),
        ],
        out_shape=[
            jax.ShapeDtypeStruct((BB, NN, FOUT), jnp.float32),
            jax.ShapeDtypeStruct((BB, 8, FOUT), jnp.float32),
        ],
    )(xg4, y1t, at, w1t, wxt, b1r, shs, g1r, be1r, w2t, b2r,
      shw, g2r, be2r, sxs, gxr, bexr, wot, bor)


def _ada_body(o_ref, st_ref, ast_ref, out_ref):
    stats = ast_ref[0]
    m = stats[0:1, :] / float(NN)
    v = stats[1:2, :] / float(NN) - m * m
    o = o_ref[0]
    sv = st_ref[0]
    gamma = sv[:, :FOUT]
    beta = sv[:, FOUT:]
    y = gamma * (o - m) / jnp.sqrt(v + EPS) + beta
    out_ref[0] = _lrelu(y)


def _ada_call(o, st, ast):
    nblk = NN // NB
    return pl.pallas_call(
        _ada_body,
        grid=(BB, nblk),
        in_specs=[
            pl.BlockSpec((1, NB, FOUT), lambda b, i: (b, i, 0)),
            pl.BlockSpec((1, NB, 2 * FOUT), lambda b, i: (b, i, 0)),
            pl.BlockSpec((1, 8, FOUT), lambda b, i: (b, 0, 0)),
        ],
        out_specs=pl.BlockSpec((1, NB, FOUT), lambda b, i: (b, i, 0)),
        out_shape=jax.ShapeDtypeStruct((BB, NN, FOUT), jnp.float32),
    )(o, st, ast)


def kernel(x, style, W1, b1, g1, be1, W2, b2, g2, be2, Wx, bx, gx, bex,
           Wo, bo, Ws, bs):
    xt = jnp.transpose(x, (0, 2, 1))
    stt = jnp.transpose(style, (0, 2, 1))
    w1t = W1.T
    wxt = Wx.T
    w2t = W2.T
    wst = Ws.T
    wot = jnp.transpose(Wo, (2, 1, 0))
    b1r = b1.reshape(1, FIN)
    g1r = g1.reshape(1, FIN)
    be1r = be1.reshape(1, FIN)
    b2r = b2.reshape(1, FOUT)
    g2r = g2.reshape(1, FOUT)
    be2r = be2.reshape(1, FOUT)
    bxr = bx.reshape(1, FOUT)
    gxr = gx.reshape(1, FOUT)
    bexr = bex.reshape(1, FOUT)
    bor = bo.reshape(1, FOUT)
    bsr = bs.reshape(1, 2 * FOUT)

    idx, y1t, at, st = _prep_call(xt, x, stt, w1t, wxt, wst, bxr, bsr)

    off = (jnp.arange(BB, dtype=jnp.int32) * NN).reshape(BB, 1, 1)
    flat = (jnp.transpose(idx, (0, 2, 1)) + off).reshape(NW, NCH_W, CHUNK)
    xg = _gather_call(xt.reshape(BB * NN, FIN), flat)
    xg4 = xg.reshape(BB, KK, NN, FIN)

    shs, sxs = _stats1_call(xg4, y1t, at, w1t, wxt, b1r)
    shw = _stats2_call(xg4, y1t, w1t, b1r, shs, g1r, be1r, w2t, b2r)
    o, ast = _main_call(xg4, y1t, at, w1t, wxt, b1r, shs, g1r, be1r, w2t,
                        b2r, shw, g2r, be2r, sxs, gxr, bexr, wot, bor)
    outf = _ada_call(o, st, ast)
    return jnp.transpose(outf, (0, 2, 1))

# --- scband reference (transcript-rebuilt; emitter-appended) ---
"""Pipeline reference for scband-synthetic-block-38001870635131 (READ-ONLY COPY).

The authoritative reference and input builder live on the scoring server;
editing this copy changes nothing except your own understanding.
"""

import jax, jax.numpy as jnp
import numpy as np

B, Fin, Fout, N, K = 4, 128, 256, 2048, 16

def lrelu(x):
    return jnp.where(x >= 0, x, 0.2 * x)

def bn(x, g, b):
    ax = tuple(i for i in range(x.ndim) if i != 1)
    m = jnp.mean(x, axis=ax, keepdims=True)
    v = jnp.var(x, axis=ax, keepdims=True)
    sh = [1] * x.ndim
    sh[1] = -1
    return g.reshape(sh) * (x - m) / jnp.sqrt(v + 1e-5) + b.reshape(sh)

def get_edge_features(x, k):
    xt = jnp.transpose(x, (0, 2, 1))
    dist = -2.0 * jnp.einsum('bnc,bcm->bnm', xt, x) + jnp.sum(xt ** 2, axis=2, keepdims=True) + jnp.sum(x ** 2, axis=1)[:, None, :]
    idx = jnp.argsort(dist, axis=2)[:, :, 1:k + 1]
    neighbors = jnp.take_along_axis(x[:, :, None, :], idx[:, None, :, :], axis=3)
    central = jnp.repeat(x[:, :, :, None], k, axis=3)
    return jnp.concatenate([central, neighbors - central], axis=1)

def _forward(x, style, W1, b1, g1, be1, W2, b2, g2, be2, Wx, bx, gx, bex, Wo, bo, Ws, bs):
    ee = get_edge_features(x, K)
    xn = ee[:, Fin:, :, :]
    h = jnp.einsum('bcnk,oc->bonk', xn, W1) + b1[None, :, None, None]
    h = lrelu(bn(h, g1, be1))
    h = jnp.einsum('bcnk,oc->bonk', h, W2) + b2[None, :, None, None]
    w = lrelu(bn(h, g2, be2))
    w = jax.nn.softmax(w, axis=-1)
    xx = jnp.einsum('bcnk,oc->bonk', ee, Wx) + bx[None, :, None, None]
    xx = lrelu(bn(xx, gx, bex))
    xx = xx * w
    out = jnp.einsum('bcnk,ock->bon', xx, Wo) + bo[None, :, None]
    s = jnp.einsum('bcn,oc->bon', style, Ws) + bs[None, :, None]
    gamma = s[:, :Fout, :]
    beta = s[:, Fout:, :]
    m = jnp.mean(out, axis=2, keepdims=True)
    v = jnp.var(out, axis=2, keepdims=True)
    out = gamma * (out - m) / jnp.sqrt(v + 1e-5) + beta
    return lrelu(out)

def setup_inputs(seed: int = 0):
    key = jax.random.key(seed)
    ks = jax.random.split(key, 8)
    inp = {}
    inp['x'] = jax.random.normal(ks[0], (B, Fin, N), dtype=jnp.float32)
    inp['style'] = jax.random.normal(ks[1], (B, Fout, N), dtype=jnp.float32)
    inp['W1'] = jax.random.normal(ks[2], (Fout // 2, Fin), dtype=jnp.float32) * 0.05
    inp['b1'] = jnp.zeros((Fout // 2,), dtype=jnp.float32)
    inp['g1'] = jnp.ones((Fout // 2,), dtype=jnp.float32)
    inp['be1'] = jnp.zeros((Fout // 2,), dtype=jnp.float32)
    inp['W2'] = jax.random.normal(ks[3], (Fout, Fout // 2), dtype=jnp.float32) * 0.05
    inp['b2'] = jnp.zeros((Fout,), dtype=jnp.float32)
    inp['g2'] = jnp.ones((Fout,), dtype=jnp.float32)
    inp['be2'] = jnp.zeros((Fout,), dtype=jnp.float32)
    inp['Wx'] = jax.random.normal(ks[4], (Fout, 2 * Fin), dtype=jnp.float32) * 0.05
    inp['bx'] = jnp.zeros((Fout,), dtype=jnp.float32)
    inp['gx'] = jnp.ones((Fout,), dtype=jnp.float32)
    inp['bex'] = jnp.zeros((Fout,), dtype=jnp.float32)
    inp['Wo'] = jax.random.normal(ks[5], (Fout, Fout, K), dtype=jnp.float32) * 0.02
    inp['bo'] = jnp.zeros((Fout,), dtype=jnp.float32)
    inp['Ws'] = jax.random.normal(ks[6], (2 * Fout, Fout), dtype=jnp.float32)
    inp['bs'] = jnp.concatenate([jnp.ones((Fout,), dtype=jnp.float32), jnp.zeros((Fout,), dtype=jnp.float32)])
    return inp

def reference(x, style, W1, b1, g1, be1, W2, b2, g2, be2, Wx, bx, gx, bex, Wo, bo, Ws, bs):
    return _forward(x, style, W1, b1, g1, be1, W2, b2, g2, be2, Wx, bx, gx, bex, Wo, bo, Ws, bs)

if __name__ == "__main__":
    import jax
    _d = setup_inputs()
    print(jax.jit(kernel)(*tuple(_d.values())))

</pallas_src>

<mosaic_0001>
#map = affine_map<(d0, d1) -> (0, 0)>
#map1 = affine_map<(d0, d1) -> (0, 0, 0)>
module attributes {stable_mosaic.version = 14 : i64} {
  func.func @gk(%arg0: i32, %arg1: i32, %arg2: memref<8192x128xf32, #tpu.memory_space<hbm>>, %arg3: memref<32x32x128xi32, #tpu.memory_space<hbm>>, %arg4: memref<131072x128xf32, #tpu.memory_space<hbm>>, %arg5: memref<32x128xi32, #tpu.memory_space<vmem>>, %arg6: memref<128x128xf32, #tpu.memory_space<vmem>>, %arg7: memref<128x128xf32, #tpu.memory_space<vmem>>, %arg8: memref<!tpu.dma_semaphore, #tpu.memory_space<semaphore_mem>>, %arg9: memref<!tpu.dma_semaphore, #tpu.memory_space<semaphore_mem>>) attributes {dimension_semantics = [#tpu.dimension_semantics<core_parallel>, #tpu.dimension_semantics<subcore_parallel>], iteration_bounds = array<i64: 2, 16>, scalar_prefetch = 0 : i64, scratch_operands = 5 : i64, tpu.core_type = #tpu.core_type<sc_vector_subcore>, window_params = [{transform_indices = #map}, {transform_indices = #map1}, {transform_indices = #map}]} {
    %mul3A = arith.constant 2 : i32
    %mul3A_0 = arith.muli %arg1, %mul3A : i32
    %add3A = arith.addi %mul3A_0, %arg0 : i32
    "tpu.region"() ({
      %run_scoped3A = tpu.sem_alloc : memref<!tpu.dma_semaphore, #tpu.memory_space<semaphore_mem>>
      %dma_start3A_21 = arith.constant 0 : i32
      %dma_start3A_22 = arith.constant 0 : i32
      %dma_start3A_23 = tpu.memref_slice %arg3[%add3A, %dma_start3A_21, %dma_start3A_22] : memref<32x32x128xi32, #tpu.memory_space<hbm>> -> memref<1x32x128xi32, #tpu.memory_space<hbm>>
      %dma_start3A_24 = tpu.memref_squeeze %dma_start3A_23 : memref<1x32x128xi32, #tpu.memory_space<hbm>> -> memref<32x128xi32, #tpu.memory_space<hbm>>
      %dma_start3A_25 = arith.constant 0 : i32
      %dma_start3A_26 = arith.constant 0 : i32
      %dma_start3A_27 = tpu.memref_slice %arg3[%add3A, %dma_start3A_25, %dma_start3A_26] : memref<32x32x128xi32, #tpu.memory_space<hbm>> -> memref<1x32x128xi32, #tpu.memory_space<hbm>>
      %dma_start3A_28 = tpu.memref_squeeze %dma_start3A_27 : memref<1x32x128xi32, #tpu.memory_space<hbm>> -> memref<32x128xi32, #tpu.memory_space<hbm>>
      tpu.enqueue_dma source(%dma_start3A_28 : memref<32x128xi32, #tpu.memory_space<hbm>>) target(%arg5 : memref<32x128xi32, #tpu.memory_space<vmem>>) target_semaphore(%run_scoped3A : memref<!tpu.dma_semaphore, #tpu.memory_space<semaphore_mem>>)
      %dma_wait3A = arith.constant 0 : i32
      %dma_wait3A_29 = arith.constant 0 : i32
      %dma_wait3A_30 = tpu.memref_slice %arg3[%add3A, %dma_wait3A, %dma_wait3A_29] : memref<32x32x128xi32, #tpu.memory_space<hbm>> -> memref<1x32x128xi32, #tpu.memory_space<hbm>>
      %dma_wait3A_31 = tpu.memref_squeeze %dma_wait3A_30 : memref<1x32x128xi32, #tpu.memory_space<hbm>> -> memref<32x128xi32, #tpu.memory_space<hbm>>
      %dma_wait3A_32 = arith.constant 0 : i32
      %dma_wait3A_33 = arith.constant 0 : i32
      %dma_wait3A_34 = tpu.memref_slice %arg3[%add3A, %dma_wait3A_32, %dma_wait3A_33] : memref<32x32x128xi32, #tpu.memory_space<hbm>> -> memref<1x32x128xi32, #tpu.memory_space<hbm>>
      %dma_wait3A_35 = tpu.memref_squeeze %dma_wait3A_34 : memref<1x32x128xi32, #tpu.memory_space<hbm>> -> memref<32x128xi32, #tpu.memory_space<hbm>>
      tpu.wait_dma2 semaphore(%run_scoped3A : memref<!tpu.dma_semaphore, #tpu.memory_space<semaphore_mem>>) src(%dma_wait3A_35 : memref<32x128xi32, #tpu.memory_space<hbm>>) dst(%arg5 : memref<32x128xi32, #tpu.memory_space<vmem>>)
      tpu.yield
    }) : () -> ()
    %mul3A_1 = arith.constant 4096 : i32
    %mul3A_2 = arith.muli %add3A, %mul3A_1 : i32
    %dma_start3A = arith.constant 0 : i32
    %dma_start3A_3 = arith.constant 0 : i32
    %dma_start3A_4 = tpu.memref_slice %arg5[%dma_start3A, %dma_start3A_3] : memref<32x128xi32, #tpu.memory_space<vmem>> -> memref<1x128xi32, #tpu.memory_space<vmem>>
    %dma_start3A_5 = tpu.memref_squeeze %dma_start3A_4 : memref<1x128xi32, #tpu.memory_space<vmem>> -> memref<128xi32, #tpu.memory_space<vmem>>
    %dma_start3A_6 = arith.constant 0 : i32
    %dma_start3A_7 = arith.constant 0 : i32
    %dma_start3A_8 = tpu.memref_slice %arg2[%dma_start3A_6, %dma_start3A_7] : memref<8192x128xf32, #tpu.memory_space<hbm>> -> memref<8192x128xf32, #tpu.memory_space<hbm>>
    tpu.enqueue_indirect_dma source(%dma_start3A_8 : memref<8192x128xf32, #tpu.memory_space<hbm>>) target(%arg6 : memref<128x128xf32, #tpu.memory_space<vmem>>) offsets(%dma_start3A_5 : memref<128xi32, #tpu.memory_space<vmem>>) semaphore(%arg8 : memref<!tpu.dma_semaphore, #tpu.memory_space<semaphore_mem>>)
    %dma_start3A_9 = arith.constant 1 : i32
    %dma_start3A_10 = arith.constant 0 : i32
    %dma_start3A_11 = tpu.memref_slice %arg5[%dma_start3A_9, %dma_start3A_10] : memref<32x128xi32, #tpu.memory_space<vmem>> -> memref<1x128xi32, #tpu.memory_space<vmem>>
    %dma_start3A_12 = tpu.memref_squeeze %dma_start3A_11 : memref<1x128xi32, #tpu.memory_space<vmem>> -> memref<128xi32, #tpu.memory_space<vmem>>
    %dma_start3A_13 = arith.constant 0 : i32
    %dma_start3A_14 = arith.constant 0 : i32
    %dma_start3A_15 = tpu.memref_slice %arg2[%dma_start3A_13, %dma_start3A_14] : memref<8192x128xf32, #tpu.memory_space<hbm>> -> memref<8192x128xf32, #tpu.memory_space<hbm>>
    tpu.enqueue_indirect_dma source(%dma_start3A_15 : memref<8192x128xf32, #tpu.memory_space<hbm>>) target(%arg7 : memref<128x128xf32, #tpu.memory_space<vmem>>) offsets(%dma_start3A_12 : memref<128xi32, #tpu.memory_space<vmem>>) semaphore(%arg9 : memref<!tpu.dma_semaphore, #tpu.memory_space<semaphore_mem>>)
    %scan3A = arith.constant 0 : i32
    %scan3A_16 = arith.constant 0 : i32
    %scan3A_17 = arith.constant 16 : i32
    %scan3A_18 = arith.addi %scan3A_16, %scan3A_17 : i32
    %scan3A_19 = arith.constant 1 : i32
    scf.for %scan3A_21 = %scan3A_16 to %scan3A_18 step %scan3A_19  : i32 {
      %mul3A_22 = arith.constant 2 : i32
      %mul3A_23 = arith.muli %mul3A_22, %scan3A_21 : i32
      %dma_wait3A = arith.constant 0 : i32
      %dma_wait3A_24 = tpu.memref_slice %arg5[%mul3A_23, %dma_wait3A] : memref<32x128xi32, #tpu.memory_space<vmem>> -> memref<1x128xi32, #tpu.memory_space<vmem>>
      %dma_wait3A_25 = tpu.memref_squeeze %dma_wait3A_24 : memref<1x128xi32, #tpu.memory_space<vmem>> -> memref<128xi32, #tpu.memory_space<vmem>>
      %dma_wait3A_26 = arith.constant 0 : i32
      %dma_wait3A_27 = arith.constant 0 : i32
      %dma_wait3A_28 = tpu.memref_slice %arg2[%dma_wait3A_26, %dma_wait3A_27] : memref<8192x128xf32, #tpu.memory_space<hbm>> -> memref<8192x128xf32, #tpu.memory_space<hbm>>
      tpu.wait_indirect_dma semaphore(%arg8 : memref<!tpu.dma_semaphore, #tpu.memory_space<semaphore_mem>>) src(%dma_wait3A_28 : memref<8192x128xf32, #tpu.memory_space<hbm>>) dst(%arg6 : memref<128x128xf32, #tpu.memory_space<vmem>>)
      %mul3A_29 = arith.constant 128 : i32
      %mul3A_30 = arith.muli %mul3A_23, %mul3A_29 : i32
      %add3A_31 = arith.addi %mul3A_2, %mul3A_30 : i32
      "tpu.region"() ({
        %run_scoped3A = tpu.sem_alloc : memref<!tpu.dma_semaphore, #tpu.memory_space<semaphore_mem>>
        %dma_start3A_56 = arith.constant 0 : i32
        %dma_start3A_57 = tpu.memref_slice %arg4[%add3A_31, %dma_start3A_56] : memref<131072x128xf32, #tpu.memory_space<hbm>> -> memref<128x128xf32, #tpu.memory_space<hbm>>
        %dma_start3A_58 = arith.constant 0 : i32
        %dma_start3A_59 = tpu.memref_slice %arg4[%add3A_31, %dma_start3A_58] : memref<131072x128xf32, #tpu.memory_space<hbm>> -> memref<128x128xf32, #tpu.memory_space<hbm>>
        tpu.enqueue_dma source(%arg6 : memref<128x128xf32, #tpu.memory_space<vmem>>) target(%dma_start3A_59 : memref<128x128xf32, #tpu.memory_space<hbm>>) target_semaphore(%run_scoped3A : memref<!tpu.dma_semaphore, #tpu.memory_space<semaphore_mem>>)
        %dma_wait3A_60 = arith.constant 0 : i32
        %dma_wait3A_61 = tpu.memref_slice %arg4[%add3A_31, %dma_wait3A_60] : memref<131072x128xf32, #tpu.memory_space<hbm>> -> memref<128x128xf32, #tpu.memory_space<hbm>>
        %dma_wait3A_62 = arith.constant 0 : i32
        %dma_wait3A_63 = tpu.memref_slice %arg4[%add3A_31, %dma_wait3A_62] : memref<131072x128xf32, #tpu.memory_space<hbm>> -> memref<128x128xf32, #tpu.memory_space<hbm>>
        tpu.wait_dma2 semaphore(%run_scoped3A : memref<!tpu.dma_semaphore, #tpu.memory_space<semaphore_mem>>) src(%arg6 : memref<128x128xf32, #tpu.memory_space<vmem>>) dst(%dma_wait3A_63 : memref<128x128xf32, #tpu.memory_space<hbm>>)
        tpu.yield
      }) : () -> ()
      %add3A_32 = arith.constant 2 : i32
      %add3A_33 = arith.addi %mul3A_23, %add3A_32 : i32
      %lt3A = arith.constant 32 : i32
      %lt3A_34 = arith.cmpi slt, %add3A_33, %lt3A : i32
      %convert_element_type3A = arith.extui %lt3A_34 : i1 to i32
      %cond3A = arith.constant 0 : i32
      %cond3A_35 = arith.cmpi ne, %convert_element_type3A, %cond3A : i32
      scf.if %cond3A_35 {
        %add3A_56 = arith.constant 2 : i32
        %add3A_57 = arith.addi %mul3A_23, %add3A_56 : i32
        %dma_start3A_58 = arith.constant 0 : i32
        %dma_start3A_59 = tpu.memref_slice %arg5[%add3A_57, %dma_start3A_58] : memref<32x128xi32, #tpu.memory_space<vmem>> -> memref<1x128xi32, #tpu.memory_space<vmem>>
        %dma_start3A_60 = tpu.memref_squeeze %dma_start3A_59 : memref<1x128xi32, #tpu.memory_space<vmem>> -> memref<128xi32, #tpu.memory_space<vmem>>
        %dma_start3A_61 = arith.constant 0 : i32
        %dma_start3A_62 = arith.constant 0 : i32
        %dma_start3A_63 = tpu.memref_slice %arg2[%dma_start3A_61, %dma_start3A_62] : memref<8192x128xf32, #tpu.memory_space<hbm>> -> memref<8192x128xf32, #tpu.memory_space<hbm>>
        tpu.enqueue_indirect_dma source(%dma_start3A_63 : memref<8192x128xf32, #tpu.memory_space<hbm>>) target(%arg6 : memref<128x128xf32, #tpu.memory_space<vmem>>) offsets(%dma_start3A_60 : memref<128xi32, #tpu.memory_space<vmem>>) semaphore(%arg8 : memref<!tpu.dma_semaphore, #tpu.memory_space<semaphore_mem>>)
      } else {
      }
      %add3A_36 = arith.constant 1 : i32
      %add3A_37 = arith.addi %mul3A_23, %add3A_36 : i32
      %dma_wait3A_38 = arith.constant 0 : i32
      %dma_wait3A_39 = tpu.memref_slice %arg5[%add3A_37, %dma_wait3A_38] : memref<32x128xi32, #tpu.memory_space<vmem>> -> memref<1x128xi32, #tpu.memory_space<vmem>>
      %dma_wait3A_40 = tpu.memref_squeeze %dma_wait3A_39 : memref<1x128xi32, #tpu.memory_space<vmem>> -> memref<128xi32, #tpu.memory_space<vmem>>
      %dma_wait3A_41 = arith.constant 0 : i32
      %dma_wait3A_42 = arith.constant 0 : i32
      %dma_wait3A_43 = tpu.memref_slice %arg2[%dma_wait3A_41, %dma_wait3A_42] : memref<8192x128xf32, #tpu.memory_space<hbm>> -> memref<8192x128xf32, #tpu.memory_space<hbm>>
      tpu.wait_indirect_dma semaphore(%arg9 : memref<!tpu.dma_semaphore, #tpu.memory_space<semaphore_mem>>) src(%dma_wait3A_43 : memref<8192x128xf32, #tpu.memory_space<hbm>>) dst(%arg7 : memref<128x128xf32, #tpu.memory_space<vmem>>)
      %add3A_44 = arith.constant 1 : i32
      %add3A_45 = arith.addi %mul3A_23, %add3A_44 : i32
      %mul3A_46 = arith.constant 128 : i32
      %mul3A_47 = arith.muli %add3A_45, %mul3A_46 : i32
      %add3A_48 = arith.addi %mul3A_2, %mul3A_47 : i32
      "tpu.region"() ({
        %run_scoped3A = tpu.sem_alloc : memref<!tpu.dma_semaphore, #tpu.memory_space<semaphore_mem>>
        %dma_start3A_56 = arith.constant 0 : i32
        %dma_start3A_57 = tpu.memref_slice %arg4[%add3A_48, %dma_start3A_56] : memref<131072x128xf32, #tpu.memory_space<hbm>> -> memref<128x128xf32, #tpu.memory_space<hbm>>
        %dma_start3A_58 = arith.constant 0 : i32
        %dma_start3A_59 = tpu.memref_slice %arg4[%add3A_48, %dma_start3A_58] : memref<131072x128xf32, #tpu.memory_space<hbm>> -> memref<128x128xf32, #tpu.memory_space<hbm>>
        tpu.enqueue_dma source(%arg7 : memref<128x128xf32, #tpu.memory_space<vmem>>) target(%dma_start3A_59 : memref<128x128xf32, #tpu.memory_space<hbm>>) target_semaphore(%run_scoped3A : memref<!tpu.dma_semaphore, #tpu.memory_space<semaphore_mem>>)
        %dma_wait3A_60 = arith.constant 0 : i32
        %dma_wait3A_61 = tpu.memref_slice %arg4[%add3A_48, %dma_wait3A_60] : memref<131072x128xf32, #tpu.memory_space<hbm>> -> memref<128x128xf32, #tpu.memory_space<hbm>>
        %dma_wait3A_62 = arith.constant 0 : i32
        %dma_wait3A_63 = tpu.memref_slice %arg4[%add3A_48, %dma_wait3A_62] : memref<131072x128xf32, #tpu.memory_space<hbm>> -> memref<128x128xf32, #tpu.memory_space<hbm>>
        tpu.wait_dma2 semaphore(%run_scoped3A : memref<!tpu.dma_semaphore, #tpu.memory_space<semaphore_mem>>) src(%arg7 : memref<128x128xf32, #tpu.memory_space<vmem>>) dst(%dma_wait3A_63 : memref<128x128xf32, #tpu.memory_space<hbm>>)
        tpu.yield
      }) : () -> ()
      %add3A_49 = arith.constant 3 : i32
      %add3A_50 = arith.addi %mul3A_23, %add3A_49 : i32
      %lt3A_51 = arith.constant 32 : i32
      %lt3A_52 = arith.cmpi slt, %add3A_50, %lt3A_51 : i32
      %convert_element_type3A_53 = arith.extui %lt3A_52 : i1 to i32
      %cond3A_54 = arith.constant 0 : i32
      %cond3A_55 = arith.cmpi ne, %convert_element_type3A_53, %cond3A_54 : i32
      scf.if %cond3A_55 {
        %add3A_56 = arith.constant 3 : i32
        %add3A_57 = arith.addi %mul3A_23, %add3A_56 : i32
        %dma_start3A_58 = arith.constant 0 : i32
        %dma_start3A_59 = tpu.memref_slice %arg5[%add3A_57, %dma_start3A_58] : memref<32x128xi32, #tpu.memory_space<vmem>> -> memref<1x128xi32, #tpu.memory_space<vmem>>
        %dma_start3A_60 = tpu.memref_squeeze %dma_start3A_59 : memref<1x128xi32, #tpu.memory_space<vmem>> -> memref<128xi32, #tpu.memory_space<vmem>>
        %dma_start3A_61 = arith.constant 0 : i32
        %dma_start3A_62 = arith.constant 0 : i32
        %dma_start3A_63 = tpu.memref_slice %arg2[%dma_start3A_61, %dma_start3A_62] : memref<8192x128xf32, #tpu.memory_space<hbm>> -> memref<8192x128xf32, #tpu.memory_space<hbm>>
        tpu.enqueue_indirect_dma source(%dma_start3A_63 : memref<8192x128xf32, #tpu.memory_space<hbm>>) target(%arg7 : memref<128x128xf32, #tpu.memory_space<vmem>>) offsets(%dma_start3A_60 : memref<128xi32, #tpu.memory_space<vmem>>) semaphore(%arg9 : memref<!tpu.dma_semaphore, #tpu.memory_space<semaphore_mem>>)
      } else {
      }
    }
    %scan3A_20 = arith.constant 16 : i32
    return
  }
}

module attributes {stable_mosaic.version = 14 : i64} {
  func.func @_prep_body(%arg0: i32, %arg1: i32, %arg2: memref<1x256x128xf32, #tpu.memory_space<vmem>>, %arg3: memref<1x128x2048xf32, #tpu.memory_space<vmem>>, %arg4: memref<1x256x256xf32, #tpu.memory_space<vmem>>, %arg5: memref<128x128xf32, #tpu.memory_space<vmem>>, %arg6: memref<256x256xf32, #tpu.memory_space<vmem>>, %arg7: memref<256x512xf32, #tpu.memory_space<vmem>>, %arg8: memref<1x256xf32, #tpu.memory_space<vmem>>, %arg9: memref<1x512xf32, #tpu.memory_space<vmem>>, %arg10: memref<1x256x16xi32, #tpu.memory_space<vmem>>, %arg11: memref<1x256x128xf32, #tpu.memory_space<vmem>>, %arg12: memref<1x256x256xf32, #tpu.memory_space<vmem>>, %arg13: memref<1x256x512xf32, #tpu.memory_space<vmem>>) attributes {dimension_semantics = [#tpu.dimension_semantics<arbitrary>, #tpu.dimension_semantics<arbitrary>], iteration_bounds = array<i64: 4, 8>, scalar_prefetch = 0 : i64, scratch_operands = 0 : i64, tpu.core_type = #tpu.core_type<tc>, window_params = [{transform_indices = @transform_0, window_bounds = array<i64: 1, 256, 128>}, {transform_indices = @transform_1, window_bounds = array<i64: 1, 128, 2048>}, {transform_indices = @transform_2, window_bounds = array<i64: 1, 256, 256>}, {pipeline_mode = #tpu.pipeline_mode<synchronous>, transform_indices = @transform_3, window_bounds = array<i64: 128, 128>}, {pipeline_mode = #tpu.pipeline_mode<synchronous>, transform_indices = @transform_4, window_bounds = array<i64: 256, 256>}, {pipeline_mode = #tpu.pipeline_mode<synchronous>, transform_indices = @transform_5, window_bounds = array<i64: 256, 512>}, {pipeline_mode = #tpu.pipeline_mode<synchronous>, transform_indices = @transform_6, window_bounds = array<i64: 1, 256>}, {pipeline_mode = #tpu.pipeline_mode<synchronous>, transform_indices = @transform_7, window_bounds = array<i64: 1, 512>}, {transform_indices = @transform_8, window_bounds = array<i64: 1, 256, 16>}, {transform_indices = @transform_9, window_bounds = array<i64: 1, 256, 128>}, {transform_indices = @transform_10, window_bounds = array<i64: 1, 256, 256>}, {transform_indices = @transform_11, window_bounds = array<i64: 1, 256, 512>}]} {
    %get3A = arith.constant 0 : index
    %get3A_0 = arith.constant 0 : index
    %get3A_1 = arith.constant 0 : index
    %get3A_2 = vector.load %arg2[%get3A, %get3A_0, %get3A_1] : memref<1x256x128xf32, #tpu.memory_space<vmem>>, vector<1x256x128xf32>
    %get3A_3 = vector.shape_cast %get3A_2 : vector<1x256x128xf32> to vector<256x128xf32>
    %get3A_4 = arith.constant 0 : index
    %get3A_5 = arith.constant 0 : index
    %get3A_6 = arith.constant 0 : index
    %get3A_7 = vector.load %arg3[%get3A_4, %get3A_5, %get3A_6] : memref<1x128x2048xf32, #tpu.memory_space<vmem>>, vector<1x128x2048xf32>
    %get3A_8 = vector.shape_cast %get3A_7 : vector<1x128x2048xf32> to vector<128x2048xf32>
    %dot_general3A = arith.constant dense<0.000000e+00> : vector<256x2048xf32>
    %dot_general3A_9 = tpu.matmul %get3A_3, %get3A_8, %dot_general3A {dimension_numbers = #tpu.dot_dimension_numbers<[1], [0], [0], [1], [0, 0, 1, 1], [], []>, transpose_lhs_hint = false} : vector<256x128xf32>, vector<128x2048xf32>, vector<256x2048xf32> -> vector<256x2048xf32>
    %mul3A = arith.mulf %get3A_8, %get3A_8 : vector<128x2048xf32>
    %reduce_sum3A = arith.constant dense<0.000000e+00> : vector<2048xf32>
    %reduce_sum3A_10 = vector.multi_reduction <add>, %mul3A, %reduce_sum3A [0] : vector<128x2048xf32> to vector<2048xf32>
    %broadcast_in_dim3A = vector.shape_cast %reduce_sum3A_10 : vector<2048xf32> to vector<1x2048xf32>
    %mul3A_11 = arith.mulf %get3A_3, %get3A_3 : vector<256x128xf32>
    %reduce_sum3A_12 = arith.constant dense<0.000000e+00> : vector<256xf32>
    %reduce_sum3A_13 = vector.multi_reduction <add>, %mul3A_11, %reduce_sum3A_12 [1] : vector<256x128xf32> to vector<256xf32>
    %broadcast_in_dim3A_14 = vector.shape_cast %reduce_sum3A_13 : vector<256xf32> to vector<256x1xf32>
    %mul3A_15 = arith.constant -2.000000e+00 : f32
    %mul3A_16 = vector.broadcast %mul3A_15 : f32 to vector<256x2048xf32>
    %mul3A_17 = arith.mulf %mul3A_16, %dot_general3A_9 : vector<256x2048xf32>
    %add3A = vector.broadcast %broadcast_in_dim3A_14 : vector<256x1xf32> to vector<256x2048xf32>
    %add3A_18 = arith.addf %mul3A_17, %add3A : vector<256x2048xf32>
    %add3A_19 = vector.broadcast %broadcast_in_dim3A : vector<1x2048xf32> to vector<256x2048xf32>
    %add3A_20 = arith.addf %add3A_18, %add3A_19 : vector<256x2048xf32>
    %iota3A = tpu.iota {dimensions = array<i32: 1>} : vector<256x2048xi32>
    %iota3A_21 = tpu.iota {dimensions = array<i32: 0>} : vector<256x2048xi32>
    %mul3A_22 = arith.constant 256 : i32
    %mul3A_23 = arith.muli %arg1, %mul3A_22 : i32
    %add3A_24 = vector.broadcast %mul3A_23 : i32 to vector<256x2048xi32>
    %add3A_25 = arith.addi %iota3A_21, %add3A_24 : vector<256x2048xi32>
    %eq3A = arith.cmpi eq, %iota3A, %add3A_25 : vector<256x2048xi32>
    %jit3A = arith.constant 1.000000e+30 : f32
    %broadcast_in_dim3A_26 = vector.broadcast %jit3A : f32 to vector<256x2048xf32>
    %select_n3A = arith.select %eq3A, %broadcast_in_dim3A_26, %add3A_20 : vector<256x2048xi1>, vector<256x2048xf32>
    %convert_element_type3A = arith.sitofp %iota3A : vector<256x2048xi32> to vector<256x2048xf32>
    %reduce_min3A = arith.constant dense<0x7F800000> : vector<256xf32>
    %reduce_min3A_27 = vector.multi_reduction <minimumf>, %select_n3A, %reduce_min3A [1] : vector<256x2048xf32> to vector<256xf32>
    %broadcast_in_dim3A_28 = vector.shape_cast %reduce_min3A_27 : vector<256xf32> to vector<256x1xf32>
    %eq3A_29 = vector.broadcast %broadcast_in_dim3A_28 : vector<256x1xf32> to vector<256x2048xf32>
    %eq3A_30 = arith.cmpf oeq, %select_n3A, %eq3A_29 : vector<256x2048xf32>
    %jit3A_31 = arith.constant 1.000000e+09 : f32
    %broadcast_in_dim3A_32 = vector.broadcast %jit3A_31 : f32 to vector<256x2048xf32>
    %select_n3A_33 = arith.select %eq3A_30, %convert_element_type3A, %broadcast_in_dim3A_32 : vector<256x2048xi1>, vector<256x2048xf32>
    %reduce_min3A_34 = arith.constant dense<0x7F800000> : vector<256xf32>
    %reduce_min3A_35 = vector.multi_reduction <minimumf>, %select_n3A_33, %reduce_min3A_34 [1] : vector<256x2048xf32> to vector<256xf32>
    %broadcast_in_dim3A_36 = vector.shape_cast %reduce_min3A_35 : vector<256xf32> to vector<256x1xf32>
    %convert_element_type3A_37 = arith.fptosi %broadcast_in_dim3A_36 : vector<256x1xf32> to vector<256x1xi32>
    %swap3A = arith.constant 0 : index
    %swap3A_38 = arith.constant 0 : index
    %swap3A_39 = arith.constant 0 : index
    %swap3A_40 = vector.load %arg10[%swap3A, %swap3A_38, %swap3A_39] : memref<1x256x16xi32, #tpu.memory_space<vmem>>, vector<1x256x1xi32>
    %swap3A_41 = vector.shape_cast %swap3A_40 : vector<1x256x1xi32> to vector<256x1xi32>
    %swap3A_42 = vector.shape_cast %convert_element_type3A_37 : vector<256x1xi32> to vector<1x256x1xi32>
    tpu.vector_store %arg10[%swap3A, %swap3A_38, %swap3A_39], %swap3A_42 {strides = array<i32>} : memref<1x256x16xi32, #tpu.memory_space<vmem>>, vector<1x256x1xi32>,
    %eq3A_43 = vector.broadcast %broadcast_in_dim3A_36 : vector<256x1xf32> to vector<256x2048xf32>
    %eq3A_44 = arith.cmpf oeq, %convert_element_type3A, %eq3A_43 : vector<256x2048xf32>
    %jit3A_45 = arith.constant 1.000000e+30 : f32
    %broadcast_in_dim3A_46 = vector.broadcast %jit3A_45 : f32 to vector<256x2048xf32>
    %select_n3A_47 = arith.select %eq3A_44, %broadcast_in_dim3A_46, %select_n3A : vector<256x2048xi1>, vector<256x2048xf32>
    %reduce_min3A_48 = arith.constant dense<0x7F800000> : vector<256xf32>
    %reduce_min3A_49 = vector.multi_reduction <minimumf>, %select_n3A_47, %reduce_min3A_48 [1] : vector<256x2048xf32> to vector<256xf32>
    %broadcast_in_dim3A_50 = vector.shape_cast %reduce_min3A_49 : vector<256xf32> to vector<256x1xf32>
    %eq3A_51 = vector.broadcast %broadcast_in_dim3A_50 : vector<256x1xf32> to vector<256x2048xf32>
    %eq3A_52 = arith.cmpf oeq, %select_n3A_47, %eq3A_51 : vector<256x2048xf32>
    %jit3A_53 = arith.constant 1.000000e+09 : f32
    %broadcast_in_dim3A_54 = vector.broadcast %jit3A_53 : f32 to vector<256x2048xf32>
    %select_n3A_55 = arith.select %eq3A_52, %convert_element_type3A, %broadcast_in_dim3A_54 : vector<256x2048xi1>, vector<256x2048xf32>
    %reduce_min3A_56 = arith.constant dense<0x7F800000> : vector<256xf32>
    %reduce_min3A_57 = vector.multi_reduction <minimumf>, %select_n3A_55, %reduce_min3A_56 [1] : vector<256x2048xf32> to vector<256xf32>
    %broadcast_in_dim3A_58 = vector.shape_cast %reduce_min3A_57 : vector<256xf32> to vector<256x1xf32>
    %convert_element_type3A_59 = arith.fptosi %broadcast_in_dim3A_58 : vector<256x1xf32> to vector<256x1xi32>
    %swap3A_60 = arith.constant 0 : index
    %swap3A_61 = arith.constant 0 : index
    %swap3A_62 = arith.constant 1 : index
    %swap3A_63 = vector.load %arg10[%swap3A_60, %swap3A_61, %swap3A_62] : memref<1x256x16xi32, #tpu.memory_space<vmem>>, vector<1x256x1xi32>
    %swap3A_64 = vector.shape_cast %swap3A_63 : vector<1x256x1xi32> to vector<256x1xi32>
    %swap3A_65 = vector.shape_cast %convert_element_type3A_59 : vector<256x1xi32> to vector<1x256x1xi32>
    tpu.vector_store %arg10[%swap3A_60, %swap3A_61, %swap3A_62], %swap3A_65 {strides = array<i32>} : memref<1x256x16xi32, #tpu.memory_space<vmem>>, vector<1x256x1xi32>,
    %eq3A_66 = vector.broadcast %broadcast_in_dim3A_58 : vector<256x1xf32> to vector<256x2048xf32>
    %eq3A_67 = arith.cmpf oeq, %convert_element_type3A, %eq3A_66 : vector<256x2048xf32>
    %jit3A_68 = arith.constant 1.000000e+30 : f32
    %broadcast_in_dim3A_69 = vector.broadcast %jit3A_68 : f32 to vector<256x2048xf32>
    %select_n3A_70 = arith.select %eq3A_67, %broadcast_in_dim3A_69, %select_n3A_47 : vector<256x2048xi1>, vector<256x2048xf32>
    %reduce_min3A_71 = arith.constant dense<0x7F800000> : vector<256xf32>
    %reduce_min3A_72 = vector.multi_reduction <minimumf>, %select_n3A_70, %reduce_min3A_71 [1] : vector<256x2048xf32> to vector<256xf32>
    %broadcast_in_dim3A_73 = vector.shape_cast %reduce_min3A_72 : vector<256xf32> to vector<256x1xf32>
    %eq3A_74 = vector.broadcast %broadcast_in_dim3A_73 : vector<256x1xf32> to vector<256x2048xf32>
    %eq3A_75 = arith.cmpf oeq, %select_n3A_70, %eq3A_74 : vector<256x2048xf32>
    %jit3A_76 = arith.constant 1.000000e+09 : f32
    %broadcast_in_dim3A_77 = vector.broadcast %jit3A_76 : f32 to vector<256x2048xf32>
    %select_n3A_78 = arith.select %eq3A_75, %convert_element_type3A, %broadcast_in_dim3A_77 : vector<256x2048xi1>, vector<256x2048xf32>
    %reduce_min3A_79 = arith.constant dense<0x7F800000> : vector<256xf32>
    %reduce_min3A_80 = vector.multi_reduction <minimumf>, %select_n3A_78, %reduce_min3A_79 [1] : vector<256x2048xf32> to vector<256xf32>
    %broadcast_in_dim3A_81 = vector.shape_cast %reduce_min3A_80 : vector<256xf32> to vector<256x1xf32>
    %convert_element_type3A_82 = arith.fptosi %broadcast_in_dim3A_81 : vector<256x1xf32> to vector<256x1xi32>
    %swap3A_83 = arith.constant 0 : index
    %swap3A_84 = arith.constant 0 : index
    %swap3A_85 = arith.constant 2 : index
    %swap3A_86 = vector.load %arg10[%swap3A_83, %swap3A_84, %swap3A_85] : memref<1x256x16xi32, #tpu.memory_space<vmem>>, vector<1x256x1xi32>
    %swap3A_87 = vector.shape_cast %swap3A_86 : vector<1x256x1xi32> to vector<256x1xi32>
    %swap3A_88 = vector.shape_cast %convert_element_type3A_82 : vector<256x1xi32> to vector<1x256x1xi32>
    tpu.vector_store %arg10[%swap3A_83, %swap3A_84, %swap3A_85], %swap3A_88 {strides = array<i32>} : memref<1x256x16xi32, #tpu.memory_space<vmem>>, vector<1x256x1xi32>,
    %eq3A_89 = vector.broadcast %broadcast_in_dim3A_81 : vector<256x1xf32> to vector<256x2048xf32>
    %eq3A_90 = arith.cmpf oeq, %convert_element_type3A, %eq3A_89 : vector<256x2048xf32>
    %jit3A_91 = arith.constant 1.000000e+30 : f32
    %broadcast_in_dim3A_92 = vector.broadcast %jit3A_91 : f32 to vector<256x2048xf32>
    %select_n3A_93 = arith.select %eq3A_90, %broadcast_in_dim3A_92, %select_n3A_70 : vector<256x2048xi1>, vector<256x2048xf32>
    %reduce_min3A_94 = arith.constant dense<0x7F800000> : vector<256xf32>
    %reduce_min3A_95 = vector.multi_reduction <minimumf>, %select_n3A_93, %reduce_min3A_94 [1] : vector<256x2048xf32> to vector<256xf32>
    %broadcast_in_dim3A_96 = vector.shape_cast %reduce_min3A_95 : vector<256xf32> to vector<256x1xf32>
    %eq3A_97 = vector.broadcast %broadcast_in_dim3A_96 : vector<256x1xf32> to vector<256x2048xf32>
    %eq3A_98 = arith.cmpf oeq, %select_n3A_93, %eq3A_97 : vector<256x2048xf32>
    %jit3A_99 = arith.constant 1.000000e+09 : f32
    %broadcast_in_dim3A_100 = vector.broadcast %jit3A_99 : f32 to vector<256x2048xf32>
    %select_n3A_101 = arith.select %eq3A_98, %convert_element_type3A, %broadcast_in_dim3A_100 : vector<256x2048xi1>, vector<256x2048xf32>
    %reduce_min3A_102 = arith.constant dense<0x7F800000> : vector<256xf32>
    %reduce_min3A_103 = vector.multi_reduction <minimumf>, %select_n3A_101, %reduce_min3A_102 [1] : vector<256x2048xf32> to vector<256xf32>
    %broadcast_in_dim3A_104 = vector.shape_cast %reduce_min3A_103 : vector<256xf32> to vector<256x1xf32>
    %convert_element_type3A_105 = arith.fptosi %broadcast_in_dim3A_104 : vector<256x1xf32> to vector<256x1xi32>
    %swap3A_106 = arith.constant 0 : index
    %swap3A_107 = arith.constant 0 : index
    %swap3A_108 = arith.constant 3 : index
    %swap3A_109 = vector.load %arg10[%swap3A_106, %swap3A_107, %swap3A_108] : memref<1x256x16xi32, #tpu.memory_space<vmem>>, vector<1x256x1xi32>
    %swap3A_110 = vector.shape_cast %swap3A_109 : vector<1x256x1xi32> to vector<256x1xi32>
    %swap3A_111 = vector.shape_cast %convert_element_type3A_105 : vector<256x1xi32> to vector<1x256x1xi32>
    tpu.vector_store %arg10[%swap3A_106, %swap3A_107, %swap3A_108], %swap3A_111 {strides = array<i32>} : memref<1x256x16xi32, #tpu.memory_space<vmem>>, vector<1x256x1xi32>,
    %eq3A_112 = vector.broadcast %broadcast_in_dim3A_104 : vector<256x1xf32> to vector<256x2048xf32>
    %eq3A_113 = arith.cmpf oeq, %convert_element_type3A, %eq3A_112 : vector<256x2048xf32>
    %jit3A_114 = arith.constant 1.000000e+30 : f32
    %broadcast_in_dim3A_115 = vector.broadcast %jit3A_114 : f32 to vector<256x2048xf32>
    %select_n3A_116 = arith.select %eq3A_113, %broadcast_in_dim3A_115, %select_n3A_93 : vector<256x2048xi1>, vector<256x2048xf32>
    %reduce_min3A_117 = arith.constant dense<0x7F800000> : vector<256xf32>
    %reduce_min3A_118 = vector.multi_reduction <minimumf>, %select_n3A_116, %reduce_min3A_117 [1] : vector<256x2048xf32> to vector<256xf32>
    %broadcast_in_dim3A_119 = vector.shape_cast %reduce_min3A_118 : vector<256xf32> to vector<256x1xf32>
    %eq3A_120 = vector.broadcast %broadcast_in_dim3A_119 : vector<256x1xf32> to vector<256x2048xf32>
    %eq3A_121 = arith.cmpf oeq, %select_n3A_116, %eq3A_120 : vector<256x2048xf32>
    %jit3A_122 = arith.constant 1.000000e+09 : f32
    %broadcast_in_dim3A_123 = vector.broadcast %jit3A_122 : f32 to vector<256x2048xf32>
    %select_n3A_124 = arith.select %eq3A_121, %convert_element_type3A, %broadcast_in_dim3A_123 : vector<256x2048xi1>, vector<256x2048xf32>
    %reduce_min3A_125 = arith.constant dense<0x7F800000> : vector<256xf32>
    %reduce_min3A_126 = vector.multi_reduction <minimumf>, %select_n3A_124, %reduce_min3A_125 [1] : vector<256x2048xf32> to vector<256xf32>
    %broadcast_in_dim3A_127 = vector.shape_cast %reduce_min3A_126 : vector<256xf32> to vector<256x1xf32>
    %convert_element_type3A_128 = arith.fptosi %broadcast_in_dim3A_127 : vector<256x1xf32> to vector<256x1xi32>
    %swap3A_129 = arith.constant 0 : index
    %swap3A_130 = arith.constant 0 : index
    %swap3A_131 = arith.constant 4 : index
    %swap3A_132 = vector.load %arg10[%swap3A_129, %swap3A_130, %swap3A_131] : memref<1x256x16xi32, #tpu.memory_space<vmem>>, vector<1x256x1xi32>
    %swap3A_133 = vector.shape_cast %swap3A_132 : vector<1x256x1xi32> to vector<256x1xi32>
    %swap3A_134 = vector.shape_cast %convert_element_type3A_128 : vector<256x1xi32> to vector<1x256x1xi32>
    tpu.vector_store %arg10[%swap3A_129, %swap3A_130, %swap3A_131], %swap3A_134 {strides = array<i32>} : memref<1x256x16xi32, #tpu.memory_space<vmem>>, vector<1x256x1xi32>,
    %eq3A_135 = vector.broadcast %broadcast_in_dim3A_127 : vector<256x1xf32> to vector<256x2048xf32>
    %eq3A_136 = arith.cmpf oeq, %convert_element_type3A, %eq3A_135 : vector<256x2048xf32>
    %jit3A_137 = arith.constant 1.000000e+30 : f32
    %broadcast_in_dim3A_138 = vector.broadcast %jit3A_137 : f32 to vector<256x2048xf32>
    %select_n3A_139 = arith.select %eq3A_136, %broadcast_in_dim3A_138, %select_n3A_116 : vector<256x2048xi1>, vector<256x2048xf32>
    %reduce_min3A_140 = arith.constant dense<0x7F800000> : vector<256xf32>
    %reduce_min3A_141 = vector.multi_reduction <minimumf>, %select_n3A_139, %reduce_min3A_140 [1] : vector<256x2048xf32> to vector<256xf32>
    %broadcast_in_dim3A_142 = vector.shape_cast %reduce_min3A_141 : vector<256xf32> to vector<256x1xf32>
    %eq3A_143 = vector.broadcast %broadcast_in_dim3A_142 : vector<256x1xf32> to vector<256x2048xf32>
    %eq3A_144 = arith.cmpf oeq, %select_n3A_139, %eq3A_143 : vector<256x2048xf32>
    %jit3A_145 = arith.constant 1.000000e+09 : f32
    %broadcast_in_dim3A_146 = vector.broadcast %jit3A_145 : f32 to vector<256x2048xf32>
    %select_n3A_147 = arith.select %eq3A_144, %convert_element_type3A, %broadcast_in_dim3A_146 : vector<256x2048xi1>, vector<256x2048xf32>
    %reduce_min3A_148 = arith.constant dense<0x7F800000> : vector<256xf32>
    %reduce_min3A_149 = vector.multi_reduction <minimumf>, %select_n3A_147, %reduce_min3A_148 [1] : vector<256x2048xf32> to vector<256xf32>
    %broadcast_in_dim3A_150 = vector.shape_cast %reduce_min3A_149 : vector<256xf32> to vector<256x1xf32>
    %convert_element_type3A_151 = arith.fptosi %broadcast_in_dim3A_150 : vector<256x1xf32> to vector<256x1xi32>
    %swap3A_152 = arith.constant 0 : index
    %swap3A_153 = arith.constant 0 : index
    %swap3A_154 = arith.constant 5 : index
    %swap3A_155 = vector.load %arg10[%swap3A_152, %swap3A_153, %swap3A_154] : memref<1x256x16xi32, #tpu.memory_space<vmem>>, vector<1x256x1xi32>
    %swap3A_156 = vector.shape_cast %swap3A_155 : vector<1x256x1xi32> to vector<256x1xi32>
    %swap3A_157 = vector.shape_cast %convert_element_type3A_151 : vector<256x1xi32> to vector<1x256x1xi32>
    tpu.vector_store %arg10[%swap3A_152, %swap3A_153, %swap3A_154], %swap3A_157 {strides = array<i32>} : memref<1x256x16xi32, #tpu.memory_space<vmem>>, vector<1x256x1xi32>,
    %eq3A_158 = vector.broadcast %broadcast_in_dim3A_150 : vector<256x1xf32> to vector<256x2048xf32>
    %eq3A_159 = arith.cmpf oeq, %convert_element_type3A, %eq3A_158 : vector<256x2048xf32>
    %jit3A_160 = arith.constant 1.000000e+30 : f32
    %broadcast_in_dim3A_161 = vector.broadcast %jit3A_160 : f32 to vector<256x2048xf32>
    %select_n3A_162 = arith.select %eq3A_159, %broadcast_in_dim3A_161, %select_n3A_139 : vector<256x2048xi1>, vector<256x2048xf32>
    %reduce_min3A_163 = arith.constant dense<0x7F800000> : vector<256xf32>
    %reduce_min3A_164 = vector.multi_reduction <minimumf>, %select_n3A_162, %reduce_min3A_163 [1] : vector<256x2048xf32> to vector<256xf32>
    %broadcast_in_dim3A_165 = vector.shape_cast %reduce_min3A_164 : vector<256xf32> to vector<256x1xf32>
    %eq3A_166 = vector.broadcast %broadcast_in_dim3A_165 : vector<256x1xf32> to vector<256x2048xf32>
    %eq3A_167 = arith.cmpf oeq, %select_n3A_162, %eq3A_166 : vector<256x2048xf32>
    %jit3A_168 = arith.constant 1.000000e+09 : f32
    %broadcast_in_dim3A_169 = vector.broadcast %jit3A_168 : f32 to vector<256x2048xf32>
    %select_n3A_170 = arith.select %eq3A_167, %convert_element_type3A, %broadcast_in_dim3A_169 : vector<256x2048xi1>, vector<256x2048xf32>
    %reduce_min3A_171 = arith.constant dense<0x7F800000> : vector<256xf32>
    %reduce_min3A_172 = vector.multi_reduction <minimumf>, %select_n3A_170, %reduce_min3A_171 [1] : vector<256x2048xf32> to vector<256xf32>
    %broadcast_in_dim3A_173 = vector.shape_cast %reduce_min3A_172 : vector<256xf32> to vector<256x1xf32>
    %convert_element_type3A_174 = arith.fptosi %broadcast_in_dim3A_173 : vector<256x1xf32> to vector<256x1xi32>
    %swap3A_175 = arith.constant 0 : index
    %swap3A_176 = arith.constant 0 : index
    %swap3A_177 = arith.constant 6 : index
    %swap3A_178 = vector.load %arg10[%swap3A_175, %swap3A_176, %swap3A_177] : memref<1x256x16xi32, #tpu.memory_space<vmem>>, vector<1x256x1xi32>
    %swap3A_179 = vector.shape_cast %swap3A_178 : vector<1x256x1xi32> to vector<256x1xi32>
    %swap3A_180 = vector.shape_cast %convert_element_type3A_174 : vector<256x1xi32> to vector<1x256x1xi32>
    tpu.vector_store %arg10[%swap3A_175, %swap3A_176, %swap3A_177], %swap3A_180 {strides = array<i32>} : memref<1x256x16xi32, #tpu.memory_space<vmem>>, vector<1x256x1xi32>,
    %eq3A_181 = vector.broadcast %broadcast_in_dim3A_173 : vector<256x1xf32> to vector<256x2048xf32>
    %eq3A_182 = arith.cmpf oeq, %convert_element_type3A, %eq3A_181 : vector<256x2048xf32>
    %jit3A_183 = arith.constant 1.000000e+30 : f32
    %broadcast_in_dim3A_184 = vector.broadcast %jit3A_183 : f32 to vector<256x2048xf32>
    %select_n3A_185 = arith.select %eq3A_182, %broadcast_in_dim3A_184, %select_n3A_162 : vector<256x2048xi1>, vector<256x2048xf32>
    %reduce_min3A_186 = arith.constant dense<0x7F800000> : vector<256xf32>
    %reduce_min3A_187 = vector.multi_reduction <minimumf>, %select_n3A_185, %reduce_min3A_186 [1] : vector<256x2048xf32> to vector<256xf32>
    %broadcast_in_dim3A_188 = vector.shape_cast %reduce_min3A_187 : vector<256xf32> to vector<256x1xf32>
    %eq3A_189 = vector.broadcast %broadcast_in_dim3A_188 : vector<256x1xf32> to vector<256x2048xf32>
    %eq3A_190 = arith.cmpf oeq, %select_n3A_185, %eq3A_189 : vector<256x2048xf32>
    %jit3A_191 = arith.constant 1.000000e+09 : f32
    %broadcast_in_dim3A_192 = vector.broadcast %jit3A_191 : f32 to vector<256x2048xf32>
    %select_n3A_193 = arith.select %eq3A_190, %convert_element_type3A, %broadcast_in_dim3A_192 : vector<256x2048xi1>, vector<256x2048xf32>
    %reduce_min3A_194 = arith.constant dense<0x7F800000> : vector<256xf32>
    %reduce_min3A_195 = vector.multi_reduction <minimumf>, %select_n3A_193, %reduce_min3A_194 [1] : vector<256x2048xf32> to vector<256xf32>
    %broadcast_in_dim3A_196 = vector.shape_cast %reduce_min3A_195 : vector<256xf32> to vector<256x1xf32>
    %convert_element_type3A_197 = arith.fptosi %broadcast_in_dim3A_196 : vector<256x1xf32> to vector<256x1xi32>
    %swap3A_198 = arith.constant 0 : index
    %swap3A_199 = arith.constant 0 : index
    %swap3A_200 = arith.constant 7 : index
    %swap3A_201 = vector.load %arg10[%swap3A_198, %swap3A_199, %swap3A_200] : memref<1x256x16xi32, #tpu.memory_space<vmem>>, vector<1x256x1xi32>
    %swap3A_202 = vector.shape_cast %swap3A_201 : vector<1x256x1xi32> to vector<256x1xi32>
    %swap3A_203 = vector.shape_cast %convert_element_type3A_197 : vector<256x1xi32> to vector<1x256x1xi32>
    tpu.vector_store %arg10[%swap3A_198, %swap3A_199, %swap3A_200], %swap3A_203 {strides = array<i32>} : memref<1x256x16xi32, #tpu.memory_space<vmem>>, vector<1x256x1xi32>,
    %eq3A_204 = vector.broadcast %broadcast_in_dim3A_196 : vector<256x1xf32> to vector<256x2048xf32>
    %eq3A_205 = arith.cmpf oeq, %convert_element_type3A, %eq3A_204 : vector<256x2048xf32>
    %jit3A_206 = arith.constant 1.000000e+30 : f32
    %broadcast_in_dim3A_207 = vector.broadcast %jit3A_206 : f32 to vector<256x2048xf32>
    %select_n3A_208 = arith.select %eq3A_205, %broadcast_in_dim3A_207, %select_n3A_185 : vector<256x2048xi1>, vector<256x2048xf32>
    %reduce_min3A_209 = arith.constant dense<0x7F800000> : vector<256xf32>
    %reduce_min3A_210 = vector.multi_reduction <minimumf>, %select_n3A_208, %reduce_min3A_209 [1] : vector<256x2048xf32> to vector<256xf32>
    %broadcast_in_dim3A_211 = vector.shape_cast %reduce_min3A_210 : vector<256xf32> to vector<256x1xf32>
    %eq3A_212 = vector.broadcast %broadcast_in_dim3A_211 : vector<256x1xf32> to vector<256x2048xf32>
    %eq3A_213 = arith.cmpf oeq, %select_n3A_208, %eq3A_212 : vector<256x2048xf32>
    %jit3A_214 = arith.constant 1.000000e+09 : f32
    %broadcast_in_dim3A_215 = vector.broadcast %jit3A_214 : f32 to vector<256x2048xf32>
    %select_n3A_216 = arith.select %eq3A_213, %convert_element_type3A, %broadcast_in_dim3A_215 : vector<256x2048xi1>, vector<256x2048xf32>
    %reduce_min3A_217 = arith.constant dense<0x7F800000> : vector<256xf32>
    %reduce_min3A_218 = vector.multi_reduction <minimumf>, %select_n3A_216, %reduce_min3A_217 [1] : vector<256x2048xf32> to vector<256xf32>
    %broadcast_in_dim3A_219 = vector.shape_cast %reduce_min3A_218 : vector<256xf32> to vector<256x1xf32>
    %convert_element_type3A_220 = arith.fptosi %broadcast_in_dim3A_219 : vector<256x1xf32> to vector<256x1xi32>
    %swap3A_221 = arith.constant 0 : index
    %swap3A_222 = arith.constant 0 : index
    %swap3A_223 = arith.constant 8 : index
    %swap3A_224 = vector.load %arg10[%swap3A_221, %swap3A_222, %swap3A_223] : memref<1x256x16xi32, #tpu.memory_space<vmem>>, vector<1x256x1xi32>
    %swap3A_225 = vector.shape_cast %swap3A_224 : vector<1x256x1xi32> to vector<256x1xi32>
    %swap3A_226 = vector.shape_cast %convert_element_type3A_220 : vector<256x1xi32> to vector<1x256x1xi32>
    tpu.vector_store %arg10[%swap3A_221, %swap3A_222, %swap3A_223], %swap3A_226 {strides = array<i32>} : memref<1x256x16xi32, #tpu.memory_space<vmem>>, vector<1x256x1xi32>,
    %eq3A_227 = vector.broadcast %broadcast_in_dim3A_219 : vector<256x1xf32> to vector<256x2048xf32>
    %eq3A_228 = arith.cmpf oeq, %convert_element_type3A, %eq3A_227 : vector<256x2048xf32>
    %jit3A_229 = arith.constant 1.000000e+30 : f32
    %broadcast_in_dim3A_230 = vector.broadcast %jit3A_229 : f32 to vector<256x2048xf32>
    %select_n3A_231 = arith.select %eq3A_228, %broadcast_in_dim3A_230, %select_n3A_208 : vector<256x2048xi1>, vector<256x2048xf32>
    %reduce_min3A_232 = arith.constant dense<0x7F800000> : vector<256xf32>
    %reduce_min3A_233 = vector.multi_reduction <minimumf>, %select_n3A_231, %reduce_min3A_232 [1] : vector<256x2048xf32> to vector<256xf32>
    %broadcast_in_dim3A_234 = vector.shape_cast %reduce_min3A_233 : vector<256xf32> to vector<256x1xf32>
    %eq3A_235 = vector.broadcast %broadcast_in_dim3A_234 : vector<256x1xf32> to vector<256x2048xf32>
    %eq3A_236 = arith.cmpf oeq, %select_n3A_231, %eq3A_235 : vector<256x2048xf32>
    %jit3A_237 = arith.constant 1.000000e+09 : f32
    %broadcast_in_dim3A_238 = vector.broadcast %jit3A_237 : f32 to vector<256x2048xf32>
    %select_n3A_239 = arith.select %eq3A_236, %convert_element_type3A, %broadcast_in_dim3A_238 : vector<256x2048xi1>, vector<256x2048xf32>
    %reduce_min3A_240 = arith.constant dense<0x7F800000> : vector<256xf32>
    %reduce_min3A_241 = vector.multi_reduction <minimumf>, %select_n3A_239, %reduce_min3A_240 [1] : vector<256x2048xf32> to vector<256xf32>
    %broadcast_in_dim3A_242 = vector.shape_cast %reduce_min3A_241 : vector<256xf32> to vector<256x1xf32>
    %convert_element_type3A_243 = arith.fptosi %broadcast_in_dim3A_242 : vector<256x1xf32> to vector<256x1xi32>
    %swap3A_244 = arith.constant 0 : index
    %swap3A_245 = arith.constant 0 : index
    %swap3A_246 = arith.constant 9 : index
    %swap3A_247 = vector.load %arg10[%swap3A_244, %swap3A_245, %swap3A_246] : memref<1x256x16xi32, #tpu.memory_space<vmem>>, vector<1x256x1xi32>
    %swap3A_248 = vector.shape_cast %swap3A_247 : vector<1x256x1xi32> to vector<256x1xi32>
    %swap3A_249 = vector.shape_cast %convert_element_type3A_243 : vector<256x1xi32> to vector<1x256x1xi32>
    tpu.vector_store %arg10[%swap3A_244, %swap3A_245, %swap3A_246], %swap3A_249 {strides = array<i32>} : memref<1x256x16xi32, #tpu.memory_space<vmem>>, vector<1x256x1xi32>,
    %eq3A_250 = vector.broadcast %broadcast_in_dim3A_242 : vector<256x1xf32> to vector<256x2048xf32>
    %eq3A_251 = arith.cmpf oeq, %convert_element_type3A, %eq3A_250 : vector<256x2048xf32>
    %jit3A_252 = arith.constant 1.000000e+30 : f32
    %broadcast_in_dim3A_253 = vector.broadcast %jit3A_252 : f32 to vector<256x2048xf32>
    %select_n3A_254 = arith.select %eq3A_251, %broadcast_in_dim3A_253, %select_n3A_231 : vector<256x2048xi1>, vector<256x2048xf32>
    %reduce_min3A_255 = arith.constant dense<0x7F800000> : vector<256xf32>
    %reduce_min3A_256 = vector.multi_reduction <minimumf>, %select_n3A_254, %reduce_min3A_255 [1] : vector<256x2048xf32> to vector<256xf32>
    %broadcast_in_dim3A_257 = vector.shape_cast %reduce_min3A_256 : vector<256xf32> to vector<256x1xf32>
    %eq3A_258 = vector.broadcast %broadcast_in_dim3A_257 : vector<256x1xf32> to vector<256x2048xf32>
    %eq3A_259 = arith.cmpf oeq, %select_n3A_254, %eq3A_258 : vector<256x2048xf32>
    %jit3A_260 = arith.constant 1.000000e+09 : f32
    %broadcast_in_dim3A_261 = vector.broadcast %jit3A_260 : f32 to vector<256x2048xf32>
    %select_n3A_262 = arith.select %eq3A_259, %convert_element_type3A, %broadcast_in_dim3A_261 : vector<256x2048xi1>, vector<256x2048xf32>
    %reduce_min3A_263 = arith.constant dense<0x7F800000> : vector<256xf32>
    %reduce_min3A_264 = vector.multi_reduction <minimumf>, %select_n3A_262, %reduce_min3A_263 [1] : vector<256x2048xf32> to vector<256xf32>
    %broadcast_in_dim3A_265 = vector.shape_cast %reduce_min3A_264 : vector<256xf32> to vector<256x1xf32>
    %convert_element_type3A_266 = arith.fptosi %broadcast_in_dim3A_265 : vector<256x1xf32> to vector<256x1xi32>
    %swap3A_267 = arith.constant 0 : index
    %swap3A_268 = arith.constant 0 : index
    %swap3A_269 = arith.constant 10 : index
    %swap3A_270 = vector.load %arg10[%swap3A_267, %swap3A_268, %swap3A_269] : memref<1x256x16xi32, #tpu.memory_space<vmem>>, vector<1x256x1xi32>
    %swap3A_271 = vector.shape_cast %swap3A_270 : vector<1x256x1xi32> to vector<256x1xi32>
    %swap3A_272 = vector.shape_cast %convert_element_type3A_266 : vector<256x1xi32> to vector<1x256x1xi32>
    tpu.vector_store %arg10[%swap3A_267, %swap3A_268, %swap3A_269], %swap3A_272 {strides = array<i32>} : memref<1x256x16xi32, #tpu.memory_space<vmem>>, vector<1x256x1xi32>,
    %eq3A_273 = vector.broadcast %broadcast_in_dim3A_265 : vector<256x1xf32> to vector<256x2048xf32>
    %eq3A_274 = arith.cmpf oeq, %convert_element_type3A, %eq3A_273 : vector<256x2048xf32>
    %jit3A_275 = arith.constant 1.000000e+30 : f32
    %broadcast_in_dim3A_276 = vector.broadcast %jit3A_275 : f32 to vector<256x2048xf32>
    %select_n3A_277 = arith.select %eq3A_274, %broadcast_in_dim3A_276, %select_n3A_254 : vector<256x2048xi1>, vector<256x2048xf32>
    %reduce_min3A_278 = arith.constant dense<0x7F800000> : vector<256xf32>
    %reduce_min3A_279 = vector.multi_reduction <minimumf>, %select_n3A_277, %reduce_min3A_278 [1] : vector<256x2048xf32> to vector<256xf32>
    %broadcast_in_dim3A_280 = vector.shape_cast %reduce_min3A_279 : vector<256xf32> to vector<256x1xf32>
    %eq3A_281 = vector.broadcast %broadcast_in_dim3A_280 : vector<256x1xf32> to vector<256x2048xf32>
    %eq3A_282 = arith.cmpf oeq, %select_n3A_277, %eq3A_281 : vector<256x2048xf32>
    %jit3A_283 = arith.constant 1.000000e+09 : f32
    %broadcast_in_dim3A_284 = vector.broadcast %jit3A_283 : f32 to vector<256x2048xf32>
    %select_n3A_285 = arith.select %eq3A_282, %convert_element_type3A, %broadcast_in_dim3A_284 : vector<256x2048xi1>, vector<256x2048xf32>
    %reduce_min3A_286 = arith.constant dense<0x7F800000> : vector<256xf32>
    %reduce_min3A_287 = vector.multi_reduction <minimumf>, %select_n3A_285, %reduce_min3A_286 [1] : vector<256x2048xf32> to vector<256xf32>
    %broadcast_in_dim3A_288 = vector.shape_cast %reduce_min3A_287 : vector<256xf32> to vector<256x1xf32>
    %convert_element_type3A_289 = arith.fptosi %broadcast_in_dim3A_288 : vector<256x1xf32> to vector<256x1xi32>
    %swap3A_290 = arith.constant 0 : index
    %swap3A_291 = arith.constant 0 : index
    %swap3A_292 = arith.constant 11 : index
    %swap3A_293 = vector.load %arg10[%swap3A_290, %swap3A_291, %swap3A_292] : memref<1x256x16xi32, #tpu.memory_space<vmem>>, vector<1x256x1xi32>
    %swap3A_294 = vector.shape_cast %swap3A_293 : vector<1x256x1xi32> to vector<256x1xi32>
    %swap3A_295 = vector.shape_cast %convert_element_type3A_289 : vector<256x1xi32> to vector<1x256x1xi32>
    tpu.vector_store %arg10[%swap3A_290, %swap3A_291, %swap3A_292], %swap3A_295 {strides = array<i32>} : memref<1x256x16xi32, #tpu.memory_space<vmem>>, vector<1x256x1xi32>,
    %eq3A_296 = vector.broadcast %broadcast_in_dim3A_288 : vector<256x1xf32> to vector<256x2048xf32>
    %eq3A_297 = arith.cmpf oeq, %convert_element_type3A, %eq3A_296 : vector<256x2048xf32>
    %jit3A_298 = arith.constant 1.000000e+30 : f32
    %broadcast_in_dim3A_299 = vector.broadcast %jit3A_298 : f32 to vector<256x2048xf32>
    %select_n3A_300 = arith.select %eq3A_297, %broadcast_in_dim3A_299, %select_n3A_277 : vector<256x2048xi1>, vector<256x2048xf32>
    %reduce_min3A_301 = arith.constant dense<0x7F800000> : vector<256xf32>
    %reduce_min3A_302 = vector.multi_reduction <minimumf>, %select_n3A_300, %reduce_min3A_301 [1] : vector<256x2048xf32> to vector<256xf32>
    %broadcast_in_dim3A_303 = vector.shape_cast %reduce_min3A_302 : vector<256xf32> to vector<256x1xf32>
    %eq3A_304 = vector.broadcast %broadcast_in_dim3A_303 : vector<256x1xf32> to vector<256x2048xf32>
    %eq3A_305 = arith.cmpf oeq, %select_n3A_300, %eq3A_304 : vector<256x2048xf32>
    %jit3A_306 = arith.constant 1.000000e+09 : f32
    %broadcast_in_dim3A_307 = vector.broadcast %jit3A_306 : f32 to vector<256x2048xf32>
    %select_n3A_308 = arith.select %eq3A_305, %convert_element_type3A, %broadcast_in_dim3A_307 : vector<256x2048xi1>, vector<256x2048xf32>
    %reduce_min3A_309 = arith.constant dense<0x7F800000> : vector<256xf32>
    %reduce_min3A_310 = vector.multi_reduction <minimumf>, %select_n3A_308, %reduce_min3A_309 [1] : vector<256x2048xf32> to vector<256xf32>
    %broadcast_in_dim3A_311 = vector.shape_cast %reduce_min3A_310 : vector<256xf32> to vector<256x1xf32>
    %convert_element_type3A_312 = arith.fptosi %broadcast_in_dim3A_311 : vector<256x1xf32> to vector<256x1xi32>
    %swap3A_313 = arith.constant 0 : index
    %swap3A_314 = arith.constant 0 : index
    %swap3A_315 = arith.constant 12 : index
    %swap3A_316 = vector.load %arg10[%swap3A_313, %swap3A_314, %swap3A_315] : memref<1x256x16xi32, #tpu.memory_space<vmem>>, vector<1x256x1xi32>
    %swap3A_317 = vector.shape_cast %swap3A_316 : vector<1x256x1xi32> to vector<256x1xi32>
    %swap3A_318 = vector.shape_cast %convert_element_type3A_312 : vector<256x1xi32> to vector<1x256x1xi32>
    tpu.vector_store %arg10[%swap3A_313, %swap3A_314, %swap3A_315], %swap3A_318 {strides = array<i32>} : memref<1x256x16xi32, #tpu.memory_space<vmem>>, vector<1x256x1xi32>,
    %eq3A_319 = vector.broadcast %broadcast_in_dim3A_311 : vector<256x1xf32> to vector<256x2048xf32>
    %eq3A_320 = arith.cmpf oeq, %convert_element_type3A, %eq3A_319 : vector<256x2048xf32>
    %jit3A_321 = arith.constant 1.000000e+30 : f32
    %broadcast_in_dim3A_322 = vector.broadcast %jit3A_321 : f32 to vector<256x2048xf32>
    %select_n3A_323 = arith.select %eq3A_320, %broadcast_in_dim3A_322, %select_n3A_300 : vector<256x2048xi1>, vector<256x2048xf32>
    %reduce_min3A_324 = arith.constant dense<0x7F800000> : vector<256xf32>
    %reduce_min3A_325 = vector.multi_reduction <minimumf>, %select_n3A_323, %reduce_min3A_324 [1] : vector<256x2048xf32> to vector<256xf32>
    %broadcast_in_dim3A_326 = vector.shape_cast %reduce_min3A_325 : vector<256xf32> to vector<256x1xf32>
    %eq3A_327 = vector.broadcast %broadcast_in_dim3A_326 : vector<256x1xf32> to vector<256x2048xf32>
    %eq3A_328 = arith.cmpf oeq, %select_n3A_323, %eq3A_327 : vector<256x2048xf32>
    %jit3A_329 = arith.constant 1.000000e+09 : f32
    %broadcast_in_dim3A_330 = vector.broadcast %jit3A_329 : f32 to vector<256x2048xf32>
    %select_n3A_331 = arith.select %eq3A_328, %convert_element_type3A, %broadcast_in_dim3A_330 : vector<256x2048xi1>, vector<256x2048xf32>
    %reduce_min3A_332 = arith.constant dense<0x7F800000> : vector<256xf32>
    %reduce_min3A_333 = vector.multi_reduction <minimumf>, %select_n3A_331, %reduce_min3A_332 [1] : vector<256x2048xf32> to vector<256xf32>
    %broadcast_in_dim3A_334 = vector.shape_cast %reduce_min3A_333 : vector<256xf32> to vector<256x1xf32>
    %convert_element_type3A_335 = arith.fptosi %broadcast_in_dim3A_334 : vector<256x1xf32> to vector<256x1xi32>
    %swap3A_336 = arith.constant 0 : index
    %swap3A_337 = arith.constant 0 : index
    %swap3A_338 = arith.constant 13 : index
    %swap3A_339 = vector.load %arg10[%swap3A_336, %swap3A_337, %swap3A_338] : memref<1x256x16xi32, #tpu.memory_space<vmem>>, vector<1x256x1xi32>
    %swap3A_340 = vector.shape_cast %swap3A_339 : vector<1x256x1xi32> to vector<256x1xi32>
    %swap3A_341 = vector.shape_cast %convert_element_type3A_335 : vector<256x1xi32> to vector<1x256x1xi32>
    tpu.vector_store %arg10[%swap3A_336, %swap3A_337, %swap3A_338], %swap3A_341 {strides = array<i32>} : memref<1x256x16xi32, #tpu.memory_space<vmem>>, vector<1x256x1xi32>,
    %eq3A_342 = vector.broadcast %broadcast_in_dim3A_334 : vector<256x1xf32> to vector<256x2048xf32>
    %eq3A_343 = arith.cmpf oeq, %convert_element_type3A, %eq3A_342 : vector<256x2048xf32>
    %jit3A_344 = arith.constant 1.000000e+30 : f32
    %broadcast_in_dim3A_345 = vector.broadcast %jit3A_344 : f32 to vector<256x2048xf32>
    %select_n3A_346 = arith.select %eq3A_343, %broadcast_in_dim3A_345, %select_n3A_323 : vector<256x2048xi1>, vector<256x2048xf32>
    %reduce_min3A_347 = arith.constant dense<0x7F800000> : vector<256xf32>
    %reduce_min3A_348 = vector.multi_reduction <minimumf>, %select_n3A_346, %reduce_min3A_347 [1] : vector<256x2048xf32> to vector<256xf32>
    %broadcast_in_dim3A_349 = vector.shape_cast %reduce_min3A_348 : vector<256xf32> to vector<256x1xf32>
    %eq3A_350 = vector.broadcast %broadcast_in_dim3A_349 : vector<256x1xf32> to vector<256x2048xf32>
    %eq3A_351 = arith.cmpf oeq, %select_n3A_346, %eq3A_350 : vector<256x2048xf32>
    %jit3A_352 = arith.constant 1.000000e+09 : f32
    %broadcast_in_dim3A_353 = vector.broadcast %jit3A_352 : f32 to vector<256x2048xf32>
    %select_n3A_354 = arith.select %eq3A_351, %convert_element_type3A, %broadcast_in_dim3A_353 : vector<256x2048xi1>, vector<256x2048xf32>
    %reduce_min3A_355 = arith.constant dense<0x7F800000> : vector<256xf32>
    %reduce_min3A_356 = vector.multi_reduction <minimumf>, %select_n3A_354, %reduce_min3A_355 [1] : vector<256x2048xf32> to vector<256xf32>
    %broadcast_in_dim3A_357 = vector.shape_cast %reduce_min3A_356 : vector<256xf32> to vector<256x1xf32>
    %convert_element_type3A_358 = arith.fptosi %broadcast_in_dim3A_357 : vector<256x1xf32> to vector<256x1xi32>
    %swap3A_359 = arith.constant 0 : index
    %swap3A_360 = arith.constant 0 : index
    %swap3A_361 = arith.constant 14 : index
    %swap3A_362 = vector.load %arg10[%swap3A_359, %swap3A_360, %swap3A_361] : memref<1x256x16xi32, #tpu.memory_space<vmem>>, vector<1x256x1xi32>
    %swap3A_363 = vector.shape_cast %swap3A_362 : vector<1x256x1xi32> to vector<256x1xi32>
    %swap3A_364 = vector.shape_cast %convert_element_type3A_358 : vector<256x1xi32> to vector<1x256x1xi32>
    tpu.vector_store %arg10[%swap3A_359, %swap3A_360, %swap3A_361], %swap3A_364 {strides = array<i32>} : memref<1x256x16xi32, #tpu.memory_space<vmem>>, vector<1x256x1xi32>,
    %eq3A_365 = vector.broadcast %broadcast_in_dim3A_357 : vector<256x1xf32> to vector<256x2048xf32>
    %eq3A_366 = arith.cmpf oeq, %convert_element_type3A, %eq3A_365 : vector<256x2048xf32>
    %jit3A_367 = arith.constant 1.000000e+30 : f32
    %broadcast_in_dim3A_368 = vector.broadcast %jit3A_367 : f32 to vector<256x2048xf32>
    %select_n3A_369 = arith.select %eq3A_366, %broadcast_in_dim3A_368, %select_n3A_346 : vector<256x2048xi1>, vector<256x2048xf32>
    %reduce_min3A_370 = arith.constant dense<0x7F800000> : vector<256xf32>
    %reduce_min3A_371 = vector.multi_reduction <minimumf>, %select_n3A_369, %reduce_min3A_370 [1] : vector<256x2048xf32> to vector<256xf32>
    %broadcast_in_dim3A_372 = vector.shape_cast %reduce_min3A_371 : vector<256xf32> to vector<256x1xf32>
    %eq3A_373 = vector.broadcast %broadcast_in_dim3A_372 : vector<256x1xf32> to vector<256x2048xf32>
    %eq3A_374 = arith.cmpf oeq, %select_n3A_369, %eq3A_373 : vector<256x2048xf32>
    %jit3A_375 = arith.constant 1.000000e+09 : f32
    %broadcast_in_dim3A_376 = vector.broadcast %jit3A_375 : f32 to vector<256x2048xf32>
    %select_n3A_377 = arith.select %eq3A_374, %convert_element_type3A, %broadcast_in_dim3A_376 : vector<256x2048xi1>, vector<256x2048xf32>
    %reduce_min3A_378 = arith.constant dense<0x7F800000> : vector<256xf32>
    %reduce_min3A_379 = vector.multi_reduction <minimumf>, %select_n3A_377, %reduce_min3A_378 [1] : vector<256x2048xf32> to vector<256xf32>
    %broadcast_in_dim3A_380 = vector.shape_cast %reduce_min3A_379 : vector<256xf32> to vector<256x1xf32>
    %convert_element_type3A_381 = arith.fptosi %broadcast_in_dim3A_380 : vector<256x1xf32> to vector<256x1xi32>
    %swap3A_382 = arith.constant 0 : index
    %swap3A_383 = arith.constant 0 : index
    %swap3A_384 = arith.constant 15 : index
    %swap3A_385 = vector.load %arg10[%swap3A_382, %swap3A_383, %swap3A_384] : memref<1x256x16xi32, #tpu.memory_space<vmem>>, vector<1x256x1xi32>
    %swap3A_386 = vector.shape_cast %swap3A_385 : vector<1x256x1xi32> to vector<256x1xi32>
    %swap3A_387 = vector.shape_cast %convert_element_type3A_381 : vector<256x1xi32> to vector<1x256x1xi32>
    tpu.vector_store %arg10[%swap3A_382, %swap3A_383, %swap3A_384], %swap3A_387 {strides = array<i32>} : memref<1x256x16xi32, #tpu.memory_space<vmem>>, vector<1x256x1xi32>,
    %get3A_388 = arith.constant 0 : index
    %get3A_389 = arith.constant 0 : index
    %get3A_390 = vector.load %arg5[%get3A_388, %get3A_389] : memref<128x128xf32, #tpu.memory_space<vmem>>, vector<128x128xf32>
    %dot_general3A_391 = arith.constant dense<0.000000e+00> : vector<256x128xf32>
    %dot_general3A_392 = tpu.matmul %get3A_3, %get3A_390, %dot_general3A_391 {dimension_numbers = #tpu.dot_dimension_numbers<[1], [0], [0], [1], [0, 0, 1, 1], [], []>, transpose_lhs_hint = false} : vector<256x128xf32>, vector<128x128xf32>, vector<256x128xf32> -> vector<256x128xf32>
    %swap3A_393 = arith.constant 0 : index
    %swap3A_394 = arith.constant 0 : index
    %swap3A_395 = arith.constant 0 : index
    %swap3A_396 = vector.load %arg11[%swap3A_393, %swap3A_394, %swap3A_395] : memref<1x256x128xf32, #tpu.memory_space<vmem>>, vector<1x256x128xf32>
    %swap3A_397 = vector.shape_cast %swap3A_396 : vector<1x256x128xf32> to vector<256x128xf32>
    %swap3A_398 = vector.shape_cast %dot_general3A_392 : vector<256x128xf32> to vector<1x256x128xf32>
    tpu.vector_store %arg11[%swap3A_393, %swap3A_394, %swap3A_395], %swap3A_398 {strides = array<i32>} : memref<1x256x128xf32, #tpu.memory_space<vmem>>, vector<1x256x128xf32>,
    %get3A_399 = arith.constant 0 : index
    %get3A_400 = arith.constant 0 : index
    %get3A_401 = vector.load %arg6[%get3A_399, %get3A_400] : memref<256x256xf32, #tpu.memory_space<vmem>>, vector<256x256xf32>
    %slice3A = vector.extract_strided_slice %get3A_401 {offsets = [0, 0], sizes = [128, 256], strides = [1, 1]} : vector<256x256xf32> to vector<128x256xf32>
    %slice3A_402 = vector.extract_strided_slice %get3A_401 {offsets = [128, 0], sizes = [128, 256], strides = [1, 1]} : vector<256x256xf32> to vector<128x256xf32>
    %sub3A = arith.subf %slice3A, %slice3A_402 : vector<128x256xf32>
    %dot_general3A_403 = arith.constant dense<0.000000e+00> : vector<256x256xf32>
    %dot_general3A_404 = tpu.matmul %get3A_3, %sub3A, %dot_general3A_403 {dimension_numbers = #tpu.dot_dimension_numbers<[1], [0], [0], [1], [0, 0, 1, 1], [], []>, transpose_lhs_hint = false} : vector<256x128xf32>, vector<128x256xf32>, vector<256x256xf32> -> vector<256x256xf32>
    %get3A_405 = arith.constant 0 : index
    %get3A_406 = arith.constant 0 : index
    %get3A_407 = vector.load %arg8[%get3A_405, %get3A_406] : memref<1x256xf32, #tpu.memory_space<vmem>>, vector<1x256xf32>
    %add3A_408 = vector.broadcast %get3A_407 : vector<1x256xf32> to vector<256x256xf32>
    %add3A_409 = arith.addf %dot_general3A_404, %add3A_408 : vector<256x256xf32>
    %swap3A_410 = arith.constant 0 : index
    %swap3A_411 = arith.constant 0 : index
    %swap3A_412 = arith.constant 0 : index
    %swap3A_413 = vector.load %arg12[%swap3A_410, %swap3A_411, %swap3A_412] : memref<1x256x256xf32, #tpu.memory_space<vmem>>, vector<1x256x256xf32>
    %swap3A_414 = vector.shape_cast %swap3A_413 : vector<1x256x256xf32> to vector<256x256xf32>
    %swap3A_415 = vector.shape_cast %add3A_409 : vector<256x256xf32> to vector<1x256x256xf32>
    tpu.vector_store %arg12[%swap3A_410, %swap3A_411, %swap3A_412], %swap3A_415 {strides = array<i32>} : memref<1x256x256xf32, #tpu.memory_space<vmem>>, vector<1x256x256xf32>,
    %get3A_416 = arith.constant 0 : index
    %get3A_417 = arith.constant 0 : index
    %get3A_418 = arith.constant 0 : index
    %get3A_419 = vector.load %arg4[%get3A_416, %get3A_417, %get3A_418] : memref<1x256x256xf32, #tpu.memory_space<vmem>>, vector<1x256x256xf32>
    %get3A_420 = vector.shape_cast %get3A_419 : vector<1x256x256xf32> to vector<256x256xf32>
    %get3A_421 = arith.constant 0 : index
    %get3A_422 = arith.constant 0 : index
    %get3A_423 = vector.load %arg7[%get3A_421, %get3A_422] : memref<256x512xf32, #tpu.memory_space<vmem>>, vector<256x512xf32>
    %dot_general3A_424 = arith.constant dense<0.000000e+00> : vector<256x512xf32>
    %dot_general3A_425 = tpu.matmul %get3A_420, %get3A_423, %dot_general3A_424 {dimension_numbers = #tpu.dot_dimension_numbers<[1], [0], [0], [1], [0, 0, 1, 1], [], []>, transpose_lhs_hint = false} : vector<256x256xf32>, vector<256x512xf32>, vector<256x512xf32> -> vector<256x512xf32>
    %get3A_426 = arith.constant 0 : index
    %get3A_427 = arith.constant 0 : index
    %get3A_428 = vector.load %arg9[%get3A_426, %get3A_427] : memref<1x512xf32, #tpu.memory_space<vmem>>, vector<1x512xf32>
    %add3A_429 = vector.broadcast %get3A_428 : vector<1x512xf32> to vector<256x512xf32>
    %add3A_430 = arith.addf %dot_general3A_425, %add3A_429 : vector<256x512xf32>
    %swap3A_431 = arith.constant 0 : index
    %swap3A_432 = arith.constant 0 : index
    %swap3A_433 = arith.constant 0 : index
    %swap3A_434 = vector.load %arg13[%swap3A_431, %swap3A_432, %swap3A_433] : memref<1x256x512xf32, #tpu.memory_space<vmem>>, vector<1x256x512xf32>
    %swap3A_435 = vector.shape_cast %swap3A_434 : vector<1x256x512xf32> to vector<256x512xf32>
    %swap3A_436 = vector.shape_cast %add3A_430 : vector<256x512xf32> to vector<1x256x512xf32>
    tpu.vector_store %arg13[%swap3A_431, %swap3A_432, %swap3A_433], %swap3A_436 {strides = array<i32>} : memref<1x256x512xf32, #tpu.memory_space<vmem>>, vector<1x256x512xf32>,
    return
  }
  func.func @transform_0(%arg0: i32, %arg1: i32) -> (i32, i32, i32) {
    %c0_i32 = arith.constant 0 : i32
    %c0_i32_0 = arith.constant 0 : i32
    return %arg0, %arg1, %c0_i32 : i32, i32, i32
  }
  func.func @transform_1(%arg0: i32, %arg1: i32) -> (i32, i32, i32) {
    %c0_i32 = arith.constant 0 : i32
    %c0_i32_0 = arith.constant 0 : i32
    %c0_i32_1 = arith.constant 0 : i32
    return %arg0, %c0_i32, %c0_i32_0 : i32, i32, i32
  }
  func.func @transform_2(%arg0: i32, %arg1: i32) -> (i32, i32, i32) {
    %c0_i32 = arith.constant 0 : i32
    %c0_i32_0 = arith.constant 0 : i32
    return %arg0, %arg1, %c0_i32 : i32, i32, i32
  }
  func.func @transform_3(%arg0: i32, %arg1: i32) -> (i32, i32) {
    %c0_i32 = arith.constant 0 : i32
    %c0_i32_0 = arith.constant 0 : i32
    %c0_i32_1 = arith.constant 0 : i32
    return %c0_i32, %c0_i32_0 : i32, i32
  }
  func.func @transform_4(%arg0: i32, %arg1: i32) -> (i32, i32) {
    %c0_i32 = arith.constant 0 : i32
    %c0_i32_0 = arith.constant 0 : i32
    %c0_i32_1 = arith.constant 0 : i32
    return %c0_i32, %c0_i32_0 : i32, i32
  }
  func.func @transform_5(%arg0: i32, %arg1: i32) -> (i32, i32) {
    %c0_i32 = arith.constant 0 : i32
    %c0_i32_0 = arith.constant 0 : i32
    %c0_i32_1 = arith.constant 0 : i32
    return %c0_i32, %c0_i32_0 : i32, i32
  }
  func.func @transform_6(%arg0: i32, %arg1: i32) -> (i32, i32) {
    %c0_i32 = arith.constant 0 : i32
    %c0_i32_0 = arith.constant 0 : i32
    %c0_i32_1 = arith.constant 0 : i32
    return %c0_i32, %c0_i32_0 : i32, i32
  }
  func.func @transform_7(%arg0: i32, %arg1: i32) -> (i32, i32) {
    %c0_i32 = arith.constant 0 : i32
    %c0_i32_0 = arith.constant 0 : i32
    %c0_i32_1 = arith.constant 0 : i32
    return %c0_i32, %c0_i32_0 : i32, i32
  }
  func.func @transform_8(%arg0: i32, %arg1: i32) -> (i32, i32, i32) {
    %c0_i32 = arith.constant 0 : i32
    %c0_i32_0 = arith.constant 0 : i32
    return %arg0, %arg1, %c0_i32 : i32, i32, i32
  }
  func.func @transform_9(%arg0: i32, %arg1: i32) -> (i32, i32, i32) {
    %c0_i32 = arith.constant 0 : i32
    %c0_i32_0 = arith.constant 0 : i32
    return %arg0, %arg1, %c0_i32 : i32, i32, i32
  }
  func.func @transform_10(%arg0: i32, %arg1: i32) -> (i32, i32, i32) {
    %c0_i32 = arith.constant 0 : i32
    %c0_i32_0 = arith.constant 0 : i32
    return %arg0, %arg1, %c0_i32 : i32, i32, i32
  }
  func.func @transform_11(%arg0: i32, %arg1: i32) -> (i32, i32, i32) {
    %c0_i32 = arith.constant 0 : i32
    %c0_i32_0 = arith.constant 0 : i32
    return %arg0, %arg1, %c0_i32 : i32, i32, i32
  }
}

module attributes {stable_mosaic.version = 14 : i64} {
  func.func @_stats1_body(%arg0: i32, %arg1: i32, %arg2: memref<1x16x256x128xf32, #tpu.memory_space<vmem>>, %arg3: memref<1x256x128xf32, #tpu.memory_space<vmem>>, %arg4: memref<1x256x256xf32, #tpu.memory_space<vmem>>, %arg5: memref<128x128xf32, #tpu.memory_space<vmem>>, %arg6: memref<256x256xf32, #tpu.memory_space<vmem>>, %arg7: memref<1x128xf32, #tpu.memory_space<vmem>>, %arg8: memref<8x128xf32, #tpu.memory_space<vmem>>, %arg9: memref<8x256xf32, #tpu.memory_space<vmem>>) attributes {dimension_semantics = [#tpu.dimension_semantics<arbitrary>, #tpu.dimension_semantics<arbitrary>], iteration_bounds = array<i64: 4, 8>, scalar_prefetch = 0 : i64, scratch_operands = 0 : i64, tpu.core_type = #tpu.core_type<tc>, window_params = [{transform_indices = @transform_0, window_bounds = array<i64: 1, 16, 256, 128>}, {transform_indices = @transform_1, window_bounds = array<i64: 1, 256, 128>}, {transform_indices = @transform_2, window_bounds = array<i64: 1, 256, 256>}, {pipeline_mode = #tpu.pipeline_mode<synchronous>, transform_indices = @transform_3, window_bounds = array<i64: 128, 128>}, {pipeline_mode = #tpu.pipeline_mode<synchronous>, transform_indices = @transform_4, window_bounds = array<i64: 256, 256>}, {pipeline_mode = #tpu.pipeline_mode<synchronous>, transform_indices = @transform_5, window_bounds = array<i64: 1, 128>}, {pipeline_mode = #tpu.pipeline_mode<synchronous>, transform_indices = @transform_6, window_bounds = array<i64: 8, 128>}, {pipeline_mode = #tpu.pipeline_mode<synchronous>, transform_indices = @transform_7, window_bounds = array<i64: 8, 256>}]} {
    %get3A = arith.constant 0 : index
    %get3A_0 = arith.constant 0 : index
    %get3A_1 = arith.constant 0 : index
    %get3A_2 = vector.load %arg3[%get3A, %get3A_0, %get3A_1] : memref<1x256x128xf32, #tpu.memory_space<vmem>>, vector<1x256x128xf32>
    %get3A_3 = vector.shape_cast %get3A_2 : vector<1x256x128xf32> to vector<256x128xf32>
    %get3A_4 = arith.constant 0 : index
    %get3A_5 = arith.constant 0 : index
    %get3A_6 = arith.constant 0 : index
    %get3A_7 = vector.load %arg4[%get3A_4, %get3A_5, %get3A_6] : memref<1x256x256xf32, #tpu.memory_space<vmem>>, vector<1x256x256xf32>
    %get3A_8 = vector.shape_cast %get3A_7 : vector<1x256x256xf32> to vector<256x256xf32>
    %get3A_9 = arith.constant 0 : index
    %get3A_10 = arith.constant 0 : index
    %get3A_11 = vector.load %arg5[%get3A_9, %get3A_10] : memref<128x128xf32, #tpu.memory_space<vmem>>, vector<128x128xf32>
    %get3A_12 = arith.constant 0 : index
    %get3A_13 = arith.constant 0 : index
    %get3A_14 = vector.load %arg7[%get3A_12, %get3A_13] : memref<1x128xf32, #tpu.memory_space<vmem>>, vector<1x128xf32>
    %get3A_15 = arith.constant 0 : index
    %get3A_16 = arith.constant 0 : index
    %get3A_17 = vector.load %arg6[%get3A_15, %get3A_16] : memref<256x256xf32, #tpu.memory_space<vmem>>, vector<256x256xf32>
    %slice3A = vector.extract_strided_slice %get3A_17 {offsets = [128, 0], sizes = [128, 256], strides = [1, 1]} : vector<256x256xf32> to vector<128x256xf32>
    %get3A_18 = arith.constant 0 : index
    %get3A_19 = arith.constant 0 : index
    %get3A_20 = arith.constant 0 : index
    %get3A_21 = arith.constant 0 : index
    %get3A_22 = vector.load %arg2[%get3A_18, %get3A_19, %get3A_20, %get3A_21] : memref<1x16x256x128xf32, #tpu.memory_space<vmem>>, vector<1x16x256x128xf32>
    %get3A_23 = vector.shape_cast %get3A_22 : vector<1x16x256x128xf32> to vector<16x256x128xf32>
    %reshape3A = vector.shape_cast %get3A_23 : vector<16x256x128xf32> to vector<4096x128xf32>
    %dot_general3A = arith.constant dense<0.000000e+00> : vector<4096x128xf32>
    %dot_general3A_24 = tpu.matmul %reshape3A, %get3A_11, %dot_general3A {dimension_numbers = #tpu.dot_dimension_numbers<[1], [0], [0], [1], [0, 0, 1, 1], [], []>, transpose_lhs_hint = false} : vector<4096x128xf32>, vector<128x128xf32>, vector<4096x128xf32> -> vector<4096x128xf32>
    %add3A = vector.broadcast %get3A_14 : vector<1x128xf32> to vector<4096x128xf32>
    %add3A_25 = arith.addf %dot_general3A_24, %add3A : vector<4096x128xf32>
    %reshape3A_26 = vector.shape_cast %add3A_25 : vector<4096x128xf32> to vector<16x256x128xf32>
    %dot_general3A_27 = arith.constant dense<0.000000e+00> : vector<4096x256xf32>
    %dot_general3A_28 = tpu.matmul %reshape3A, %slice3A, %dot_general3A_27 {dimension_numbers = #tpu.dot_dimension_numbers<[1], [0], [0], [1], [0, 0, 1, 1], [], []>, transpose_lhs_hint = false} : vector<4096x128xf32>, vector<128x256xf32>, vector<4096x256xf32> -> vector<4096x256xf32>
    %reshape3A_29 = vector.shape_cast %dot_general3A_28 : vector<4096x256xf32> to vector<16x256x256xf32>
    %broadcast_in_dim3A = arith.constant 0.000000e+00 : f32
    %broadcast_in_dim3A_30 = vector.broadcast %broadcast_in_dim3A : f32 to vector<1x128xf32>
    %broadcast_in_dim3A_31 = arith.constant 0.000000e+00 : f32
    %broadcast_in_dim3A_32 = vector.broadcast %broadcast_in_dim3A_31 : f32 to vector<1x128xf32>
    %broadcast_in_dim3A_33 = arith.constant 0.000000e+00 : f32
    %broadcast_in_dim3A_34 = vector.broadcast %broadcast_in_dim3A_33 : f32 to vector<1x256xf32>
    %broadcast_in_dim3A_35 = arith.constant 0.000000e+00 : f32
    %broadcast_in_dim3A_36 = vector.broadcast %broadcast_in_dim3A_35 : f32 to vector<1x256xf32>
    %slice3A_37 = vector.extract_strided_slice %reshape3A_26 {offsets = [0, 0, 0], sizes = [1, 256, 128], strides = [1, 1, 1]} : vector<16x256x128xf32> to vector<1x256x128xf32>
    %squeeze3A = vector.shape_cast %slice3A_37 : vector<1x256x128xf32> to vector<256x128xf32>
    %sub3A = arith.subf %squeeze3A, %get3A_3 : vector<256x128xf32>
    %reduce_sum3A = arith.constant dense<0.000000e+00> : vector<128xf32>
    %reduce_sum3A_38 = vector.multi_reduction <add>, %sub3A, %reduce_sum3A [0] : vector<256x128xf32> to vector<128xf32>
    %broadcast_in_dim3A_39 = vector.shape_cast %reduce_sum3A_38 : vector<128xf32> to vector<1x128xf32>
    %add3A_40 = arith.addf %broadcast_in_dim3A_30, %broadcast_in_dim3A_39 : vector<1x128xf32>
    %mul3A = arith.mulf %sub3A, %sub3A : vector<256x128xf32>
    %reduce_sum3A_41 = arith.constant dense<0.000000e+00> : vector<128xf32>
    %reduce_sum3A_42 = vector.multi_reduction <add>, %mul3A, %reduce_sum3A_41 [0] : vector<256x128xf32> to vector<128xf32>
    %broadcast_in_dim3A_43 = vector.shape_cast %reduce_sum3A_42 : vector<128xf32> to vector<1x128xf32>
    %add3A_44 = arith.addf %broadcast_in_dim3A_32, %broadcast_in_dim3A_43 : vector<1x128xf32>
    %slice3A_45 = vector.extract_strided_slice %reshape3A_29 {offsets = [0, 0, 0], sizes = [1, 256, 256], strides = [1, 1, 1]} : vector<16x256x256xf32> to vector<1x256x256xf32>
    %squeeze3A_46 = vector.shape_cast %slice3A_45 : vector<1x256x256xf32> to vector<256x256xf32>
    %add3A_47 = arith.addf %squeeze3A_46, %get3A_8 : vector<256x256xf32>
    %reduce_sum3A_48 = arith.constant dense<0.000000e+00> : vector<256xf32>
    %reduce_sum3A_49 = vector.multi_reduction <add>, %add3A_47, %reduce_sum3A_48 [0] : vector<256x256xf32> to vector<256xf32>
    %broadcast_in_dim3A_50 = vector.shape_cast %reduce_sum3A_49 : vector<256xf32> to vector<1x256xf32>
    %add3A_51 = arith.addf %broadcast_in_dim3A_34, %broadcast_in_dim3A_50 : vector<1x256xf32>
    %mul3A_52 = arith.mulf %add3A_47, %add3A_47 : vector<256x256xf32>
    %reduce_sum3A_53 = arith.constant dense<0.000000e+00> : vector<256xf32>
    %reduce_sum3A_54 = vector.multi_reduction <add>, %mul3A_52, %reduce_sum3A_53 [0] : vector<256x256xf32> to vector<256xf32>
    %broadcast_in_dim3A_55 = vector.shape_cast %reduce_sum3A_54 : vector<256xf32> to vector<1x256xf32>
    %add3A_56 = arith.addf %broadcast_in_dim3A_36, %broadcast_in_dim3A_55 : vector<1x256xf32>
    %slice3A_57 = vector.extract_strided_slice %reshape3A_26 {offsets = [1, 0, 0], sizes = [1, 256, 128], strides = [1, 1, 1]} : vector<16x256x128xf32> to vector<1x256x128xf32>
    %squeeze3A_58 = vector.shape_cast %slice3A_57 : vector<1x256x128xf32> to vector<256x128xf32>
    %sub3A_59 = arith.subf %squeeze3A_58, %get3A_3 : vector<256x128xf32>
    %reduce_sum3A_60 = arith.constant dense<0.000000e+00> : vector<128xf32>
    %reduce_sum3A_61 = vector.multi_reduction <add>, %sub3A_59, %reduce_sum3A_60 [0] : vector<256x128xf32> to vector<128xf32>
    %broadcast_in_dim3A_62 = vector.shape_cast %reduce_sum3A_61 : vector<128xf32> to vector<1x128xf32>
    %add3A_63 = arith.addf %add3A_40, %broadcast_in_dim3A_62 : vector<1x128xf32>
    %mul3A_64 = arith.mulf %sub3A_59, %sub3A_59 : vector<256x128xf32>
    %reduce_sum3A_65 = arith.constant dense<0.000000e+00> : vector<128xf32>
    %reduce_sum3A_66 = vector.multi_reduction <add>, %mul3A_64, %reduce_sum3A_65 [0] : vector<256x128xf32> to vector<128xf32>
    %broadcast_in_dim3A_67 = vector.shape_cast %reduce_sum3A_66 : vector<128xf32> to vector<1x128xf32>
    %add3A_68 = arith.addf %add3A_44, %broadcast_in_dim3A_67 : vector<1x128xf32>
    %slice3A_69 = vector.extract_strided_slice %reshape3A_29 {offsets = [1, 0, 0], sizes = [1, 256, 256], strides = [1, 1, 1]} : vector<16x256x256xf32> to vector<1x256x256xf32>
    %squeeze3A_70 = vector.shape_cast %slice3A_69 : vector<1x256x256xf32> to vector<256x256xf32>
    %add3A_71 = arith.addf %squeeze3A_70, %get3A_8 : vector<256x256xf32>
    %reduce_sum3A_72 = arith.constant dense<0.000000e+00> : vector<256xf32>
    %reduce_sum3A_73 = vector.multi_reduction <add>, %add3A_71, %reduce_sum3A_72 [0] : vector<256x256xf32> to vector<256xf32>
    %broadcast_in_dim3A_74 = vector.shape_cast %reduce_sum3A_73 : vector<256xf32> to vector<1x256xf32>
    %add3A_75 = arith.addf %add3A_51, %broadcast_in_dim3A_74 : vector<1x256xf32>
    %mul3A_76 = arith.mulf %add3A_71, %add3A_71 : vector<256x256xf32>
    %reduce_sum3A_77 = arith.constant dense<0.000000e+00> : vector<256xf32>
    %reduce_sum3A_78 = vector.multi_reduction <add>, %mul3A_76, %reduce_sum3A_77 [0] : vector<256x256xf32> to vector<256xf32>
    %broadcast_in_dim3A_79 = vector.shape_cast %reduce_sum3A_78 : vector<256xf32> to vector<1x256xf32>
    %add3A_80 = arith.addf %add3A_56, %broadcast_in_dim3A_79 : vector<1x256xf32>
    %slice3A_81 = vector.extract_strided_slice %reshape3A_26 {offsets = [2, 0, 0], sizes = [1, 256, 128], strides = [1, 1, 1]} : vector<16x256x128xf32> to vector<1x256x128xf32>
    %squeeze3A_82 = vector.shape_cast %slice3A_81 : vector<1x256x128xf32> to vector<256x128xf32>
    %sub3A_83 = arith.subf %squeeze3A_82, %get3A_3 : vector<256x128xf32>
    %reduce_sum3A_84 = arith.constant dense<0.000000e+00> : vector<128xf32>
    %reduce_sum3A_85 = vector.multi_reduction <add>, %sub3A_83, %reduce_sum3A_84 [0] : vector<256x128xf32> to vector<128xf32>
    %broadcast_in_dim3A_86 = vector.shape_cast %reduce_sum3A_85 : vector<128xf32> to vector<1x128xf32>
    %add3A_87 = arith.addf %add3A_63, %broadcast_in_dim3A_86 : vector<1x128xf32>
    %mul3A_88 = arith.mulf %sub3A_83, %sub3A_83 : vector<256x128xf32>
    %reduce_sum3A_89 = arith.constant dense<0.000000e+00> : vector<128xf32>
    %reduce_sum3A_90 = vector.multi_reduction <add>, %mul3A_88, %reduce_sum3A_89 [0] : vector<256x128xf32> to vector<128xf32>
    %broadcast_in_dim3A_91 = vector.shape_cast %reduce_sum3A_90 : vector<128xf32> to vector<1x128xf32>
    %add3A_92 = arith.addf %add3A_68, %broadcast_in_dim3A_91 : vector<1x128xf32>
    %slice3A_93 = vector.extract_strided_slice %reshape3A_29 {offsets = [2, 0, 0], sizes = [1, 256, 256], strides = [1, 1, 1]} : vector<16x256x256xf32> to vector<1x256x256xf32>
    %squeeze3A_94 = vector.shape_cast %slice3A_93 : vector<1x256x256xf32> to vector<256x256xf32>
    %add3A_95 = arith.addf %squeeze3A_94, %get3A_8 : vector<256x256xf32>
    %reduce_sum3A_96 = arith.constant dense<0.000000e+00> : vector<256xf32>
    %reduce_sum3A_97 = vector.multi_reduction <add>, %add3A_95, %reduce_sum3A_96 [0] : vector<256x256xf32> to vector<256xf32>
    %broadcast_in_dim3A_98 = vector.shape_cast %reduce_sum3A_97 : vector<256xf32> to vector<1x256xf32>
    %add3A_99 = arith.addf %add3A_75, %broadcast_in_dim3A_98 : vector<1x256xf32>
    %mul3A_100 = arith.mulf %add3A_95, %add3A_95 : vector<256x256xf32>
    %reduce_sum3A_101 = arith.constant dense<0.000000e+00> : vector<256xf32>
    %reduce_sum3A_102 = vector.multi_reduction <add>, %mul3A_100, %reduce_sum3A_101 [0] : vector<256x256xf32> to vector<256xf32>
    %broadcast_in_dim3A_103 = vector.shape_cast %reduce_sum3A_102 : vector<256xf32> to vector<1x256xf32>
    %add3A_104 = arith.addf %add3A_80, %broadcast_in_dim3A_103 : vector<1x256xf32>
    %slice3A_105 = vector.extract_strided_slice %reshape3A_26 {offsets = [3, 0, 0], sizes = [1, 256, 128], strides = [1, 1, 1]} : vector<16x256x128xf32> to vector<1x256x128xf32>
    %squeeze3A_106 = vector.shape_cast %slice3A_105 : vector<1x256x128xf32> to vector<256x128xf32>
    %sub3A_107 = arith.subf %squeeze3A_106, %get3A_3 : vector<256x128xf32>
    %reduce_sum3A_108 = arith.constant dense<0.000000e+00> : vector<128xf32>
    %reduce_sum3A_109 = vector.multi_reduction <add>, %sub3A_107, %reduce_sum3A_108 [0] : vector<256x128xf32> to vector<128xf32>
    %broadcast_in_dim3A_110 = vector.shape_cast %reduce_sum3A_109 : vector<128xf32> to vector<1x128xf32>
    %add3A_111 = arith.addf %add3A_87, %broadcast_in_dim3A_110 : vector<1x128xf32>
    %mul3A_112 = arith.mulf %sub3A_107, %sub3A_107 : vector<256x128xf32>
    %reduce_sum3A_113 = arith.constant dense<0.000000e+00> : vector<128xf32>
    %reduce_sum3A_114 = vector.multi_reduction <add>, %mul3A_112, %reduce_sum3A_113 [0] : vector<256x128xf32> to vector<128xf32>
    %broadcast_in_dim3A_115 = vector.shape_cast %reduce_sum3A_114 : vector<128xf32> to vector<1x128xf32>
    %add3A_116 = arith.addf %add3A_92, %broadcast_in_dim3A_115 : vector<1x128xf32>
    %slice3A_117 = vector.extract_strided_slice %reshape3A_29 {offsets = [3, 0, 0], sizes = [1, 256, 256], strides = [1, 1, 1]} : vector<16x256x256xf32> to vector<1x256x256xf32>
    %squeeze3A_118 = vector.shape_cast %slice3A_117 : vector<1x256x256xf32> to vector<256x256xf32>
    %add3A_119 = arith.addf %squeeze3A_118, %get3A_8 : vector<256x256xf32>
    %reduce_sum3A_120 = arith.constant dense<0.000000e+00> : vector<256xf32>
    %reduce_sum3A_121 = vector.multi_reduction <add>, %add3A_119, %reduce_sum3A_120 [0] : vector<256x256xf32> to vector<256xf32>
    %broadcast_in_dim3A_122 = vector.shape_cast %reduce_sum3A_121 : vector<256xf32> to vector<1x256xf32>
    %add3A_123 = arith.addf %add3A_99, %broadcast_in_dim3A_122 : vector<1x256xf32>
    %mul3A_124 = arith.mulf %add3A_119, %add3A_119 : vector<256x256xf32>
    %reduce_sum3A_125 = arith.constant dense<0.000000e+00> : vector<256xf32>
    %reduce_sum3A_126 = vector.multi_reduction <add>, %mul3A_124, %reduce_sum3A_125 [0] : vector<256x256xf32> to vector<256xf32>
    %broadcast_in_dim3A_127 = vector.shape_cast %reduce_sum3A_126 : vector<256xf32> to vector<1x256xf32>
    %add3A_128 = arith.addf %add3A_104, %broadcast_in_dim3A_127 : vector<1x256xf32>
    %slice3A_129 = vector.extract_strided_slice %reshape3A_26 {offsets = [4, 0, 0], sizes = [1, 256, 128], strides = [1, 1, 1]} : vector<16x256x128xf32> to vector<1x256x128xf32>
    %squeeze3A_130 = vector.shape_cast %slice3A_129 : vector<1x256x128xf32> to vector<256x128xf32>
    %sub3A_131 = arith.subf %squeeze3A_130, %get3A_3 : vector<256x128xf32>
    %reduce_sum3A_132 = arith.constant dense<0.000000e+00> : vector<128xf32>
    %reduce_sum3A_133 = vector.multi_reduction <add>, %sub3A_131, %reduce_sum3A_132 [0] : vector<256x128xf32> to vector<128xf32>
    %broadcast_in_dim3A_134 = vector.shape_cast %reduce_sum3A_133 : vector<128xf32> to vector<1x128xf32>
    %add3A_135 = arith.addf %add3A_111, %broadcast_in_dim3A_134 : vector<1x128xf32>
    %mul3A_136 = arith.mulf %sub3A_131, %sub3A_131 : vector<256x128xf32>
    %reduce_sum3A_137 = arith.constant dense<0.000000e+00> : vector<128xf32>
    %reduce_sum3A_138 = vector.multi_reduction <add>, %mul3A_136, %reduce_sum3A_137 [0] : vector<256x128xf32> to vector<128xf32>
    %broadcast_in_dim3A_139 = vector.shape_cast %reduce_sum3A_138 : vector<128xf32> to vector<1x128xf32>
    %add3A_140 = arith.addf %add3A_116, %broadcast_in_dim3A_139 : vector<1x128xf32>
    %slice3A_141 = vector.extract_strided_slice %reshape3A_29 {offsets = [4, 0, 0], sizes = [1, 256, 256], strides = [1, 1, 1]} : vector<16x256x256xf32> to vector<1x256x256xf32>
    %squeeze3A_142 = vector.shape_cast %slice3A_141 : vector<1x256x256xf32> to vector<256x256xf32>
    %add3A_143 = arith.addf %squeeze3A_142, %get3A_8 : vector<256x256xf32>
    %reduce_sum3A_144 = arith.constant dense<0.000000e+00> : vector<256xf32>
    %reduce_sum3A_145 = vector.multi_reduction <add>, %add3A_143, %reduce_sum3A_144 [0] : vector<256x256xf32> to vector<256xf32>
    %broadcast_in_dim3A_146 = vector.shape_cast %reduce_sum3A_145 : vector<256xf32> to vector<1x256xf32>
    %add3A_147 = arith.addf %add3A_123, %broadcast_in_dim3A_146 : vector<1x256xf32>
    %mul3A_148 = arith.mulf %add3A_143, %add3A_143 : vector<256x256xf32>
    %reduce_sum3A_149 = arith.constant dense<0.000000e+00> : vector<256xf32>
    %reduce_sum3A_150 = vector.multi_reduction <add>, %mul3A_148, %reduce_sum3A_149 [0] : vector<256x256xf32> to vector<256xf32>
    %broadcast_in_dim3A_151 = vector.shape_cast %reduce_sum3A_150 : vector<256xf32> to vector<1x256xf32>
    %add3A_152 = arith.addf %add3A_128, %broadcast_in_dim3A_151 : vector<1x256xf32>
    %slice3A_153 = vector.extract_strided_slice %reshape3A_26 {offsets = [5, 0, 0], sizes = [1, 256, 128], strides = [1, 1, 1]} : vector<16x256x128xf32> to vector<1x256x128xf32>
    %squeeze3A_154 = vector.shape_cast %slice3A_153 : vector<1x256x128xf32> to vector<256x128xf32>
    %sub3A_155 = arith.subf %squeeze3A_154, %get3A_3 : vector<256x128xf32>
    %reduce_sum3A_156 = arith.constant dense<0.000000e+00> : vector<128xf32>
    %reduce_sum3A_157 = vector.multi_reduction <add>, %sub3A_155, %reduce_sum3A_156 [0] : vector<256x128xf32> to vector<128xf32>
    %broadcast_in_dim3A_158 = vector.shape_cast %reduce_sum3A_157 : vector<128xf32> to vector<1x128xf32>
    %add3A_159 = arith.addf %add3A_135, %broadcast_in_dim3A_158 : vector<1x128xf32>
    %mul3A_160 = arith.mulf %sub3A_155, %sub3A_155 : vector<256x128xf32>
    %reduce_sum3A_161 = arith.constant dense<0.000000e+00> : vector<128xf32>
    %reduce_sum3A_162 = vector.multi_reduction <add>, %mul3A_160, %reduce_sum3A_161 [0] : vector<256x128xf32> to vector<128xf32>
    %broadcast_in_dim3A_163 = vector.shape_cast %reduce_sum3A_162 : vector<128xf32> to vector<1x128xf32>
    %add3A_164 = arith.addf %add3A_140, %broadcast_in_dim3A_163 : vector<1x128xf32>
    %slice3A_165 = vector.extract_strided_slice %reshape3A_29 {offsets = [5, 0, 0], sizes = [1, 256, 256], strides = [1, 1, 1]} : vector<16x256x256xf32> to vector<1x256x256xf32>
    %squeeze3A_166 = vector.shape_cast %slice3A_165 : vector<1x256x256xf32> to vector<256x256xf32>
    %add3A_167 = arith.addf %squeeze3A_166, %get3A_8 : vector<256x256xf32>
    %reduce_sum3A_168 = arith.constant dense<0.000000e+00> : vector<256xf32>
    %reduce_sum3A_169 = vector.multi_reduction <add>, %add3A_167, %reduce_sum3A_168 [0] : vector<256x256xf32> to vector<256xf32>
    %broadcast_in_dim3A_170 = vector.shape_cast %reduce_sum3A_169 : vector<256xf32> to vector<1x256xf32>
    %add3A_171 = arith.addf %add3A_147, %broadcast_in_dim3A_170 : vector<1x256xf32>
    %mul3A_172 = arith.mulf %add3A_167, %add3A_167 : vector<256x256xf32>
    %reduce_sum3A_173 = arith.constant dense<0.000000e+00> : vector<256xf32>
    %reduce_sum3A_174 = vector.multi_reduction <add>, %mul3A_172, %reduce_sum3A_173 [0] : vector<256x256xf32> to vector<256xf32>
    %broadcast_in_dim3A_175 = vector.shape_cast %reduce_sum3A_174 : vector<256xf32> to vector<1x256xf32>
    %add3A_176 = arith.addf %add3A_152, %broadcast_in_dim3A_175 : vector<1x256xf32>
    %slice3A_177 = vector.extract_strided_slice %reshape3A_26 {offsets = [6, 0, 0], sizes = [1, 256, 128], strides = [1, 1, 1]} : vector<16x256x128xf32> to vector<1x256x128xf32>
    %squeeze3A_178 = vector.shape_cast %slice3A_177 : vector<1x256x128xf32> to vector<256x128xf32>
    %sub3A_179 = arith.subf %squeeze3A_178, %get3A_3 : vector<256x128xf32>
    %reduce_sum3A_180 = arith.constant dense<0.000000e+00> : vector<128xf32>
    %reduce_sum3A_181 = vector.multi_reduction <add>, %sub3A_179, %reduce_sum3A_180 [0] : vector<256x128xf32> to vector<128xf32>
    %broadcast_in_dim3A_182 = vector.shape_cast %reduce_sum3A_181 : vector<128xf32> to vector<1x128xf32>
    %add3A_183 = arith.addf %add3A_159, %broadcast_in_dim3A_182 : vector<1x128xf32>
    %mul3A_184 = arith.mulf %sub3A_179, %sub3A_179 : vector<256x128xf32>
    %reduce_sum3A_185 = arith.constant dense<0.000000e+00> : vector<128xf32>
    %reduce_sum3A_186 = vector.multi_reduction <add>, %mul3A_184, %reduce_sum3A_185 [0] : vector<256x128xf32> to vector<128xf32>
    %broadcast_in_dim3A_187 = vector.shape_cast %reduce_sum3A_186 : vector<128xf32> to vector<1x128xf32>
    %add3A_188 = arith.addf %add3A_164, %broadcast_in_dim3A_187 : vector<1x128xf32>
    %slice3A_189 = vector.extract_strided_slice %reshape3A_29 {offsets = [6, 0, 0], sizes = [1, 256, 256], strides = [1, 1, 1]} : vector<16x256x256xf32> to vector<1x256x256xf32>
    %squeeze3A_190 = vector.shape_cast %slice3A_189 : vector<1x256x256xf32> to vector<256x256xf32>
    %add3A_191 = arith.addf %squeeze3A_190, %get3A_8 : vector<256x256xf32>
    %reduce_sum3A_192 = arith.constant dense<0.000000e+00> : vector<256xf32>
    %reduce_sum3A_193 = vector.multi_reduction <add>, %add3A_191, %reduce_sum3A_192 [0] : vector<256x256xf32> to vector<256xf32>
    %broadcast_in_dim3A_194 = vector.shape_cast %reduce_sum3A_193 : vector<256xf32> to vector<1x256xf32>
    %add3A_195 = arith.addf %add3A_171, %broadcast_in_dim3A_194 : vector<1x256xf32>
    %mul3A_196 = arith.mulf %add3A_191, %add3A_191 : vector<256x256xf32>
    %reduce_sum3A_197 = arith.constant dense<0.000000e+00> : vector<256xf32>
    %reduce_sum3A_198 = vector.multi_reduction <add>, %mul3A_196, %reduce_sum3A_197 [0] : vector<256x256xf32> to vector<256xf32>
    %broadcast_in_dim3A_199 = vector.shape_cast %reduce_sum3A_198 : vector<256xf32> to vector<1x256xf32>
    %add3A_200 = arith.addf %add3A_176, %broadcast_in_dim3A_199 : vector<1x256xf32>
    %slice3A_201 = vector.extract_strided_slice %reshape3A_26 {offsets = [7, 0, 0], sizes = [1, 256, 128], strides = [1, 1, 1]} : vector<16x256x128xf32> to vector<1x256x128xf32>
    %squeeze3A_202 = vector.shape_cast %slice3A_201 : vector<1x256x128xf32> to vector<256x128xf32>
    %sub3A_203 = arith.subf %squeeze3A_202, %get3A_3 : vector<256x128xf32>
    %reduce_sum3A_204 = arith.constant dense<0.000000e+00> : vector<128xf32>
    %reduce_sum3A_205 = vector.multi_reduction <add>, %sub3A_203, %reduce_sum3A_204 [0] : vector<256x128xf32> to vector<128xf32>
    %broadcast_in_dim3A_206 = vector.shape_cast %reduce_sum3A_205 : vector<128xf32> to vector<1x128xf32>
    %add3A_207 = arith.addf %add3A_183, %broadcast_in_dim3A_206 : vector<1x128xf32>
    %mul3A_208 = arith.mulf %sub3A_203, %sub3A_203 : vector<256x128xf32>
    %reduce_sum3A_209 = arith.constant dense<0.000000e+00> : vector<128xf32>
    %reduce_sum3A_210 = vector.multi_reduction <add>, %mul3A_208, %reduce_sum3A_209 [0] : vector<256x128xf32> to vector<128xf32>
    %broadcast_in_dim3A_211 = vector.shape_cast %reduce_sum3A_210 : vector<128xf32> to vector<1x128xf32>
    %add3A_212 = arith.addf %add3A_188, %broadcast_in_dim3A_211 : vector<1x128xf32>
    %slice3A_213 = vector.extract_strided_slice %reshape3A_29 {offsets = [7, 0, 0], sizes = [1, 256, 256], strides = [1, 1, 1]} : vector<16x256x256xf32> to vector<1x256x256xf32>
    %squeeze3A_214 = vector.shape_cast %slice3A_213 : vector<1x256x256xf32> to vector<256x256xf32>
    %add3A_215 = arith.addf %squeeze3A_214, %get3A_8 : vector<256x256xf32>
    %reduce_sum3A_216 = arith.constant dense<0.000000e+00> : vector<256xf32>
    %reduce_sum3A_217 = vector.multi_reduction <add>, %add3A_215, %reduce_sum3A_216 [0] : vector<256x256xf32> to vector<256xf32>
    %broadcast_in_dim3A_218 = vector.shape_cast %reduce_sum3A_217 : vector<256xf32> to vector<1x256xf32>
    %add3A_219 = arith.addf %add3A_195, %broadcast_in_dim3A_218 : vector<1x256xf32>
    %mul3A_220 = arith.mulf %add3A_215, %add3A_215 : vector<256x256xf32>
    %reduce_sum3A_221 = arith.constant dense<0.000000e+00> : vector<256xf32>
    %reduce_sum3A_222 = vector.multi_reduction <add>, %mul3A_220, %reduce_sum3A_221 [0] : vector<256x256xf32> to vector<256xf32>
    %broadcast_in_dim3A_223 = vector.shape_cast %reduce_sum3A_222 : vector<256xf32> to vector<1x256xf32>
    %add3A_224 = arith.addf %add3A_200, %broadcast_in_dim3A_223 : vector<1x256xf32>
    %slice3A_225 = vector.extract_strided_slice %reshape3A_26 {offsets = [8, 0, 0], sizes = [1, 256, 128], strides = [1, 1, 1]} : vector<16x256x128xf32> to vector<1x256x128xf32>
    %squeeze3A_226 = vector.shape_cast %slice3A_225 : vector<1x256x128xf32> to vector<256x128xf32>
    %sub3A_227 = arith.subf %squeeze3A_226, %get3A_3 : vector<256x128xf32>
    %reduce_sum3A_228 = arith.constant dense<0.000000e+00> : vector<128xf32>
    %reduce_sum3A_229 = vector.multi_reduction <add>, %sub3A_227, %reduce_sum3A_228 [0] : vector<256x128xf32> to vector<128xf32>
    %broadcast_in_dim3A_230 = vector.shape_cast %reduce_sum3A_229 : vector<128xf32> to vector<1x128xf32>
    %add3A_231 = arith.addf %add3A_207, %broadcast_in_dim3A_230 : vector<1x128xf32>
    %mul3A_232 = arith.mulf %sub3A_227, %sub3A_227 : vector<256x128xf32>
    %reduce_sum3A_233 = arith.constant dense<0.000000e+00> : vector<128xf32>
    %reduce_sum3A_234 = vector.multi_reduction <add>, %mul3A_232, %reduce_sum3A_233 [0] : vector<256x128xf32> to vector<128xf32>
    %broadcast_in_dim3A_235 = vector.shape_cast %reduce_sum3A_234 : vector<128xf32> to vector<1x128xf32>
    %add3A_236 = arith.addf %add3A_212, %broadcast_in_dim3A_235 : vector<1x128xf32>
    %slice3A_237 = vector.extract_strided_slice %reshape3A_29 {offsets = [8, 0, 0], sizes = [1, 256, 256], strides = [1, 1, 1]} : vector<16x256x256xf32> to vector<1x256x256xf32>
    %squeeze3A_238 = vector.shape_cast %slice3A_237 : vector<1x256x256xf32> to vector<256x256xf32>
    %add3A_239 = arith.addf %squeeze3A_238, %get3A_8 : vector<256x256xf32>
    %reduce_sum3A_240 = arith.constant dense<0.000000e+00> : vector<256xf32>
    %reduce_sum3A_241 = vector.multi_reduction <add>, %add3A_239, %reduce_sum3A_240 [0] : vector<256x256xf32> to vector<256xf32>
    %broadcast_in_dim3A_242 = vector.shape_cast %reduce_sum3A_241 : vector<256xf32> to vector<1x256xf32>
    %add3A_243 = arith.addf %add3A_219, %broadcast_in_dim3A_242 : vector<1x256xf32>
    %mul3A_244 = arith.mulf %add3A_239, %add3A_239 : vector<256x256xf32>
    %reduce_sum3A_245 = arith.constant dense<0.000000e+00> : vector<256xf32>
    %reduce_sum3A_246 = vector.multi_reduction <add>, %mul3A_244, %reduce_sum3A_245 [0] : vector<256x256xf32> to vector<256xf32>
    %broadcast_in_dim3A_247 = vector.shape_cast %reduce_sum3A_246 : vector<256xf32> to vector<1x256xf32>
    %add3A_248 = arith.addf %add3A_224, %broadcast_in_dim3A_247 : vector<1x256xf32>
    %slice3A_249 = vector.extract_strided_slice %reshape3A_26 {offsets = [9, 0, 0], sizes = [1, 256, 128], strides = [1, 1, 1]} : vector<16x256x128xf32> to vector<1x256x128xf32>
    %squeeze3A_250 = vector.shape_cast %slice3A_249 : vector<1x256x128xf32> to vector<256x128xf32>
    %sub3A_251 = arith.subf %squeeze3A_250, %get3A_3 : vector<256x128xf32>
    %reduce_sum3A_252 = arith.constant dense<0.000000e+00> : vector<128xf32>
    %reduce_sum3A_253 = vector.multi_reduction <add>, %sub3A_251, %reduce_sum3A_252 [0] : vector<256x128xf32> to vector<128xf32>
    %broadcast_in_dim3A_254 = vector.shape_cast %reduce_sum3A_253 : vector<128xf32> to vector<1x128xf32>
    %add3A_255 = arith.addf %add3A_231, %broadcast_in_dim3A_254 : vector<1x128xf32>
    %mul3A_256 = arith.mulf %sub3A_251, %sub3A_251 : vector<256x128xf32>
    %reduce_sum3A_257 = arith.constant dense<0.000000e+00> : vector<128xf32>
    %reduce_sum3A_258 = vector.multi_reduction <add>, %mul3A_256, %reduce_sum3A_257 [0] : vector<256x128xf32> to vector<128xf32>
    %broadcast_in_dim3A_259 = vector.shape_cast %reduce_sum3A_258 : vector<128xf32> to vector<1x128xf32>
    %add3A_260 = arith.addf %add3A_236, %broadcast_in_dim3A_259 : vector<1x128xf32>
    %slice3A_261 = vector.extract_strided_slice %reshape3A_29 {offsets = [9, 0, 0], sizes = [1, 256, 256], strides = [1, 1, 1]} : vector<16x256x256xf32> to vector<1x256x256xf32>
    %squeeze3A_262 = vector.shape_cast %slice3A_261 : vector<1x256x256xf32> to vector<256x256xf32>
    %add3A_263 = arith.addf %squeeze3A_262, %get3A_8 : vector<256x256xf32>
    %reduce_sum3A_264 = arith.constant dense<0.000000e+00> : vector<256xf32>
    %reduce_sum3A_265 = vector.multi_reduction <add>, %add3A_263, %reduce_sum3A_264 [0] : vector<256x256xf32> to vector<256xf32>
    %broadcast_in_dim3A_266 = vector.shape_cast %reduce_sum3A_265 : vector<256xf32> to vector<1x256xf32>
    %add3A_267 = arith.addf %add3A_243, %broadcast_in_dim3A_266 : vector<1x256xf32>
    %mul3A_268 = arith.mulf %add3A_263, %add3A_263 : vector<256x256xf32>
    %reduce_sum3A_269 = arith.constant dense<0.000000e+00> : vector<256xf32>
    %reduce_sum3A_270 = vector.multi_reduction <add>, %mul3A_268, %reduce_sum3A_269 [0] : vector<256x256xf32> to vector<256xf32>
    %broadcast_in_dim3A_271 = vector.shape_cast %reduce_sum3A_270 : vector<256xf32> to vector<1x256xf32>
    %add3A_272 = arith.addf %add3A_248, %broadcast_in_dim3A_271 : vector<1x256xf32>
    %slice3A_273 = vector.extract_strided_slice %reshape3A_26 {offsets = [10, 0, 0], sizes = [1, 256, 128], strides = [1, 1, 1]} : vector<16x256x128xf32> to vector<1x256x128xf32>
    %squeeze3A_274 = vector.shape_cast %slice3A_273 : vector<1x256x128xf32> to vector<256x128xf32>
    %sub3A_275 = arith.subf %squeeze3A_274, %get3A_3 : vector<256x128xf32>
    %reduce_sum3A_276 = arith.constant dense<0.000000e+00> : vector<128xf32>
    %reduce_sum3A_277 = vector.multi_reduction <add>, %sub3A_275, %reduce_sum3A_276 [0] : vector<256x128xf32> to vector<128xf32>
    %broadcast_in_dim3A_278 = vector.shape_cast %reduce_sum3A_277 : vector<128xf32> to vector<1x128xf32>
    %add3A_279 = arith.addf %add3A_255, %broadcast_in_dim3A_278 : vector<1x128xf32>
    %mul3A_280 = arith.mulf %sub3A_275, %sub3A_275 : vector<256x128xf32>
    %reduce_sum3A_281 = arith.constant dense<0.000000e+00> : vector<128xf32>
    %reduce_sum3A_282 = vector.multi_reduction <add>, %mul3A_280, %reduce_sum3A_281 [0] : vector<256x128xf32> to vector<128xf32>
    %broadcast_in_dim3A_283 = vector.shape_cast %reduce_sum3A_282 : vector<128xf32> to vector<1x128xf32>
    %add3A_284 = arith.addf %add3A_260, %broadcast_in_dim3A_283 : vector<1x128xf32>
    %slice3A_285 = vector.extract_strided_slice %reshape3A_29 {offsets = [10, 0, 0], sizes = [1, 256, 256], strides = [1, 1, 1]} : vector<16x256x256xf32> to vector<1x256x256xf32>
    %squeeze3A_286 = vector.shape_cast %slice3A_285 : vector<1x256x256xf32> to vector<256x256xf32>
    %add3A_287 = arith.addf %squeeze3A_286, %get3A_8 : vector<256x256xf32>
    %reduce_sum3A_288 = arith.constant dense<0.000000e+00> : vector<256xf32>
    %reduce_sum3A_289 = vector.multi_reduction <add>, %add3A_287, %reduce_sum3A_288 [0] : vector<256x256xf32> to vector<256xf32>
    %broadcast_in_dim3A_290 = vector.shape_cast %reduce_sum3A_289 : vector<256xf32> to vector<1x256xf32>
    %add3A_291 = arith.addf %add3A_267, %broadcast_in_dim3A_290 : vector<1x256xf32>
    %mul3A_292 = arith.mulf %add3A_287, %add3A_287 : vector<256x256xf32>
    %reduce_sum3A_293 = arith.constant dense<0.000000e+00> : vector<256xf32>
    %reduce_sum3A_294 = vector.multi_reduction <add>, %mul3A_292, %reduce_sum3A_293 [0] : vector<256x256xf32> to vector<256xf32>
    %broadcast_in_dim3A_295 = vector.shape_cast %reduce_sum3A_294 : vector<256xf32> to vector<1x256xf32>
    %add3A_296 = arith.addf %add3A_272, %broadcast_in_dim3A_295 : vector<1x256xf32>
    %slice3A_297 = vector.extract_strided_slice %reshape3A_26 {offsets = [11, 0, 0], sizes = [1, 256, 128], strides = [1, 1, 1]} : vector<16x256x128xf32> to vector<1x256x128xf32>
    %squeeze3A_298 = vector.shape_cast %slice3A_297 : vector<1x256x128xf32> to vector<256x128xf32>
    %sub3A_299 = arith.subf %squeeze3A_298, %get3A_3 : vector<256x128xf32>
    %reduce_sum3A_300 = arith.constant dense<0.000000e+00> : vector<128xf32>
    %reduce_sum3A_301 = vector.multi_reduction <add>, %sub3A_299, %reduce_sum3A_300 [0] : vector<256x128xf32> to vector<128xf32>
    %broadcast_in_dim3A_302 = vector.shape_cast %reduce_sum3A_301 : vector<128xf32> to vector<1x128xf32>
    %add3A_303 = arith.addf %add3A_279, %broadcast_in_dim3A_302 : vector<1x128xf32>
    %mul3A_304 = arith.mulf %sub3A_299, %sub3A_299 : vector<256x128xf32>
    %reduce_sum3A_305 = arith.constant dense<0.000000e+00> : vector<128xf32>
    %reduce_sum3A_306 = vector.multi_reduction <add>, %mul3A_304, %reduce_sum3A_305 [0] : vector<256x128xf32> to vector<128xf32>
    %broadcast_in_dim3A_307 = vector.shape_cast %reduce_sum3A_306 : vector<128xf32> to vector<1x128xf32>
    %add3A_308 = arith.addf %add3A_284, %broadcast_in_dim3A_307 : vector<1x128xf32>
    %slice3A_309 = vector.extract_strided_slice %reshape3A_29 {offsets = [11, 0, 0], sizes = [1, 256, 256], strides = [1, 1, 1]} : vector<16x256x256xf32> to vector<1x256x256xf32>
    %squeeze3A_310 = vector.shape_cast %slice3A_309 : vector<1x256x256xf32> to vector<256x256xf32>
    %add3A_311 = arith.addf %squeeze3A_310, %get3A_8 : vector<256x256xf32>
    %reduce_sum3A_312 = arith.constant dense<0.000000e+00> : vector<256xf32>
    %reduce_sum3A_313 = vector.multi_reduction <add>, %add3A_311, %reduce_sum3A_312 [0] : vector<256x256xf32> to vector<256xf32>
    %broadcast_in_dim3A_314 = vector.shape_cast %reduce_sum3A_313 : vector<256xf32> to vector<1x256xf32>
    %add3A_315 = arith.addf %add3A_291, %broadcast_in_dim3A_314 : vector<1x256xf32>
    %mul3A_316 = arith.mulf %add3A_311, %add3A_311 : vector<256x256xf32>
    %reduce_sum3A_317 = arith.constant dense<0.000000e+00> : vector<256xf32>
    %reduce_sum3A_318 = vector.multi_reduction <add>, %mul3A_316, %reduce_sum3A_317 [0] : vector<256x256xf32> to vector<256xf32>
    %broadcast_in_dim3A_319 = vector.shape_cast %reduce_sum3A_318 : vector<256xf32> to vector<1x256xf32>
    %add3A_320 = arith.addf %add3A_296, %broadcast_in_dim3A_319 : vector<1x256xf32>
    %slice3A_321 = vector.extract_strided_slice %reshape3A_26 {offsets = [12, 0, 0], sizes = [1, 256, 128], strides = [1, 1, 1]} : vector<16x256x128xf32> to vector<1x256x128xf32>
    %squeeze3A_322 = vector.shape_cast %slice3A_321 : vector<1x256x128xf32> to vector<256x128xf32>
    %sub3A_323 = arith.subf %squeeze3A_322, %get3A_3 : vector<256x128xf32>
    %reduce_sum3A_324 = arith.constant dense<0.000000e+00> : vector<128xf32>
    %reduce_sum3A_325 = vector.multi_reduction <add>, %sub3A_323, %reduce_sum3A_324 [0] : vector<256x128xf32> to vector<128xf32>
    %broadcast_in_dim3A_326 = vector.shape_cast %reduce_sum3A_325 : vector<128xf32> to vector<1x128xf32>
    %add3A_327 = arith.addf %add3A_303, %broadcast_in_dim3A_326 : vector<1x128xf32>
    %mul3A_328 = arith.mulf %sub3A_323, %sub3A_323 : vector<256x128xf32>
    %reduce_sum3A_329 = arith.constant dense<0.000000e+00> : vector<128xf32>
    %reduce_sum3A_330 = vector.multi_reduction <add>, %mul3A_328, %reduce_sum3A_329 [0] : vector<256x128xf32> to vector<128xf32>
    %broadcast_in_dim3A_331 = vector.shape_cast %reduce_sum3A_330 : vector<128xf32> to vector<1x128xf32>
    %add3A_332 = arith.addf %add3A_308, %broadcast_in_dim3A_331 : vector<1x128xf32>
    %slice3A_333 = vector.extract_strided_slice %reshape3A_29 {offsets = [12, 0, 0], sizes = [1, 256, 256], strides = [1, 1, 1]} : vector<16x256x256xf32> to vector<1x256x256xf32>
    %squeeze3A_334 = vector.shape_cast %slice3A_333 : vector<1x256x256xf32> to vector<256x256xf32>
    %add3A_335 = arith.addf %squeeze3A_334, %get3A_8 : vector<256x256xf32>
    %reduce_sum3A_336 = arith.constant dense<0.000000e+00> : vector<256xf32>
    %reduce_sum3A_337 = vector.multi_reduction <add>, %add3A_335, %reduce_sum3A_336 [0] : vector<256x256xf32> to vector<256xf32>
    %broadcast_in_dim3A_338 = vector.shape_cast %reduce_sum3A_337 : vector<256xf32> to vector<1x256xf32>
    %add3A_339 = arith.addf %add3A_315, %broadcast_in_dim3A_338 : vector<1x256xf32>
    %mul3A_340 = arith.mulf %add3A_335, %add3A_335 : vector<256x256xf32>
    %reduce_sum3A_341 = arith.constant dense<0.000000e+00> : vector<256xf32>
    %reduce_sum3A_342 = vector.multi_reduction <add>, %mul3A_340, %reduce_sum3A_341 [0] : vector<256x256xf32> to vector<256xf32>
    %broadcast_in_dim3A_343 = vector.shape_cast %reduce_sum3A_342 : vector<256xf32> to vector<1x256xf32>
    %add3A_344 = arith.addf %add3A_320, %broadcast_in_dim3A_343 : vector<1x256xf32>
    %slice3A_345 = vector.extract_strided_slice %reshape3A_26 {offsets = [13, 0, 0], sizes = [1, 256, 128], strides = [1, 1, 1]} : vector<16x256x128xf32> to vector<1x256x128xf32>
    %squeeze3A_346 = vector.shape_cast %slice3A_345 : vector<1x256x128xf32> to vector<256x128xf32>
    %sub3A_347 = arith.subf %squeeze3A_346, %get3A_3 : vector<256x128xf32>
    %reduce_sum3A_348 = arith.constant dense<0.000000e+00> : vector<128xf32>
    %reduce_sum3A_349 = vector.multi_reduction <add>, %sub3A_347, %reduce_sum3A_348 [0] : vector<256x128xf32> to vector<128xf32>
    %broadcast_in_dim3A_350 = vector.shape_cast %reduce_sum3A_349 : vector<128xf32> to vector<1x128xf32>
    %add3A_351 = arith.addf %add3A_327, %broadcast_in_dim3A_350 : vector<1x128xf32>
    %mul3A_352 = arith.mulf %sub3A_347, %sub3A_347 : vector<256x128xf32>
    %reduce_sum3A_353 = arith.constant dense<0.000000e+00> : vector<128xf32>
    %reduce_sum3A_354 = vector.multi_reduction <add>, %mul3A_352, %reduce_sum3A_353 [0] : vector<256x128xf32> to vector<128xf32>
    %broadcast_in_dim3A_355 = vector.shape_cast %reduce_sum3A_354 : vector<128xf32> to vector<1x128xf32>
    %add3A_356 = arith.addf %add3A_332, %broadcast_in_dim3A_355 : vector<1x128xf32>
    %slice3A_357 = vector.extract_strided_slice %reshape3A_29 {offsets = [13, 0, 0], sizes = [1, 256, 256], strides = [1, 1, 1]} : vector<16x256x256xf32> to vector<1x256x256xf32>
    %squeeze3A_358 = vector.shape_cast %slice3A_357 : vector<1x256x256xf32> to vector<256x256xf32>
    %add3A_359 = arith.addf %squeeze3A_358, %get3A_8 : vector<256x256xf32>
    %reduce_sum3A_360 = arith.constant dense<0.000000e+00> : vector<256xf32>
    %reduce_sum3A_361 = vector.multi_reduction <add>, %add3A_359, %reduce_sum3A_360 [0] : vector<256x256xf32> to vector<256xf32>
    %broadcast_in_dim3A_362 = vector.shape_cast %reduce_sum3A_361 : vector<256xf32> to vector<1x256xf32>
    %add3A_363 = arith.addf %add3A_339, %broadcast_in_dim3A_362 : vector<1x256xf32>
    %mul3A_364 = arith.mulf %add3A_359, %add3A_359 : vector<256x256xf32>
    %reduce_sum3A_365 = arith.constant dense<0.000000e+00> : vector<256xf32>
    %reduce_sum3A_366 = vector.multi_reduction <add>, %mul3A_364, %reduce_sum3A_365 [0] : vector<256x256xf32> to vector<256xf32>
    %broadcast_in_dim3A_367 = vector.shape_cast %reduce_sum3A_366 : vector<256xf32> to vector<1x256xf32>
    %add3A_368 = arith.addf %add3A_344, %broadcast_in_dim3A_367 : vector<1x256xf32>
    %slice3A_369 = vector.extract_strided_slice %reshape3A_26 {offsets = [14, 0, 0], sizes = [1, 256, 128], strides = [1, 1, 1]} : vector<16x256x128xf32> to vector<1x256x128xf32>
    %squeeze3A_370 = vector.shape_cast %slice3A_369 : vector<1x256x128xf32> to vector<256x128xf32>
    %sub3A_371 = arith.subf %squeeze3A_370, %get3A_3 : vector<256x128xf32>
    %reduce_sum3A_372 = arith.constant dense<0.000000e+00> : vector<128xf32>
    %reduce_sum3A_373 = vector.multi_reduction <add>, %sub3A_371, %reduce_sum3A_372 [0] : vector<256x128xf32> to vector<128xf32>
    %broadcast_in_dim3A_374 = vector.shape_cast %reduce_sum3A_373 : vector<128xf32> to vector<1x128xf32>
    %add3A_375 = arith.addf %add3A_351, %broadcast_in_dim3A_374 : vector<1x128xf32>
    %mul3A_376 = arith.mulf %sub3A_371, %sub3A_371 : vector<256x128xf32>
    %reduce_sum3A_377 = arith.constant dense<0.000000e+00> : vector<128xf32>
    %reduce_sum3A_378 = vector.multi_reduction <add>, %mul3A_376, %reduce_sum3A_377 [0] : vector<256x128xf32> to vector<128xf32>
    %broadcast_in_dim3A_379 = vector.shape_cast %reduce_sum3A_378 : vector<128xf32> to vector<1x128xf32>
    %add3A_380 = arith.addf %add3A_356, %broadcast_in_dim3A_379 : vector<1x128xf32>
    %slice3A_381 = vector.extract_strided_slice %reshape3A_29 {offsets = [14, 0, 0], sizes = [1, 256, 256], strides = [1, 1, 1]} : vector<16x256x256xf32> to vector<1x256x256xf32>
    %squeeze3A_382 = vector.shape_cast %slice3A_381 : vector<1x256x256xf32> to vector<256x256xf32>
    %add3A_383 = arith.addf %squeeze3A_382, %get3A_8 : vector<256x256xf32>
    %reduce_sum3A_384 = arith.constant dense<0.000000e+00> : vector<256xf32>
    %reduce_sum3A_385 = vector.multi_reduction <add>, %add3A_383, %reduce_sum3A_384 [0] : vector<256x256xf32> to vector<256xf32>
    %broadcast_in_dim3A_386 = vector.shape_cast %reduce_sum3A_385 : vector<256xf32> to vector<1x256xf32>
    %add3A_387 = arith.addf %add3A_363, %broadcast_in_dim3A_386 : vector<1x256xf32>
    %mul3A_388 = arith.mulf %add3A_383, %add3A_383 : vector<256x256xf32>
    %reduce_sum3A_389 = arith.constant dense<0.000000e+00> : vector<256xf32>
    %reduce_sum3A_390 = vector.multi_reduction <add>, %mul3A_388, %reduce_sum3A_389 [0] : vector<256x256xf32> to vector<256xf32>
    %broadcast_in_dim3A_391 = vector.shape_cast %reduce_sum3A_390 : vector<256xf32> to vector<1x256xf32>
    %add3A_392 = arith.addf %add3A_368, %broadcast_in_dim3A_391 : vector<1x256xf32>
    %slice3A_393 = vector.extract_strided_slice %reshape3A_26 {offsets = [15, 0, 0], sizes = [1, 256, 128], strides = [1, 1, 1]} : vector<16x256x128xf32> to vector<1x256x128xf32>
    %squeeze3A_394 = vector.shape_cast %slice3A_393 : vector<1x256x128xf32> to vector<256x128xf32>
    %sub3A_395 = arith.subf %squeeze3A_394, %get3A_3 : vector<256x128xf32>
    %reduce_sum3A_396 = arith.constant dense<0.000000e+00> : vector<128xf32>
    %reduce_sum3A_397 = vector.multi_reduction <add>, %sub3A_395, %reduce_sum3A_396 [0] : vector<256x128xf32> to vector<128xf32>
    %broadcast_in_dim3A_398 = vector.shape_cast %reduce_sum3A_397 : vector<128xf32> to vector<1x128xf32>
    %add3A_399 = arith.addf %add3A_375, %broadcast_in_dim3A_398 : vector<1x128xf32>
    %mul3A_400 = arith.mulf %sub3A_395, %sub3A_395 : vector<256x128xf32>
    %reduce_sum3A_401 = arith.constant dense<0.000000e+00> : vector<128xf32>
    %reduce_sum3A_402 = vector.multi_reduction <add>, %mul3A_400, %reduce_sum3A_401 [0] : vector<256x128xf32> to vector<128xf32>
    %broadcast_in_dim3A_403 = vector.shape_cast %reduce_sum3A_402 : vector<128xf32> to vector<1x128xf32>
    %add3A_404 = arith.addf %add3A_380, %broadcast_in_dim3A_403 : vector<1x128xf32>
    %slice3A_405 = vector.extract_strided_slice %reshape3A_29 {offsets = [15, 0, 0], sizes = [1, 256, 256], strides = [1, 1, 1]} : vector<16x256x256xf32> to vector<1x256x256xf32>
    %squeeze3A_406 = vector.shape_cast %slice3A_405 : vector<1x256x256xf32> to vector<256x256xf32>
    %add3A_407 = arith.addf %squeeze3A_406, %get3A_8 : vector<256x256xf32>
    %reduce_sum3A_408 = arith.constant dense<0.000000e+00> : vector<256xf32>
    %reduce_sum3A_409 = vector.multi_reduction <add>, %add3A_407, %reduce_sum3A_408 [0] : vector<256x256xf32> to vector<256xf32>
    %broadcast_in_dim3A_410 = vector.shape_cast %reduce_sum3A_409 : vector<256xf32> to vector<1x256xf32>
    %add3A_411 = arith.addf %add3A_387, %broadcast_in_dim3A_410 : vector<1x256xf32>
    %mul3A_412 = arith.mulf %add3A_407, %add3A_407 : vector<256x256xf32>
    %reduce_sum3A_413 = arith.constant dense<0.000000e+00> : vector<256xf32>
    %reduce_sum3A_414 = vector.multi_reduction <add>, %mul3A_412, %reduce_sum3A_413 [0] : vector<256x256xf32> to vector<256xf32>
    %broadcast_in_dim3A_415 = vector.shape_cast %reduce_sum3A_414 : vector<256xf32> to vector<1x256xf32>
    %add3A_416 = arith.addf %add3A_392, %broadcast_in_dim3A_415 : vector<1x256xf32>
    %broadcast_in_dim3A_417 = arith.constant 0.000000e+00 : f32
    %broadcast_in_dim3A_418 = vector.broadcast %broadcast_in_dim3A_417 : f32 to vector<6x128xf32>
    %concatenate3A = tpu.concatenate %add3A_399, %add3A_404, %broadcast_in_dim3A_418 in 0 : vector<1x128xf32>, vector<1x128xf32>, vector<6x128xf32> -> vector<8x128xf32>
    %broadcast_in_dim3A_419 = arith.constant 0.000000e+00 : f32
    %broadcast_in_dim3A_420 = vector.broadcast %broadcast_in_dim3A_419 : f32 to vector<6x256xf32>
    %concatenate3A_421 = tpu.concatenate %add3A_411, %add3A_416, %broadcast_in_dim3A_420 in 0 : vector<1x256xf32>, vector<1x256xf32>, vector<6x256xf32> -> vector<8x256xf32>
    %eq3A = arith.constant 0 : i32
    %eq3A_422 = arith.cmpi eq, %arg0, %eq3A : i32
    %eq3A_423 = arith.constant 0 : i32
    %eq3A_424 = arith.cmpi eq, %arg1, %eq3A_423 : i32
    %and3A = arith.andi %eq3A_422, %eq3A_424 : i1
    %convert_element_type3A = arith.extui %and3A : i1 to i32
    %cond3A = arith.constant 0 : i32
    %cond3A_425 = arith.cmpi ne, %convert_element_type3A, %cond3A : i32
    scf.if %cond3A_425 {
      %broadcast_in_dim3A_439 = arith.constant 0.000000e+00 : f32
      %broadcast_in_dim3A_440 = vector.broadcast %broadcast_in_dim3A_439 : f32 to vector<8x128xf32>
      %swap3A_441 = arith.constant 0 : index
      %swap3A_442 = arith.constant 0 : index
      %swap3A_443 = vector.load %arg8[%swap3A_441, %swap3A_442] : memref<8x128xf32, #tpu.memory_space<vmem>>, vector<8x128xf32>
      tpu.vector_store %arg8[%swap3A_441, %swap3A_442], %broadcast_in_dim3A_440 {strides = array<i32>} : memref<8x128xf32, #tpu.memory_space<vmem>>, vector<8x128xf32>,
      %broadcast_in_dim3A_444 = arith.constant 0.000000e+00 : f32
      %broadcast_in_dim3A_445 = vector.broadcast %broadcast_in_dim3A_444 : f32 to vector<8x256xf32>
      %swap3A_446 = arith.constant 0 : index
      %swap3A_447 = arith.constant 0 : index
      %swap3A_448 = vector.load %arg9[%swap3A_446, %swap3A_447] : memref<8x256xf32, #tpu.memory_space<vmem>>, vector<8x256xf32>
      tpu.vector_store %arg9[%swap3A_446, %swap3A_447], %broadcast_in_dim3A_445 {strides = array<i32>} : memref<8x256xf32, #tpu.memory_space<vmem>>, vector<8x256xf32>,
    } else {
    }
    %get3A_426 = arith.constant 0 : index
    %get3A_427 = arith.constant 0 : index
    %get3A_428 = vector.load %arg8[%get3A_426, %get3A_427] : memref<8x128xf32, #tpu.memory_space<vmem>>, vector<8x128xf32>
    %add3A_429 = arith.addf %get3A_428, %concatenate3A : vector<8x128xf32>
    %swap3A = arith.constant 0 : index
    %swap3A_430 = arith.constant 0 : index
    %swap3A_431 = vector.load %arg8[%swap3A, %swap3A_430] : memref<8x128xf32, #tpu.memory_space<vmem>>, vector<8x128xf32>
    tpu.vector_store %arg8[%swap3A, %swap3A_430], %add3A_429 {strides = array<i32>} : memref<8x128xf32, #tpu.memory_space<vmem>>, vector<8x128xf32>,
    %get3A_432 = arith.constant 0 : index
    %get3A_433 = arith.constant 0 : index
    %get3A_434 = vector.load %arg9[%get3A_432, %get3A_433] : memref<8x256xf32, #tpu.memory_space<vmem>>, vector<8x256xf32>
    %add3A_435 = arith.addf %get3A_434, %concatenate3A_421 : vector<8x256xf32>
    %swap3A_436 = arith.constant 0 : index
    %swap3A_437 = arith.constant 0 : index
    %swap3A_438 = vector.load %arg9[%swap3A_436, %swap3A_437] : memref<8x256xf32, #tpu.memory_space<vmem>>, vector<8x256xf32>
    tpu.vector_store %arg9[%swap3A_436, %swap3A_437], %add3A_435 {strides = array<i32>} : memref<8x256xf32, #tpu.memory_space<vmem>>, vector<8x256xf32>,
    return
  }
  func.func @transform_0(%arg0: i32, %arg1: i32) -> (i32, i32, i32, i32) {
    %c0_i32 = arith.constant 0 : i32
    %c0_i32_0 = arith.constant 0 : i32
    %c0_i32_1 = arith.constant 0 : i32
    return %arg0, %c0_i32, %arg1, %c0_i32_0 : i32, i32, i32, i32
  }
  func.func @transform_1(%arg0: i32, %arg1: i32) -> (i32, i32, i32) {
    %c0_i32 = arith.constant 0 : i32
    %c0_i32_0 = arith.constant 0 : i32
    return %arg0, %arg1, %c0_i32 : i32, i32, i32
  }
  func.func @transform_2(%arg0: i32, %arg1: i32) -> (i32, i32, i32) {
    %c0_i32 = arith.constant 0 : i32
    %c0_i32_0 = arith.constant 0 : i32
    return %arg0, %arg1, %c0_i32 : i32, i32, i32
  }
  func.func @transform_3(%arg0: i32, %arg1: i32) -> (i32, i32) {
    %c0_i32 = arith.constant 0 : i32
    %c0_i32_0 = arith.constant 0 : i32
    %c0_i32_1 = arith.constant 0 : i32
    return %c0_i32, %c0_i32_0 : i32, i32
  }
  func.func @transform_4(%arg0: i32, %arg1: i32) -> (i32, i32) {
    %c0_i32 = arith.constant 0 : i32
    %c0_i32_0 = arith.constant 0 : i32
    %c0_i32_1 = arith.constant 0 : i32
    return %c0_i32, %c0_i32_0 : i32, i32
  }
  func.func @transform_5(%arg0: i32, %arg1: i32) -> (i32, i32) {
    %c0_i32 = arith.constant 0 : i32
    %c0_i32_0 = arith.constant 0 : i32
    %c0_i32_1 = arith.constant 0 : i32
    return %c0_i32, %c0_i32_0 : i32, i32
  }
  func.func @transform_6(%arg0: i32, %arg1: i32) -> (i32, i32) {
    %c0_i32 = arith.constant 0 : i32
    %c0_i32_0 = arith.constant 0 : i32
    %c0_i32_1 = arith.constant 0 : i32
    return %c0_i32, %c0_i32_0 : i32, i32
  }
  func.func @transform_7(%arg0: i32, %arg1: i32) -> (i32, i32) {
    %c0_i32 = arith.constant 0 : i32
    %c0_i32_0 = arith.constant 0 : i32
    %c0_i32_1 = arith.constant 0 : i32
    return %c0_i32, %c0_i32_0 : i32, i32
  }
}

module attributes {stable_mosaic.version = 14 : i64} {
  func.func @_stats2_body(%arg0: i32, %arg1: i32, %arg2: memref<1x16x256x128xf32, #tpu.memory_space<vmem>>, %arg3: memref<1x256x128xf32, #tpu.memory_space<vmem>>, %arg4: memref<128x128xf32, #tpu.memory_space<vmem>>, %arg5: memref<1x128xf32, #tpu.memory_space<vmem>>, %arg6: memref<8x128xf32, #tpu.memory_space<vmem>>, %arg7: memref<1x128xf32, #tpu.memory_space<vmem>>, %arg8: memref<1x128xf32, #tpu.memory_space<vmem>>, %arg9: memref<128x256xf32, #tpu.memory_space<vmem>>, %arg10: memref<1x256xf32, #tpu.memory_space<vmem>>, %arg11: memref<8x256xf32, #tpu.memory_space<vmem>>) attributes {dimension_semantics = [#tpu.dimension_semantics<arbitrary>, #tpu.dimension_semantics<arbitrary>], iteration_bounds = array<i64: 4, 8>, scalar_prefetch = 0 : i64, scratch_operands = 0 : i64, tpu.core_type = #tpu.core_type<tc>, window_params = [{transform_indices = @transform_0, window_bounds = array<i64: 1, 16, 256, 128>}, {transform_indices = @transform_1, window_bounds = array<i64: 1, 256, 128>}, {pipeline_mode = #tpu.pipeline_mode<synchronous>, transform_indices = @transform_2, window_bounds = array<i64: 128, 128>}, {pipeline_mode = #tpu.pipeline_mode<synchronous>, transform_indices = @transform_3, window_bounds = array<i64: 1, 128>}, {pipeline_mode = #tpu.pipeline_mode<synchronous>, transform_indices = @transform_4, window_bounds = array<i64: 8, 128>}, {pipeline_mode = #tpu.pipeline_mode<synchronous>, transform_indices = @transform_5, window_bounds = array<i64: 1, 128>}, {pipeline_mode = #tpu.pipeline_mode<synchronous>, transform_indices = @transform_6, window_bounds = array<i64: 1, 128>}, {pipeline_mode = #tpu.pipeline_mode<synchronous>, transform_indices = @transform_7, window_bounds = array<i64: 128, 256>}, {pipeline_mode = #tpu.pipeline_mode<synchronous>, transform_indices = @transform_8, window_bounds = array<i64: 1, 256>}, {pipeline_mode = #tpu.pipeline_mode<synchronous>, transform_indices = @transform_9, window_bounds = array<i64: 8, 256>}]} {
    %get3A = arith.constant 0 : index
    %get3A_0 = arith.constant 0 : index
    %get3A_1 = arith.constant 0 : index
    %get3A_2 = vector.load %arg3[%get3A, %get3A_0, %get3A_1] : memref<1x256x128xf32, #tpu.memory_space<vmem>>, vector<1x256x128xf32>
    %get3A_3 = vector.shape_cast %get3A_2 : vector<1x256x128xf32> to vector<256x128xf32>
    %get3A_4 = arith.constant 0 : index
    %get3A_5 = arith.constant 0 : index
    %get3A_6 = vector.load %arg6[%get3A_4, %get3A_5] : memref<8x128xf32, #tpu.memory_space<vmem>>, vector<8x128xf32>
    %get3A_7 = arith.constant 0 : index
    %get3A_8 = arith.constant 0 : index
    %get3A_9 = vector.load %arg7[%get3A_7, %get3A_8] : memref<1x128xf32, #tpu.memory_space<vmem>>, vector<1x128xf32>
    %get3A_10 = arith.constant 0 : index
    %get3A_11 = arith.constant 0 : index
    %get3A_12 = vector.load %arg8[%get3A_10, %get3A_11] : memref<1x128xf32, #tpu.memory_space<vmem>>, vector<1x128xf32>
    %slice3A = vector.extract_strided_slice %get3A_6 {offsets = [0, 0], sizes = [1, 128], strides = [1, 1]} : vector<8x128xf32> to vector<1x128xf32>
    %div3A = arith.constant 1.310720e+05 : f32
    %div3A_13 = vector.broadcast %div3A : f32 to vector<1x128xf32>
    %div3A_14 = arith.divf %slice3A, %div3A_13 : vector<1x128xf32>
    %slice3A_15 = vector.extract_strided_slice %get3A_6 {offsets = [1, 0], sizes = [1, 128], strides = [1, 1]} : vector<8x128xf32> to vector<1x128xf32>
    %div3A_16 = arith.constant 1.310720e+05 : f32
    %div3A_17 = vector.broadcast %div3A_16 : f32 to vector<1x128xf32>
    %div3A_18 = arith.divf %slice3A_15, %div3A_17 : vector<1x128xf32>
    %mul3A = arith.mulf %div3A_14, %div3A_14 : vector<1x128xf32>
    %sub3A = arith.subf %div3A_18, %mul3A : vector<1x128xf32>
    %add3A = arith.constant 9.99999974E-6 : f32
    %add3A_19 = vector.broadcast %add3A : f32 to vector<1x128xf32>
    %add3A_20 = arith.addf %sub3A, %add3A_19 : vector<1x128xf32>
    %sqrt3A = math.sqrt %add3A_20 : vector<1x128xf32>
    %div3A_21 = arith.divf %get3A_9, %sqrt3A : vector<1x128xf32>
    %get3A_22 = arith.constant 0 : index
    %get3A_23 = arith.constant 0 : index
    %get3A_24 = arith.constant 0 : index
    %get3A_25 = arith.constant 0 : index
    %get3A_26 = vector.load %arg2[%get3A_22, %get3A_23, %get3A_24, %get3A_25] : memref<1x16x256x128xf32, #tpu.memory_space<vmem>>, vector<1x16x256x128xf32>
    %get3A_27 = vector.shape_cast %get3A_26 : vector<1x16x256x128xf32> to vector<16x256x128xf32>
    %reshape3A = vector.shape_cast %get3A_27 : vector<16x256x128xf32> to vector<4096x128xf32>
    %get3A_28 = arith.constant 0 : index
    %get3A_29 = arith.constant 0 : index
    %get3A_30 = vector.load %arg4[%get3A_28, %get3A_29] : memref<128x128xf32, #tpu.memory_space<vmem>>, vector<128x128xf32>
    %dot_general3A = arith.constant dense<0.000000e+00> : vector<4096x128xf32>
    %dot_general3A_31 = tpu.matmul %reshape3A, %get3A_30, %dot_general3A {dimension_numbers = #tpu.dot_dimension_numbers<[1], [0], [0], [1], [0, 0, 1, 1], [], []>, transpose_lhs_hint = false} : vector<4096x128xf32>, vector<128x128xf32>, vector<4096x128xf32> -> vector<4096x128xf32>
    %get3A_32 = arith.constant 0 : index
    %get3A_33 = arith.constant 0 : index
    %get3A_34 = vector.load %arg5[%get3A_32, %get3A_33] : memref<1x128xf32, #tpu.memory_space<vmem>>, vector<1x128xf32>
    %add3A_35 = vector.broadcast %get3A_34 : vector<1x128xf32> to vector<4096x128xf32>
    %add3A_36 = arith.addf %dot_general3A_31, %add3A_35 : vector<4096x128xf32>
    %reshape3A_37 = vector.shape_cast %add3A_36 : vector<4096x128xf32> to vector<16x256x128xf32>
    %slice3A_38 = vector.extract_strided_slice %reshape3A_37 {offsets = [0, 0, 0], sizes = [1, 256, 128], strides = [1, 1, 1]} : vector<16x256x128xf32> to vector<1x256x128xf32>
    %squeeze3A = vector.shape_cast %slice3A_38 : vector<1x256x128xf32> to vector<256x128xf32>
    %sub3A_39 = arith.subf %squeeze3A, %get3A_3 : vector<256x128xf32>
    %sub3A_40 = vector.broadcast %div3A_14 : vector<1x128xf32> to vector<256x128xf32>
    %sub3A_41 = arith.subf %sub3A_39, %sub3A_40 : vector<256x128xf32>
    %mul3A_42 = vector.broadcast %div3A_21 : vector<1x128xf32> to vector<256x128xf32>
    %mul3A_43 = arith.mulf %sub3A_41, %mul3A_42 : vector<256x128xf32>
    %add3A_44 = vector.broadcast %get3A_12 : vector<1x128xf32> to vector<256x128xf32>
    %add3A_45 = arith.addf %mul3A_43, %add3A_44 : vector<256x128xf32>
    %ge3A = arith.constant 0.000000e+00 : f32
    %ge3A_46 = vector.broadcast %ge3A : f32 to vector<256x128xf32>
    %ge3A_47 = arith.cmpf oge, %add3A_45, %ge3A_46 : vector<256x128xf32>
    %mul3A_48 = arith.constant 2.000000e-01 : f32
    %mul3A_49 = vector.broadcast %mul3A_48 : f32 to vector<256x128xf32>
    %mul3A_50 = arith.mulf %mul3A_49, %add3A_45 : vector<256x128xf32>
    %select_n3A = arith.select %ge3A_47, %add3A_45, %mul3A_50 : vector<256x128xi1>, vector<256x128xf32>
    %slice3A_51 = vector.extract_strided_slice %reshape3A_37 {offsets = [1, 0, 0], sizes = [1, 256, 128], strides = [1, 1, 1]} : vector<16x256x128xf32> to vector<1x256x128xf32>
    %squeeze3A_52 = vector.shape_cast %slice3A_51 : vector<1x256x128xf32> to vector<256x128xf32>
    %sub3A_53 = arith.subf %squeeze3A_52, %get3A_3 : vector<256x128xf32>
    %sub3A_54 = vector.broadcast %div3A_14 : vector<1x128xf32> to vector<256x128xf32>
    %sub3A_55 = arith.subf %sub3A_53, %sub3A_54 : vector<256x128xf32>
    %mul3A_56 = vector.broadcast %div3A_21 : vector<1x128xf32> to vector<256x128xf32>
    %mul3A_57 = arith.mulf %sub3A_55, %mul3A_56 : vector<256x128xf32>
    %add3A_58 = vector.broadcast %get3A_12 : vector<1x128xf32> to vector<256x128xf32>
    %add3A_59 = arith.addf %mul3A_57, %add3A_58 : vector<256x128xf32>
    %ge3A_60 = arith.constant 0.000000e+00 : f32
    %ge3A_61 = vector.broadcast %ge3A_60 : f32 to vector<256x128xf32>
    %ge3A_62 = arith.cmpf oge, %add3A_59, %ge3A_61 : vector<256x128xf32>
    %mul3A_63 = arith.constant 2.000000e-01 : f32
    %mul3A_64 = vector.broadcast %mul3A_63 : f32 to vector<256x128xf32>
    %mul3A_65 = arith.mulf %mul3A_64, %add3A_59 : vector<256x128xf32>
    %select_n3A_66 = arith.select %ge3A_62, %add3A_59, %mul3A_65 : vector<256x128xi1>, vector<256x128xf32>
    %slice3A_67 = vector.extract_strided_slice %reshape3A_37 {offsets = [2, 0, 0], sizes = [1, 256, 128], strides = [1, 1, 1]} : vector<16x256x128xf32> to vector<1x256x128xf32>
    %squeeze3A_68 = vector.shape_cast %slice3A_67 : vector<1x256x128xf32> to vector<256x128xf32>
    %sub3A_69 = arith.subf %squeeze3A_68, %get3A_3 : vector<256x128xf32>
    %sub3A_70 = vector.broadcast %div3A_14 : vector<1x128xf32> to vector<256x128xf32>
    %sub3A_71 = arith.subf %sub3A_69, %sub3A_70 : vector<256x128xf32>
    %mul3A_72 = vector.broadcast %div3A_21 : vector<1x128xf32> to vector<256x128xf32>
    %mul3A_73 = arith.mulf %sub3A_71, %mul3A_72 : vector<256x128xf32>
    %add3A_74 = vector.broadcast %get3A_12 : vector<1x128xf32> to vector<256x128xf32>
    %add3A_75 = arith.addf %mul3A_73, %add3A_74 : vector<256x128xf32>
    %ge3A_76 = arith.constant 0.000000e+00 : f32
    %ge3A_77 = vector.broadcast %ge3A_76 : f32 to vector<256x128xf32>
    %ge3A_78 = arith.cmpf oge, %add3A_75, %ge3A_77 : vector<256x128xf32>
    %mul3A_79 = arith.constant 2.000000e-01 : f32
    %mul3A_80 = vector.broadcast %mul3A_79 : f32 to vector<256x128xf32>
    %mul3A_81 = arith.mulf %mul3A_80, %add3A_75 : vector<256x128xf32>
    %select_n3A_82 = arith.select %ge3A_78, %add3A_75, %mul3A_81 : vector<256x128xi1>, vector<256x128xf32>
    %slice3A_83 = vector.extract_strided_slice %reshape3A_37 {offsets = [3, 0, 0], sizes = [1, 256, 128], strides = [1, 1, 1]} : vector<16x256x128xf32> to vector<1x256x128xf32>
    %squeeze3A_84 = vector.shape_cast %slice3A_83 : vector<1x256x128xf32> to vector<256x128xf32>
    %sub3A_85 = arith.subf %squeeze3A_84, %get3A_3 : vector<256x128xf32>
    %sub3A_86 = vector.broadcast %div3A_14 : vector<1x128xf32> to vector<256x128xf32>
    %sub3A_87 = arith.subf %sub3A_85, %sub3A_86 : vector<256x128xf32>
    %mul3A_88 = vector.broadcast %div3A_21 : vector<1x128xf32> to vector<256x128xf32>
    %mul3A_89 = arith.mulf %sub3A_87, %mul3A_88 : vector<256x128xf32>
    %add3A_90 = vector.broadcast %get3A_12 : vector<1x128xf32> to vector<256x128xf32>
    %add3A_91 = arith.addf %mul3A_89, %add3A_90 : vector<256x128xf32>
    %ge3A_92 = arith.constant 0.000000e+00 : f32
    %ge3A_93 = vector.broadcast %ge3A_92 : f32 to vector<256x128xf32>
    %ge3A_94 = arith.cmpf oge, %add3A_91, %ge3A_93 : vector<256x128xf32>
    %mul3A_95 = arith.constant 2.000000e-01 : f32
    %mul3A_96 = vector.broadcast %mul3A_95 : f32 to vector<256x128xf32>
    %mul3A_97 = arith.mulf %mul3A_96, %add3A_91 : vector<256x128xf32>
    %select_n3A_98 = arith.select %ge3A_94, %add3A_91, %mul3A_97 : vector<256x128xi1>, vector<256x128xf32>
    %slice3A_99 = vector.extract_strided_slice %reshape3A_37 {offsets = [4, 0, 0], sizes = [1, 256, 128], strides = [1, 1, 1]} : vector<16x256x128xf32> to vector<1x256x128xf32>
    %squeeze3A_100 = vector.shape_cast %slice3A_99 : vector<1x256x128xf32> to vector<256x128xf32>
    %sub3A_101 = arith.subf %squeeze3A_100, %get3A_3 : vector<256x128xf32>
    %sub3A_102 = vector.broadcast %div3A_14 : vector<1x128xf32> to vector<256x128xf32>
    %sub3A_103 = arith.subf %sub3A_101, %sub3A_102 : vector<256x128xf32>
    %mul3A_104 = vector.broadcast %div3A_21 : vector<1x128xf32> to vector<256x128xf32>
    %mul3A_105 = arith.mulf %sub3A_103, %mul3A_104 : vector<256x128xf32>
    %add3A_106 = vector.broadcast %get3A_12 : vector<1x128xf32> to vector<256x128xf32>
    %add3A_107 = arith.addf %mul3A_105, %add3A_106 : vector<256x128xf32>
    %ge3A_108 = arith.constant 0.000000e+00 : f32
    %ge3A_109 = vector.broadcast %ge3A_108 : f32 to vector<256x128xf32>
    %ge3A_110 = arith.cmpf oge, %add3A_107, %ge3A_109 : vector<256x128xf32>
    %mul3A_111 = arith.constant 2.000000e-01 : f32
    %mul3A_112 = vector.broadcast %mul3A_111 : f32 to vector<256x128xf32>
    %mul3A_113 = arith.mulf %mul3A_112, %add3A_107 : vector<256x128xf32>
    %select_n3A_114 = arith.select %ge3A_110, %add3A_107, %mul3A_113 : vector<256x128xi1>, vector<256x128xf32>
    %slice3A_115 = vector.extract_strided_slice %reshape3A_37 {offsets = [5, 0, 0], sizes = [1, 256, 128], strides = [1, 1, 1]} : vector<16x256x128xf32> to vector<1x256x128xf32>
    %squeeze3A_116 = vector.shape_cast %slice3A_115 : vector<1x256x128xf32> to vector<256x128xf32>
    %sub3A_117 = arith.subf %squeeze3A_116, %get3A_3 : vector<256x128xf32>
    %sub3A_118 = vector.broadcast %div3A_14 : vector<1x128xf32> to vector<256x128xf32>
    %sub3A_119 = arith.subf %sub3A_117, %sub3A_118 : vector<256x128xf32>
    %mul3A_120 = vector.broadcast %div3A_21 : vector<1x128xf32> to vector<256x128xf32>
    %mul3A_121 = arith.mulf %sub3A_119, %mul3A_120 : vector<256x128xf32>
    %add3A_122 = vector.broadcast %get3A_12 : vector<1x128xf32> to vector<256x128xf32>
    %add3A_123 = arith.addf %mul3A_121, %add3A_122 : vector<256x128xf32>
    %ge3A_124 = arith.constant 0.000000e+00 : f32
    %ge3A_125 = vector.broadcast %ge3A_124 : f32 to vector<256x128xf32>
    %ge3A_126 = arith.cmpf oge, %add3A_123, %ge3A_125 : vector<256x128xf32>
    %mul3A_127 = arith.constant 2.000000e-01 : f32
    %mul3A_128 = vector.broadcast %mul3A_127 : f32 to vector<256x128xf32>
    %mul3A_129 = arith.mulf %mul3A_128, %add3A_123 : vector<256x128xf32>
    %select_n3A_130 = arith.select %ge3A_126, %add3A_123, %mul3A_129 : vector<256x128xi1>, vector<256x128xf32>
    %slice3A_131 = vector.extract_strided_slice %reshape3A_37 {offsets = [6, 0, 0], sizes = [1, 256, 128], strides = [1, 1, 1]} : vector<16x256x128xf32> to vector<1x256x128xf32>
    %squeeze3A_132 = vector.shape_cast %slice3A_131 : vector<1x256x128xf32> to vector<256x128xf32>
    %sub3A_133 = arith.subf %squeeze3A_132, %get3A_3 : vector<256x128xf32>
    %sub3A_134 = vector.broadcast %div3A_14 : vector<1x128xf32> to vector<256x128xf32>
    %sub3A_135 = arith.subf %sub3A_133, %sub3A_134 : vector<256x128xf32>
    %mul3A_136 = vector.broadcast %div3A_21 : vector<1x128xf32> to vector<256x128xf32>
    %mul3A_137 = arith.mulf %sub3A_135, %mul3A_136 : vector<256x128xf32>
    %add3A_138 = vector.broadcast %get3A_12 : vector<1x128xf32> to vector<256x128xf32>
    %add3A_139 = arith.addf %mul3A_137, %add3A_138 : vector<256x128xf32>
    %ge3A_140 = arith.constant 0.000000e+00 : f32
    %ge3A_141 = vector.broadcast %ge3A_140 : f32 to vector<256x128xf32>
    %ge3A_142 = arith.cmpf oge, %add3A_139, %ge3A_141 : vector<256x128xf32>
    %mul3A_143 = arith.constant 2.000000e-01 : f32
    %mul3A_144 = vector.broadcast %mul3A_143 : f32 to vector<256x128xf32>
    %mul3A_145 = arith.mulf %mul3A_144, %add3A_139 : vector<256x128xf32>
    %select_n3A_146 = arith.select %ge3A_142, %add3A_139, %mul3A_145 : vector<256x128xi1>, vector<256x128xf32>
    %slice3A_147 = vector.extract_strided_slice %reshape3A_37 {offsets = [7, 0, 0], sizes = [1, 256, 128], strides = [1, 1, 1]} : vector<16x256x128xf32> to vector<1x256x128xf32>
    %squeeze3A_148 = vector.shape_cast %slice3A_147 : vector<1x256x128xf32> to vector<256x128xf32>
    %sub3A_149 = arith.subf %squeeze3A_148, %get3A_3 : vector<256x128xf32>
    %sub3A_150 = vector.broadcast %div3A_14 : vector<1x128xf32> to vector<256x128xf32>
    %sub3A_151 = arith.subf %sub3A_149, %sub3A_150 : vector<256x128xf32>
    %mul3A_152 = vector.broadcast %div3A_21 : vector<1x128xf32> to vector<256x128xf32>
    %mul3A_153 = arith.mulf %sub3A_151, %mul3A_152 : vector<256x128xf32>
    %add3A_154 = vector.broadcast %get3A_12 : vector<1x128xf32> to vector<256x128xf32>
    %add3A_155 = arith.addf %mul3A_153, %add3A_154 : vector<256x128xf32>
    %ge3A_156 = arith.constant 0.000000e+00 : f32
    %ge3A_157 = vector.broadcast %ge3A_156 : f32 to vector<256x128xf32>
    %ge3A_158 = arith.cmpf oge, %add3A_155, %ge3A_157 : vector<256x128xf32>
    %mul3A_159 = arith.constant 2.000000e-01 : f32
    %mul3A_160 = vector.broadcast %mul3A_159 : f32 to vector<256x128xf32>
    %mul3A_161 = arith.mulf %mul3A_160, %add3A_155 : vector<256x128xf32>
    %select_n3A_162 = arith.select %ge3A_158, %add3A_155, %mul3A_161 : vector<256x128xi1>, vector<256x128xf32>
    %slice3A_163 = vector.extract_strided_slice %reshape3A_37 {offsets = [8, 0, 0], sizes = [1, 256, 128], strides = [1, 1, 1]} : vector<16x256x128xf32> to vector<1x256x128xf32>
    %squeeze3A_164 = vector.shape_cast %slice3A_163 : vector<1x256x128xf32> to vector<256x128xf32>
    %sub3A_165 = arith.subf %squeeze3A_164, %get3A_3 : vector<256x128xf32>
    %sub3A_166 = vector.broadcast %div3A_14 : vector<1x128xf32> to vector<256x128xf32>
    %sub3A_167 = arith.subf %sub3A_165, %sub3A_166 : vector<256x128xf32>
    %mul3A_168 = vector.broadcast %div3A_21 : vector<1x128xf32> to vector<256x128xf32>
    %mul3A_169 = arith.mulf %sub3A_167, %mul3A_168 : vector<256x128xf32>
    %add3A_170 = vector.broadcast %get3A_12 : vector<1x128xf32> to vector<256x128xf32>
    %add3A_171 = arith.addf %mul3A_169, %add3A_170 : vector<256x128xf32>
    %ge3A_172 = arith.constant 0.000000e+00 : f32
    %ge3A_173 = vector.broadcast %ge3A_172 : f32 to vector<256x128xf32>
    %ge3A_174 = arith.cmpf oge, %add3A_171, %ge3A_173 : vector<256x128xf32>
    %mul3A_175 = arith.constant 2.000000e-01 : f32
    %mul3A_176 = vector.broadcast %mul3A_175 : f32 to vector<256x128xf32>
    %mul3A_177 = arith.mulf %mul3A_176, %add3A_171 : vector<256x128xf32>
    %select_n3A_178 = arith.select %ge3A_174, %add3A_171, %mul3A_177 : vector<256x128xi1>, vector<256x128xf32>
    %slice3A_179 = vector.extract_strided_slice %reshape3A_37 {offsets = [9, 0, 0], sizes = [1, 256, 128], strides = [1, 1, 1]} : vector<16x256x128xf32> to vector<1x256x128xf32>
    %squeeze3A_180 = vector.shape_cast %slice3A_179 : vector<1x256x128xf32> to vector<256x128xf32>
    %sub3A_181 = arith.subf %squeeze3A_180, %get3A_3 : vector<256x128xf32>
    %sub3A_182 = vector.broadcast %div3A_14 : vector<1x128xf32> to vector<256x128xf32>
    %sub3A_183 = arith.subf %sub3A_181, %sub3A_182 : vector<256x128xf32>
    %mul3A_184 = vector.broadcast %div3A_21 : vector<1x128xf32> to vector<256x128xf32>
    %mul3A_185 = arith.mulf %sub3A_183, %mul3A_184 : vector<256x128xf32>
    %add3A_186 = vector.broadcast %get3A_12 : vector<1x128xf32> to vector<256x128xf32>
    %add3A_187 = arith.addf %mul3A_185, %add3A_186 : vector<256x128xf32>
    %ge3A_188 = arith.constant 0.000000e+00 : f32
    %ge3A_189 = vector.broadcast %ge3A_188 : f32 to vector<256x128xf32>
    %ge3A_190 = arith.cmpf oge, %add3A_187, %ge3A_189 : vector<256x128xf32>
    %mul3A_191 = arith.constant 2.000000e-01 : f32
    %mul3A_192 = vector.broadcast %mul3A_191 : f32 to vector<256x128xf32>
    %mul3A_193 = arith.mulf %mul3A_192, %add3A_187 : vector<256x128xf32>
    %select_n3A_194 = arith.select %ge3A_190, %add3A_187, %mul3A_193 : vector<256x128xi1>, vector<256x128xf32>
    %slice3A_195 = vector.extract_strided_slice %reshape3A_37 {offsets = [10, 0, 0], sizes = [1, 256, 128], strides = [1, 1, 1]} : vector<16x256x128xf32> to vector<1x256x128xf32>
    %squeeze3A_196 = vector.shape_cast %slice3A_195 : vector<1x256x128xf32> to vector<256x128xf32>
    %sub3A_197 = arith.subf %squeeze3A_196, %get3A_3 : vector<256x128xf32>
    %sub3A_198 = vector.broadcast %div3A_14 : vector<1x128xf32> to vector<256x128xf32>
    %sub3A_199 = arith.subf %sub3A_197, %sub3A_198 : vector<256x128xf32>
    %mul3A_200 = vector.broadcast %div3A_21 : vector<1x128xf32> to vector<256x128xf32>
    %mul3A_201 = arith.mulf %sub3A_199, %mul3A_200 : vector<256x128xf32>
    %add3A_202 = vector.broadcast %get3A_12 : vector<1x128xf32> to vector<256x128xf32>
    %add3A_203 = arith.addf %mul3A_201, %add3A_202 : vector<256x128xf32>
    %ge3A_204 = arith.constant 0.000000e+00 : f32
    %ge3A_205 = vector.broadcast %ge3A_204 : f32 to vector<256x128xf32>
    %ge3A_206 = arith.cmpf oge, %add3A_203, %ge3A_205 : vector<256x128xf32>
    %mul3A_207 = arith.constant 2.000000e-01 : f32
    %mul3A_208 = vector.broadcast %mul3A_207 : f32 to vector<256x128xf32>
    %mul3A_209 = arith.mulf %mul3A_208, %add3A_203 : vector<256x128xf32>
    %select_n3A_210 = arith.select %ge3A_206, %add3A_203, %mul3A_209 : vector<256x128xi1>, vector<256x128xf32>
    %slice3A_211 = vector.extract_strided_slice %reshape3A_37 {offsets = [11, 0, 0], sizes = [1, 256, 128], strides = [1, 1, 1]} : vector<16x256x128xf32> to vector<1x256x128xf32>
    %squeeze3A_212 = vector.shape_cast %slice3A_211 : vector<1x256x128xf32> to vector<256x128xf32>
    %sub3A_213 = arith.subf %squeeze3A_212, %get3A_3 : vector<256x128xf32>
    %sub3A_214 = vector.broadcast %div3A_14 : vector<1x128xf32> to vector<256x128xf32>
    %sub3A_215 = arith.subf %sub3A_213, %sub3A_214 : vector<256x128xf32>
    %mul3A_216 = vector.broadcast %div3A_21 : vector<1x128xf32> to vector<256x128xf32>
    %mul3A_217 = arith.mulf %sub3A_215, %mul3A_216 : vector<256x128xf32>
    %add3A_218 = vector.broadcast %get3A_12 : vector<1x128xf32> to vector<256x128xf32>
    %add3A_219 = arith.addf %mul3A_217, %add3A_218 : vector<256x128xf32>
    %ge3A_220 = arith.constant 0.000000e+00 : f32
    %ge3A_221 = vector.broadcast %ge3A_220 : f32 to vector<256x128xf32>
    %ge3A_222 = arith.cmpf oge, %add3A_219, %ge3A_221 : vector<256x128xf32>
    %mul3A_223 = arith.constant 2.000000e-01 : f32
    %mul3A_224 = vector.broadcast %mul3A_223 : f32 to vector<256x128xf32>
    %mul3A_225 = arith.mulf %mul3A_224, %add3A_219 : vector<256x128xf32>
    %select_n3A_226 = arith.select %ge3A_222, %add3A_219, %mul3A_225 : vector<256x128xi1>, vector<256x128xf32>
    %slice3A_227 = vector.extract_strided_slice %reshape3A_37 {offsets = [12, 0, 0], sizes = [1, 256, 128], strides = [1, 1, 1]} : vector<16x256x128xf32> to vector<1x256x128xf32>
    %squeeze3A_228 = vector.shape_cast %slice3A_227 : vector<1x256x128xf32> to vector<256x128xf32>
    %sub3A_229 = arith.subf %squeeze3A_228, %get3A_3 : vector<256x128xf32>
    %sub3A_230 = vector.broadcast %div3A_14 : vector<1x128xf32> to vector<256x128xf32>
    %sub3A_231 = arith.subf %sub3A_229, %sub3A_230 : vector<256x128xf32>
    %mul3A_232 = vector.broadcast %div3A_21 : vector<1x128xf32> to vector<256x128xf32>
    %mul3A_233 = arith.mulf %sub3A_231, %mul3A_232 : vector<256x128xf32>
    %add3A_234 = vector.broadcast %get3A_12 : vector<1x128xf32> to vector<256x128xf32>
    %add3A_235 = arith.addf %mul3A_233, %add3A_234 : vector<256x128xf32>
    %ge3A_236 = arith.constant 0.000000e+00 : f32
    %ge3A_237 = vector.broadcast %ge3A_236 : f32 to vector<256x128xf32>
    %ge3A_238 = arith.cmpf oge, %add3A_235, %ge3A_237 : vector<256x128xf32>
    %mul3A_239 = arith.constant 2.000000e-01 : f32
    %mul3A_240 = vector.broadcast %mul3A_239 : f32 to vector<256x128xf32>
    %mul3A_241 = arith.mulf %mul3A_240, %add3A_235 : vector<256x128xf32>
    %select_n3A_242 = arith.select %ge3A_238, %add3A_235, %mul3A_241 : vector<256x128xi1>, vector<256x128xf32>
    %slice3A_243 = vector.extract_strided_slice %reshape3A_37 {offsets = [13, 0, 0], sizes = [1, 256, 128], strides = [1, 1, 1]} : vector<16x256x128xf32> to vector<1x256x128xf32>
    %squeeze3A_244 = vector.shape_cast %slice3A_243 : vector<1x256x128xf32> to vector<256x128xf32>
    %sub3A_245 = arith.subf %squeeze3A_244, %get3A_3 : vector<256x128xf32>
    %sub3A_246 = vector.broadcast %div3A_14 : vector<1x128xf32> to vector<256x128xf32>
    %sub3A_247 = arith.subf %sub3A_245, %sub3A_246 : vector<256x128xf32>
    %mul3A_248 = vector.broadcast %div3A_21 : vector<1x128xf32> to vector<256x128xf32>
    %mul3A_249 = arith.mulf %sub3A_247, %mul3A_248 : vector<256x128xf32>
    %add3A_250 = vector.broadcast %get3A_12 : vector<1x128xf32> to vector<256x128xf32>
    %add3A_251 = arith.addf %mul3A_249, %add3A_250 : vector<256x128xf32>
    %ge3A_252 = arith.constant 0.000000e+00 : f32
    %ge3A_253 = vector.broadcast %ge3A_252 : f32 to vector<256x128xf32>
    %ge3A_254 = arith.cmpf oge, %add3A_251, %ge3A_253 : vector<256x128xf32>
    %mul3A_255 = arith.constant 2.000000e-01 : f32
    %mul3A_256 = vector.broadcast %mul3A_255 : f32 to vector<256x128xf32>
    %mul3A_257 = arith.mulf %mul3A_256, %add3A_251 : vector<256x128xf32>
    %select_n3A_258 = arith.select %ge3A_254, %add3A_251, %mul3A_257 : vector<256x128xi1>, vector<256x128xf32>
    %slice3A_259 = vector.extract_strided_slice %reshape3A_37 {offsets = [14, 0, 0], sizes = [1, 256, 128], strides = [1, 1, 1]} : vector<16x256x128xf32> to vector<1x256x128xf32>
    %squeeze3A_260 = vector.shape_cast %slice3A_259 : vector<1x256x128xf32> to vector<256x128xf32>
    %sub3A_261 = arith.subf %squeeze3A_260, %get3A_3 : vector<256x128xf32>
    %sub3A_262 = vector.broadcast %div3A_14 : vector<1x128xf32> to vector<256x128xf32>
    %sub3A_263 = arith.subf %sub3A_261, %sub3A_262 : vector<256x128xf32>
    %mul3A_264 = vector.broadcast %div3A_21 : vector<1x128xf32> to vector<256x128xf32>
    %mul3A_265 = arith.mulf %sub3A_263, %mul3A_264 : vector<256x128xf32>
    %add3A_266 = vector.broadcast %get3A_12 : vector<1x128xf32> to vector<256x128xf32>
    %add3A_267 = arith.addf %mul3A_265, %add3A_266 : vector<256x128xf32>
    %ge3A_268 = arith.constant 0.000000e+00 : f32
    %ge3A_269 = vector.broadcast %ge3A_268 : f32 to vector<256x128xf32>
    %ge3A_270 = arith.cmpf oge, %add3A_267, %ge3A_269 : vector<256x128xf32>
    %mul3A_271 = arith.constant 2.000000e-01 : f32
    %mul3A_272 = vector.broadcast %mul3A_271 : f32 to vector<256x128xf32>
    %mul3A_273 = arith.mulf %mul3A_272, %add3A_267 : vector<256x128xf32>
    %select_n3A_274 = arith.select %ge3A_270, %add3A_267, %mul3A_273 : vector<256x128xi1>, vector<256x128xf32>
    %slice3A_275 = vector.extract_strided_slice %reshape3A_37 {offsets = [15, 0, 0], sizes = [1, 256, 128], strides = [1, 1, 1]} : vector<16x256x128xf32> to vector<1x256x128xf32>
    %squeeze3A_276 = vector.shape_cast %slice3A_275 : vector<1x256x128xf32> to vector<256x128xf32>
    %sub3A_277 = arith.subf %squeeze3A_276, %get3A_3 : vector<256x128xf32>
    %sub3A_278 = vector.broadcast %div3A_14 : vector<1x128xf32> to vector<256x128xf32>
    %sub3A_279 = arith.subf %sub3A_277, %sub3A_278 : vector<256x128xf32>
    %mul3A_280 = vector.broadcast %div3A_21 : vector<1x128xf32> to vector<256x128xf32>
    %mul3A_281 = arith.mulf %sub3A_279, %mul3A_280 : vector<256x128xf32>
    %add3A_282 = vector.broadcast %get3A_12 : vector<1x128xf32> to vector<256x128xf32>
    %add3A_283 = arith.addf %mul3A_281, %add3A_282 : vector<256x128xf32>
    %ge3A_284 = arith.constant 0.000000e+00 : f32
    %ge3A_285 = vector.broadcast %ge3A_284 : f32 to vector<256x128xf32>
    %ge3A_286 = arith.cmpf oge, %add3A_283, %ge3A_285 : vector<256x128xf32>
    %mul3A_287 = arith.constant 2.000000e-01 : f32
    %mul3A_288 = vector.broadcast %mul3A_287 : f32 to vector<256x128xf32>
    %mul3A_289 = arith.mulf %mul3A_288, %add3A_283 : vector<256x128xf32>
    %select_n3A_290 = arith.select %ge3A_286, %add3A_283, %mul3A_289 : vector<256x128xi1>, vector<256x128xf32>
    %concatenate3A = tpu.concatenate %select_n3A, %select_n3A_66, %select_n3A_82, %select_n3A_98, %select_n3A_114, %select_n3A_130, %select_n3A_146, %select_n3A_162, %select_n3A_178, %select_n3A_194, %select_n3A_210, %select_n3A_226, %select_n3A_242, %select_n3A_258, %select_n3A_274, %select_n3A_290 in 0 : vector<256x128xf32>, vector<256x128xf32>, vector<256x128xf32>, vector<256x128xf32>, vector<256x128xf32>, vector<256x128xf32>, vector<256x128xf32>, vector<256x128xf32>, vector<256x128xf32>, vector<256x128xf32>, vector<256x128xf32>, vector<256x128xf32>, vector<256x128xf32>, vector<256x128xf32>, vector<256x128xf32>, vector<256x128xf32> -> vector<4096x128xf32>
    %get3A_291 = arith.constant 0 : index
    %get3A_292 = arith.constant 0 : index
    %get3A_293 = vector.load %arg9[%get3A_291, %get3A_292] : memref<128x256xf32, #tpu.memory_space<vmem>>, vector<128x256xf32>
    %dot_general3A_294 = arith.constant dense<0.000000e+00> : vector<4096x256xf32>
    %dot_general3A_295 = tpu.matmul %concatenate3A, %get3A_293, %dot_general3A_294 {dimension_numbers = #tpu.dot_dimension_numbers<[1], [0], [0], [1], [0, 0, 1, 1], [], []>, transpose_lhs_hint = false} : vector<4096x128xf32>, vector<128x256xf32>, vector<4096x256xf32> -> vector<4096x256xf32>
    %get3A_296 = arith.constant 0 : index
    %get3A_297 = arith.constant 0 : index
    %get3A_298 = vector.load %arg10[%get3A_296, %get3A_297] : memref<1x256xf32, #tpu.memory_space<vmem>>, vector<1x256xf32>
    %add3A_299 = vector.broadcast %get3A_298 : vector<1x256xf32> to vector<4096x256xf32>
    %add3A_300 = arith.addf %dot_general3A_295, %add3A_299 : vector<4096x256xf32>
    %reduce_sum3A = arith.constant dense<0.000000e+00> : vector<256xf32>
    %reduce_sum3A_301 = vector.multi_reduction <add>, %add3A_300, %reduce_sum3A [0] : vector<4096x256xf32> to vector<256xf32>
    %broadcast_in_dim3A = vector.shape_cast %reduce_sum3A_301 : vector<256xf32> to vector<1x256xf32>
    %mul3A_302 = arith.mulf %add3A_300, %add3A_300 : vector<4096x256xf32>
    %reduce_sum3A_303 = arith.constant dense<0.000000e+00> : vector<256xf32>
    %reduce_sum3A_304 = vector.multi_reduction <add>, %mul3A_302, %reduce_sum3A_303 [0] : vector<4096x256xf32> to vector<256xf32>
    %broadcast_in_dim3A_305 = vector.shape_cast %reduce_sum3A_304 : vector<256xf32> to vector<1x256xf32>
    %broadcast_in_dim3A_306 = arith.constant 0.000000e+00 : f32
    %broadcast_in_dim3A_307 = vector.broadcast %broadcast_in_dim3A_306 : f32 to vector<6x256xf32>
    %concatenate3A_308 = tpu.concatenate %broadcast_in_dim3A, %broadcast_in_dim3A_305, %broadcast_in_dim3A_307 in 0 : vector<1x256xf32>, vector<1x256xf32>, vector<6x256xf32> -> vector<8x256xf32>
    %eq3A = arith.constant 0 : i32
    %eq3A_309 = arith.cmpi eq, %arg0, %eq3A : i32
    %eq3A_310 = arith.constant 0 : i32
    %eq3A_311 = arith.cmpi eq, %arg1, %eq3A_310 : i32
    %and3A = arith.andi %eq3A_309, %eq3A_311 : i1
    %convert_element_type3A = arith.extui %and3A : i1 to i32
    %cond3A = arith.constant 0 : i32
    %cond3A_312 = arith.cmpi ne, %convert_element_type3A, %cond3A : i32
    scf.if %cond3A_312 {
      %broadcast_in_dim3A_319 = arith.constant 0.000000e+00 : f32
      %broadcast_in_dim3A_320 = vector.broadcast %broadcast_in_dim3A_319 : f32 to vector<8x256xf32>
      %swap3A_321 = arith.constant 0 : index
      %swap3A_322 = arith.constant 0 : index
      %swap3A_323 = vector.load %arg11[%swap3A_321, %swap3A_322] : memref<8x256xf32, #tpu.memory_space<vmem>>, vector<8x256xf32>
      tpu.vector_store %arg11[%swap3A_321, %swap3A_322], %broadcast_in_dim3A_320 {strides = array<i32>} : memref<8x256xf32, #tpu.memory_space<vmem>>, vector<8x256xf32>,
    } else {
    }
    %get3A_313 = arith.constant 0 : index
    %get3A_314 = arith.constant 0 : index
    %get3A_315 = vector.load %arg11[%get3A_313, %get3A_314] : memref<8x256xf32, #tpu.memory_space<vmem>>, vector<8x256xf32>
    %add3A_316 = arith.addf %get3A_315, %concatenate3A_308 : vector<8x256xf32>
    %swap3A = arith.constant 0 : index
    %swap3A_317 = arith.constant 0 : index
    %swap3A_318 = vector.load %arg11[%swap3A, %swap3A_317] : memref<8x256xf32, #tpu.memory_space<vmem>>, vector<8x256xf32>
    tpu.vector_store %arg11[%swap3A, %swap3A_317], %add3A_316 {strides = array<i32>} : memref<8x256xf32, #tpu.memory_space<vmem>>, vector<8x256xf32>,
    return
  }
  func.func @transform_0(%arg0: i32, %arg1: i32) -> (i32, i32, i32, i32) {
    %c0_i32 = arith.constant 0 : i32
    %c0_i32_0 = arith.constant 0 : i32
    %c0_i32_1 = arith.constant 0 : i32
    return %arg0, %c0_i32, %arg1, %c0_i32_0 : i32, i32, i32, i32
  }
  func.func @transform_1(%arg0: i32, %arg1: i32) -> (i32, i32, i32) {
    %c0_i32 = arith.constant 0 : i32
    %c0_i32_0 = arith.constant 0 : i32
    return %arg0, %arg1, %c0_i32 : i32, i32, i32
  }
  func.func @transform_2(%arg0: i32, %arg1: i32) -> (i32, i32) {
    %c0_i32 = arith.constant 0 : i32
    %c0_i32_0 = arith.constant 0 : i32
    %c0_i32_1 = arith.constant 0 : i32
    return %c0_i32, %c0_i32_0 : i32, i32
  }
  func.func @transform_3(%arg0: i32, %arg1: i32) -> (i32, i32) {
    %c0_i32 = arith.constant 0 : i32
    %c0_i32_0 = arith.constant 0 : i32
    %c0_i32_1 = arith.constant 0 : i32
    return %c0_i32, %c0_i32_0 : i32, i32
  }
  func.func @transform_4(%arg0: i32, %arg1: i32) -> (i32, i32) {
    %c0_i32 = arith.constant 0 : i32
    %c0_i32_0 = arith.constant 0 : i32
    %c0_i32_1 = arith.constant 0 : i32
    return %c0_i32, %c0_i32_0 : i32, i32
  }
  func.func @transform_5(%arg0: i32, %arg1: i32) -> (i32, i32) {
    %c0_i32 = arith.constant 0 : i32
    %c0_i32_0 = arith.constant 0 : i32
    %c0_i32_1 = arith.constant 0 : i32
    return %c0_i32, %c0_i32_0 : i32, i32
  }
  func.func @transform_6(%arg0: i32, %arg1: i32) -> (i32, i32) {
    %c0_i32 = arith.constant 0 : i32
    %c0_i32_0 = arith.constant 0 : i32
    %c0_i32_1 = arith.constant 0 : i32
    return %c0_i32, %c0_i32_0 : i32, i32
  }
  func.func @transform_7(%arg0: i32, %arg1: i32) -> (i32, i32) {
    %c0_i32 = arith.constant 0 : i32
    %c0_i32_0 = arith.constant 0 : i32
    %c0_i32_1 = arith.constant 0 : i32
    return %c0_i32, %c0_i32_0 : i32, i32
  }
  func.func @transform_8(%arg0: i32, %arg1: i32) -> (i32, i32) {
    %c0_i32 = arith.constant 0 : i32
    %c0_i32_0 = arith.constant 0 : i32
    %c0_i32_1 = arith.constant 0 : i32
    return %c0_i32, %c0_i32_0 : i32, i32
  }
  func.func @transform_9(%arg0: i32, %arg1: i32) -> (i32, i32) {
    %c0_i32 = arith.constant 0 : i32
    %c0_i32_0 = arith.constant 0 : i32
    %c0_i32_1 = arith.constant 0 : i32
    return %c0_i32, %c0_i32_0 : i32, i32
  }
}

module attributes {stable_mosaic.version = 14 : i64} {
  func.func @_main_body(%arg0: i32, %arg1: i32, %arg2: memref<1x16x256x128xf32, #tpu.memory_space<vmem>>, %arg3: memref<1x256x128xf32, #tpu.memory_space<vmem>>, %arg4: memref<1x256x256xf32, #tpu.memory_space<vmem>>, %arg5: memref<128x128xf32, #tpu.memory_space<vmem>>, %arg6: memref<256x256xf32, #tpu.memory_space<vmem>>, %arg7: memref<1x128xf32, #tpu.memory_space<vmem>>, %arg8: memref<8x128xf32, #tpu.memory_space<vmem>>, %arg9: memref<1x128xf32, #tpu.memory_space<vmem>>, %arg10: memref<1x128xf32, #tpu.memory_space<vmem>>, %arg11: memref<128x256xf32, #tpu.memory_space<vmem>>, %arg12: memref<1x256xf32, #tpu.memory_space<vmem>>, %arg13: memref<8x256xf32, #tpu.memory_space<vmem>>, %arg14: memref<1x256xf32, #tpu.memory_space<vmem>>, %arg15: memref<1x256xf32, #tpu.memory_space<vmem>>, %arg16: memref<8x256xf32, #tpu.memory_space<vmem>>, %arg17: memref<1x256xf32, #tpu.memory_space<vmem>>, %arg18: memref<1x256xf32, #tpu.memory_space<vmem>>, %arg19: memref<16x256x256xf32, #tpu.memory_space<vmem>>, %arg20: memref<1x256xf32, #tpu.memory_space<vmem>>, %arg21: memref<1x256x256xf32, #tpu.memory_space<vmem>>, %arg22: memref<1x8x256xf32, #tpu.memory_space<vmem>>) attributes {dimension_semantics = [#tpu.dimension_semantics<arbitrary>, #tpu.dimension_semantics<arbitrary>], iteration_bounds = array<i64: 4, 8>, scalar_prefetch = 0 : i64, scratch_operands = 0 : i64, tpu.core_type = #tpu.core_type<tc>, window_params = [{transform_indices = @transform_0, window_bounds = array<i64: 1, 16, 256, 128>}, {transform_indices = @transform_1, window_bounds = array<i64: 1, 256, 128>}, {transform_indices = @transform_2, window_bounds = array<i64: 1, 256, 256>}, {pipeline_mode = #tpu.pipeline_mode<synchronous>, transform_indices = @transform_3, window_bounds = array<i64: 128, 128>}, {pipeline_mode = #tpu.pipeline_mode<synchronous>, transform_indices = @transform_4, window_bounds = array<i64: 256, 256>}, {pipeline_mode = #tpu.pipeline_mode<synchronous>, transform_indices = @transform_5, window_bounds = array<i64: 1, 128>}, {pipeline_mode = #tpu.pipeline_mode<synchronous>, transform_indices = @transform_6, window_bounds = array<i64: 8, 128>}, {pipeline_mode = #tpu.pipeline_mode<synchronous>, transform_indices = @transform_7, window_bounds = array<i64: 1, 128>}, {pipeline_mode = #tpu.pipeline_mode<synchronous>, transform_indices = @transform_8, window_bounds = array<i64: 1, 128>}, {pipeline_mode = #tpu.pipeline_mode<synchronous>, transform_indices = @transform_9, window_bounds = array<i64: 128, 256>}, {pipeline_mode = #tpu.pipeline_mode<synchronous>, transform_indices = @transform_10, window_bounds = array<i64: 1, 256>}, {pipeline_mode = #tpu.pipeline_mode<synchronous>, transform_indices = @transform_11, window_bounds = array<i64: 8, 256>}, {pipeline_mode = #tpu.pipeline_mode<synchronous>, transform_indices = @transform_12, window_bounds = array<i64: 1, 256>}, {pipeline_mode = #tpu.pipeline_mode<synchronous>, transform_indices = @transform_13, window_bounds = array<i64: 1, 256>}, {pipeline_mode = #tpu.pipeline_mode<synchronous>, transform_indices = @transform_14, window_bounds = array<i64: 8, 256>}, {pipeline_mode = #tpu.pipeline_mode<synchronous>, transform_indices = @transform_15, window_bounds = array<i64: 1, 256>}, {pipeline_mode = #tpu.pipeline_mode<synchronous>, transform_indices = @transform_16, window_bounds = array<i64: 1, 256>}, {pipeline_mode = #tpu.pipeline_mode<synchronous>, transform_indices = @transform_17, window_bounds = array<i64: 16, 256, 256>}, {pipeline_mode = #tpu.pipeline_mode<synchronous>, transform_indices = @transform_18, window_bounds = array<i64: 1, 256>}, {transform_indices = @transform_19, window_bounds = array<i64: 1, 256, 256>}, {transform_indices = @transform_20, window_bounds = array<i64: 1, 8, 256>}]} {
    %get3A = arith.constant 0 : index
    %get3A_0 = arith.constant 0 : index
    %get3A_1 = arith.constant 0 : index
    %get3A_2 = vector.load %arg3[%get3A, %get3A_0, %get3A_1] : memref<1x256x128xf32, #tpu.memory_space<vmem>>, vector<1x256x128xf32>
    %get3A_3 = vector.shape_cast %get3A_2 : vector<1x256x128xf32> to vector<256x128xf32>
    %get3A_4 = arith.constant 0 : index
    %get3A_5 = arith.constant 0 : index
    %get3A_6 = arith.constant 0 : index
    %get3A_7 = vector.load %arg4[%get3A_4, %get3A_5, %get3A_6] : memref<1x256x256xf32, #tpu.memory_space<vmem>>, vector<1x256x256xf32>
    %get3A_8 = vector.shape_cast %get3A_7 : vector<1x256x256xf32> to vector<256x256xf32>
    %get3A_9 = arith.constant 0 : index
    %get3A_10 = arith.constant 0 : index
    %get3A_11 = vector.load %arg8[%get3A_9, %get3A_10] : memref<8x128xf32, #tpu.memory_space<vmem>>, vector<8x128xf32>
    %get3A_12 = arith.constant 0 : index
    %get3A_13 = arith.constant 0 : index
    %get3A_14 = vector.load %arg9[%get3A_12, %get3A_13] : memref<1x128xf32, #tpu.memory_space<vmem>>, vector<1x128xf32>
    %get3A_15 = arith.constant 0 : index
    %get3A_16 = arith.constant 0 : index
    %get3A_17 = vector.load %arg10[%get3A_15, %get3A_16] : memref<1x128xf32, #tpu.memory_space<vmem>>, vector<1x128xf32>
    %slice3A = vector.extract_strided_slice %get3A_11 {offsets = [0, 0], sizes = [1, 128], strides = [1, 1]} : vector<8x128xf32> to vector<1x128xf32>
    %div3A = arith.constant 1.310720e+05 : f32
    %div3A_18 = vector.broadcast %div3A : f32 to vector<1x128xf32>
    %div3A_19 = arith.divf %slice3A, %div3A_18 : vector<1x128xf32>
    %slice3A_20 = vector.extract_strided_slice %get3A_11 {offsets = [1, 0], sizes = [1, 128], strides = [1, 1]} : vector<8x128xf32> to vector<1x128xf32>
    %div3A_21 = arith.constant 1.310720e+05 : f32
    %div3A_22 = vector.broadcast %div3A_21 : f32 to vector<1x128xf32>
    %div3A_23 = arith.divf %slice3A_20, %div3A_22 : vector<1x128xf32>
    %mul3A = arith.mulf %div3A_19, %div3A_19 : vector<1x128xf32>
    %sub3A = arith.subf %div3A_23, %mul3A : vector<1x128xf32>
    %add3A = arith.constant 9.99999974E-6 : f32
    %add3A_24 = vector.broadcast %add3A : f32 to vector<1x128xf32>
    %add3A_25 = arith.addf %sub3A, %add3A_24 : vector<1x128xf32>
    %sqrt3A = math.sqrt %add3A_25 : vector<1x128xf32>
    %div3A_26 = arith.divf %get3A_14, %sqrt3A : vector<1x128xf32>
    %get3A_27 = arith.constant 0 : index
    %get3A_28 = arith.constant 0 : index
    %get3A_29 = vector.load %arg13[%get3A_27, %get3A_28] : memref<8x256xf32, #tpu.memory_space<vmem>>, vector<8x256xf32>
    %get3A_30 = arith.constant 0 : index
    %get3A_31 = arith.constant 0 : index
    %get3A_32 = vector.load %arg14[%get3A_30, %get3A_31] : memref<1x256xf32, #tpu.memory_space<vmem>>, vector<1x256xf32>
    %get3A_33 = arith.constant 0 : index
    %get3A_34 = arith.constant 0 : index
    %get3A_35 = vector.load %arg15[%get3A_33, %get3A_34] : memref<1x256xf32, #tpu.memory_space<vmem>>, vector<1x256xf32>
    %slice3A_36 = vector.extract_strided_slice %get3A_29 {offsets = [0, 0], sizes = [1, 256], strides = [1, 1]} : vector<8x256xf32> to vector<1x256xf32>
    %div3A_37 = arith.constant 1.310720e+05 : f32
    %div3A_38 = vector.broadcast %div3A_37 : f32 to vector<1x256xf32>
    %div3A_39 = arith.divf %slice3A_36, %div3A_38 : vector<1x256xf32>
    %slice3A_40 = vector.extract_strided_slice %get3A_29 {offsets = [1, 0], sizes = [1, 256], strides = [1, 1]} : vector<8x256xf32> to vector<1x256xf32>
    %div3A_41 = arith.constant 1.310720e+05 : f32
    %div3A_42 = vector.broadcast %div3A_41 : f32 to vector<1x256xf32>
    %div3A_43 = arith.divf %slice3A_40, %div3A_42 : vector<1x256xf32>
    %mul3A_44 = arith.mulf %div3A_39, %div3A_39 : vector<1x256xf32>
    %sub3A_45 = arith.subf %div3A_43, %mul3A_44 : vector<1x256xf32>
    %add3A_46 = arith.constant 9.99999974E-6 : f32
    %add3A_47 = vector.broadcast %add3A_46 : f32 to vector<1x256xf32>
    %add3A_48 = arith.addf %sub3A_45, %add3A_47 : vector<1x256xf32>
    %sqrt3A_49 = math.sqrt %add3A_48 : vector<1x256xf32>
    %div3A_50 = arith.divf %get3A_32, %sqrt3A_49 : vector<1x256xf32>
    %get3A_51 = arith.constant 0 : index
    %get3A_52 = arith.constant 0 : index
    %get3A_53 = vector.load %arg16[%get3A_51, %get3A_52] : memref<8x256xf32, #tpu.memory_space<vmem>>, vector<8x256xf32>
    %get3A_54 = arith.constant 0 : index
    %get3A_55 = arith.constant 0 : index
    %get3A_56 = vector.load %arg17[%get3A_54, %get3A_55] : memref<1x256xf32, #tpu.memory_space<vmem>>, vector<1x256xf32>
    %get3A_57 = arith.constant 0 : index
    %get3A_58 = arith.constant 0 : index
    %get3A_59 = vector.load %arg18[%get3A_57, %get3A_58] : memref<1x256xf32, #tpu.memory_space<vmem>>, vector<1x256xf32>
    %slice3A_60 = vector.extract_strided_slice %get3A_53 {offsets = [0, 0], sizes = [1, 256], strides = [1, 1]} : vector<8x256xf32> to vector<1x256xf32>
    %div3A_61 = arith.constant 1.310720e+05 : f32
    %div3A_62 = vector.broadcast %div3A_61 : f32 to vector<1x256xf32>
    %div3A_63 = arith.divf %slice3A_60, %div3A_62 : vector<1x256xf32>
    %slice3A_64 = vector.extract_strided_slice %get3A_53 {offsets = [1, 0], sizes = [1, 256], strides = [1, 1]} : vector<8x256xf32> to vector<1x256xf32>
    %div3A_65 = arith.constant 1.310720e+05 : f32
    %div3A_66 = vector.broadcast %div3A_65 : f32 to vector<1x256xf32>
    %div3A_67 = arith.divf %slice3A_64, %div3A_66 : vector<1x256xf32>
    %mul3A_68 = arith.mulf %div3A_63, %div3A_63 : vector<1x256xf32>
    %sub3A_69 = arith.subf %div3A_67, %mul3A_68 : vector<1x256xf32>
    %add3A_70 = arith.constant 9.99999974E-6 : f32
    %add3A_71 = vector.broadcast %add3A_70 : f32 to vector<1x256xf32>
    %add3A_72 = arith.addf %sub3A_69, %add3A_71 : vector<1x256xf32>
    %sqrt3A_73 = math.sqrt %add3A_72 : vector<1x256xf32>
    %div3A_74 = arith.divf %get3A_56, %sqrt3A_73 : vector<1x256xf32>
    %get3A_75 = arith.constant 0 : index
    %get3A_76 = arith.constant 0 : index
    %get3A_77 = vector.load %arg5[%get3A_75, %get3A_76] : memref<128x128xf32, #tpu.memory_space<vmem>>, vector<128x128xf32>
    %get3A_78 = arith.constant 0 : index
    %get3A_79 = arith.constant 0 : index
    %get3A_80 = vector.load %arg7[%get3A_78, %get3A_79] : memref<1x128xf32, #tpu.memory_space<vmem>>, vector<1x128xf32>
    %get3A_81 = arith.constant 0 : index
    %get3A_82 = arith.constant 0 : index
    %get3A_83 = vector.load %arg6[%get3A_81, %get3A_82] : memref<256x256xf32, #tpu.memory_space<vmem>>, vector<256x256xf32>
    %slice3A_84 = vector.extract_strided_slice %get3A_83 {offsets = [128, 0], sizes = [128, 256], strides = [1, 1]} : vector<256x256xf32> to vector<128x256xf32>
    %get3A_85 = arith.constant 0 : index
    %get3A_86 = arith.constant 0 : index
    %get3A_87 = arith.constant 0 : index
    %get3A_88 = arith.constant 0 : index
    %get3A_89 = vector.load %arg2[%get3A_85, %get3A_86, %get3A_87, %get3A_88] : memref<1x16x256x128xf32, #tpu.memory_space<vmem>>, vector<1x16x256x128xf32>
    %get3A_90 = vector.shape_cast %get3A_89 : vector<1x16x256x128xf32> to vector<16x256x128xf32>
    %reshape3A = vector.shape_cast %get3A_90 : vector<16x256x128xf32> to vector<4096x128xf32>
    %dot_general3A = arith.constant dense<0.000000e+00> : vector<4096x128xf32>
    %dot_general3A_91 = tpu.matmul %reshape3A, %get3A_77, %dot_general3A {dimension_numbers = #tpu.dot_dimension_numbers<[1], [0], [0], [1], [0, 0, 1, 1], [], []>, transpose_lhs_hint = false} : vector<4096x128xf32>, vector<128x128xf32>, vector<4096x128xf32> -> vector<4096x128xf32>
    %add3A_92 = vector.broadcast %get3A_80 : vector<1x128xf32> to vector<4096x128xf32>
    %add3A_93 = arith.addf %dot_general3A_91, %add3A_92 : vector<4096x128xf32>
    %reshape3A_94 = vector.shape_cast %add3A_93 : vector<4096x128xf32> to vector<16x256x128xf32>
    %dot_general3A_95 = arith.constant dense<0.000000e+00> : vector<4096x256xf32>
    %dot_general3A_96 = tpu.matmul %reshape3A, %slice3A_84, %dot_general3A_95 {dimension_numbers = #tpu.dot_dimension_numbers<[1], [0], [0], [1], [0, 0, 1, 1], [], []>, transpose_lhs_hint = false} : vector<4096x128xf32>, vector<128x256xf32>, vector<4096x256xf32> -> vector<4096x256xf32>
    %reshape3A_97 = vector.shape_cast %dot_general3A_96 : vector<4096x256xf32> to vector<16x256x256xf32>
    %slice3A_98 = vector.extract_strided_slice %reshape3A_94 {offsets = [0, 0, 0], sizes = [1, 256, 128], strides = [1, 1, 1]} : vector<16x256x128xf32> to vector<1x256x128xf32>
    %squeeze3A = vector.shape_cast %slice3A_98 : vector<1x256x128xf32> to vector<256x128xf32>
    %sub3A_99 = arith.subf %squeeze3A, %get3A_3 : vector<256x128xf32>
    %sub3A_100 = vector.broadcast %div3A_19 : vector<1x128xf32> to vector<256x128xf32>
    %sub3A_101 = arith.subf %sub3A_99, %sub3A_100 : vector<256x128xf32>
    %mul3A_102 = vector.broadcast %div3A_26 : vector<1x128xf32> to vector<256x128xf32>
    %mul3A_103 = arith.mulf %sub3A_101, %mul3A_102 : vector<256x128xf32>
    %add3A_104 = vector.broadcast %get3A_17 : vector<1x128xf32> to vector<256x128xf32>
    %add3A_105 = arith.addf %mul3A_103, %add3A_104 : vector<256x128xf32>
    %ge3A = arith.constant 0.000000e+00 : f32
    %ge3A_106 = vector.broadcast %ge3A : f32 to vector<256x128xf32>
    %ge3A_107 = arith.cmpf oge, %add3A_105, %ge3A_106 : vector<256x128xf32>
    %mul3A_108 = arith.constant 2.000000e-01 : f32
    %mul3A_109 = vector.broadcast %mul3A_108 : f32 to vector<256x128xf32>
    %mul3A_110 = arith.mulf %mul3A_109, %add3A_105 : vector<256x128xf32>
    %select_n3A = arith.select %ge3A_107, %add3A_105, %mul3A_110 : vector<256x128xi1>, vector<256x128xf32>
    %slice3A_111 = vector.extract_strided_slice %reshape3A_94 {offsets = [1, 0, 0], sizes = [1, 256, 128], strides = [1, 1, 1]} : vector<16x256x128xf32> to vector<1x256x128xf32>
    %squeeze3A_112 = vector.shape_cast %slice3A_111 : vector<1x256x128xf32> to vector<256x128xf32>
    %sub3A_113 = arith.subf %squeeze3A_112, %get3A_3 : vector<256x128xf32>
    %sub3A_114 = vector.broadcast %div3A_19 : vector<1x128xf32> to vector<256x128xf32>
    %sub3A_115 = arith.subf %sub3A_113, %sub3A_114 : vector<256x128xf32>
    %mul3A_116 = vector.broadcast %div3A_26 : vector<1x128xf32> to vector<256x128xf32>
    %mul3A_117 = arith.mulf %sub3A_115, %mul3A_116 : vector<256x128xf32>
    %add3A_118 = vector.broadcast %get3A_17 : vector<1x128xf32> to vector<256x128xf32>
    %add3A_119 = arith.addf %mul3A_117, %add3A_118 : vector<256x128xf32>
    %ge3A_120 = arith.constant 0.000000e+00 : f32
    %ge3A_121 = vector.broadcast %ge3A_120 : f32 to vector<256x128xf32>
    %ge3A_122 = arith.cmpf oge, %add3A_119, %ge3A_121 : vector<256x128xf32>
    %mul3A_123 = arith.constant 2.000000e-01 : f32
    %mul3A_124 = vector.broadcast %mul3A_123 : f32 to vector<256x128xf32>
    %mul3A_125 = arith.mulf %mul3A_124, %add3A_119 : vector<256x128xf32>
    %select_n3A_126 = arith.select %ge3A_122, %add3A_119, %mul3A_125 : vector<256x128xi1>, vector<256x128xf32>
    %slice3A_127 = vector.extract_strided_slice %reshape3A_94 {offsets = [2, 0, 0], sizes = [1, 256, 128], strides = [1, 1, 1]} : vector<16x256x128xf32> to vector<1x256x128xf32>
    %squeeze3A_128 = vector.shape_cast %slice3A_127 : vector<1x256x128xf32> to vector<256x128xf32>
    %sub3A_129 = arith.subf %squeeze3A_128, %get3A_3 : vector<256x128xf32>
    %sub3A_130 = vector.broadcast %div3A_19 : vector<1x128xf32> to vector<256x128xf32>
    %sub3A_131 = arith.subf %sub3A_129, %sub3A_130 : vector<256x128xf32>
    %mul3A_132 = vector.broadcast %div3A_26 : vector<1x128xf32> to vector<256x128xf32>
    %mul3A_133 = arith.mulf %sub3A_131, %mul3A_132 : vector<256x128xf32>
    %add3A_134 = vector.broadcast %get3A_17 : vector<1x128xf32> to vector<256x128xf32>
    %add3A_135 = arith.addf %mul3A_133, %add3A_134 : vector<256x128xf32>
    %ge3A_136 = arith.constant 0.000000e+00 : f32
    %ge3A_137 = vector.broadcast %ge3A_136 : f32 to vector<256x128xf32>
    %ge3A_138 = arith.cmpf oge, %add3A_135, %ge3A_137 : vector<256x128xf32>
    %mul3A_139 = arith.constant 2.000000e-01 : f32
    %mul3A_140 = vector.broadcast %mul3A_139 : f32 to vector<256x128xf32>
    %mul3A_141 = arith.mulf %mul3A_140, %add3A_135 : vector<256x128xf32>
    %select_n3A_142 = arith.select %ge3A_138, %add3A_135, %mul3A_141 : vector<256x128xi1>, vector<256x128xf32>
    %slice3A_143 = vector.extract_strided_slice %reshape3A_94 {offsets = [3, 0, 0], sizes = [1, 256, 128], strides = [1, 1, 1]} : vector<16x256x128xf32> to vector<1x256x128xf32>
    %squeeze3A_144 = vector.shape_cast %slice3A_143 : vector<1x256x128xf32> to vector<256x128xf32>
    %sub3A_145 = arith.subf %squeeze3A_144, %get3A_3 : vector<256x128xf32>
    %sub3A_146 = vector.broadcast %div3A_19 : vector<1x128xf32> to vector<256x128xf32>
    %sub3A_147 = arith.subf %sub3A_145, %sub3A_146 : vector<256x128xf32>
    %mul3A_148 = vector.broadcast %div3A_26 : vector<1x128xf32> to vector<256x128xf32>
    %mul3A_149 = arith.mulf %sub3A_147, %mul3A_148 : vector<256x128xf32>
    %add3A_150 = vector.broadcast %get3A_17 : vector<1x128xf32> to vector<256x128xf32>
    %add3A_151 = arith.addf %mul3A_149, %add3A_150 : vector<256x128xf32>
    %ge3A_152 = arith.constant 0.000000e+00 : f32
    %ge3A_153 = vector.broadcast %ge3A_152 : f32 to vector<256x128xf32>
    %ge3A_154 = arith.cmpf oge, %add3A_151, %ge3A_153 : vector<256x128xf32>
    %mul3A_155 = arith.constant 2.000000e-01 : f32
    %mul3A_156 = vector.broadcast %mul3A_155 : f32 to vector<256x128xf32>
    %mul3A_157 = arith.mulf %mul3A_156, %add3A_151 : vector<256x128xf32>
    %select_n3A_158 = arith.select %ge3A_154, %add3A_151, %mul3A_157 : vector<256x128xi1>, vector<256x128xf32>
    %slice3A_159 = vector.extract_strided_slice %reshape3A_94 {offsets = [4, 0, 0], sizes = [1, 256, 128], strides = [1, 1, 1]} : vector<16x256x128xf32> to vector<1x256x128xf32>
    %squeeze3A_160 = vector.shape_cast %slice3A_159 : vector<1x256x128xf32> to vector<256x128xf32>
    %sub3A_161 = arith.subf %squeeze3A_160, %get3A_3 : vector<256x128xf32>
    %sub3A_162 = vector.broadcast %div3A_19 : vector<1x128xf32> to vector<256x128xf32>
    %sub3A_163 = arith.subf %sub3A_161, %sub3A_162 : vector<256x128xf32>
    %mul3A_164 = vector.broadcast %div3A_26 : vector<1x128xf32> to vector<256x128xf32>
    %mul3A_165 = arith.mulf %sub3A_163, %mul3A_164 : vector<256x128xf32>
    %add3A_166 = vector.broadcast %get3A_17 : vector<1x128xf32> to vector<256x128xf32>
    %add3A_167 = arith.addf %mul3A_165, %add3A_166 : vector<256x128xf32>
    %ge3A_168 = arith.constant 0.000000e+00 : f32
    %ge3A_169 = vector.broadcast %ge3A_168 : f32 to vector<256x128xf32>
    %ge3A_170 = arith.cmpf oge, %add3A_167, %ge3A_169 : vector<256x128xf32>
    %mul3A_171 = arith.constant 2.000000e-01 : f32
    %mul3A_172 = vector.broadcast %mul3A_171 : f32 to vector<256x128xf32>
    %mul3A_173 = arith.mulf %mul3A_172, %add3A_167 : vector<256x128xf32>
    %select_n3A_174 = arith.select %ge3A_170, %add3A_167, %mul3A_173 : vector<256x128xi1>, vector<256x128xf32>
    %slice3A_175 = vector.extract_strided_slice %reshape3A_94 {offsets = [5, 0, 0], sizes = [1, 256, 128], strides = [1, 1, 1]} : vector<16x256x128xf32> to vector<1x256x128xf32>
    %squeeze3A_176 = vector.shape_cast %slice3A_175 : vector<1x256x128xf32> to vector<256x128xf32>
    %sub3A_177 = arith.subf %squeeze3A_176, %get3A_3 : vector<256x128xf32>
    %sub3A_178 = vector.broadcast %div3A_19 : vector<1x128xf32> to vector<256x128xf32>
    %sub3A_179 = arith.subf %sub3A_177, %sub3A_178 : vector<256x128xf32>
    %mul3A_180 = vector.broadcast %div3A_26 : vector<1x128xf32> to vector<256x128xf32>
    %mul3A_181 = arith.mulf %sub3A_179, %mul3A_180 : vector<256x128xf32>
    %add3A_182 = vector.broadcast %get3A_17 : vector<1x128xf32> to vector<256x128xf32>
    %add3A_183 = arith.addf %mul3A_181, %add3A_182 : vector<256x128xf32>
    %ge3A_184 = arith.constant 0.000000e+00 : f32
    %ge3A_185 = vector.broadcast %ge3A_184 : f32 to vector<256x128xf32>
    %ge3A_186 = arith.cmpf oge, %add3A_183, %ge3A_185 : vector<256x128xf32>
    %mul3A_187 = arith.constant 2.000000e-01 : f32
    %mul3A_188 = vector.broadcast %mul3A_187 : f32 to vector<256x128xf32>
    %mul3A_189 = arith.mulf %mul3A_188, %add3A_183 : vector<256x128xf32>
    %select_n3A_190 = arith.select %ge3A_186, %add3A_183, %mul3A_189 : vector<256x128xi1>, vector<256x128xf32>
    %slice3A_191 = vector.extract_strided_slice %reshape3A_94 {offsets = [6, 0, 0], sizes = [1, 256, 128], strides = [1, 1, 1]} : vector<16x256x128xf32> to vector<1x256x128xf32>
    %squeeze3A_192 = vector.shape_cast %slice3A_191 : vector<1x256x128xf32> to vector<256x128xf32>
    %sub3A_193 = arith.subf %squeeze3A_192, %get3A_3 : vector<256x128xf32>
    %sub3A_194 = vector.broadcast %div3A_19 : vector<1x128xf32> to vector<256x128xf32>
    %sub3A_195 = arith.subf %sub3A_193, %sub3A_194 : vector<256x128xf32>
    %mul3A_196 = vector.broadcast %div3A_26 : vector<1x128xf32> to vector<256x128xf32>
    %mul3A_197 = arith.mulf %sub3A_195, %mul3A_196 : vector<256x128xf32>
    %add3A_198 = vector.broadcast %get3A_17 : vector<1x128xf32> to vector<256x128xf32>
    %add3A_199 = arith.addf %mul3A_197, %add3A_198 : vector<256x128xf32>
    %ge3A_200 = arith.constant 0.000000e+00 : f32
    %ge3A_201 = vector.broadcast %ge3A_200 : f32 to vector<256x128xf32>
    %ge3A_202 = arith.cmpf oge, %add3A_199, %ge3A_201 : vector<256x128xf32>
    %mul3A_203 = arith.constant 2.000000e-01 : f32
    %mul3A_204 = vector.broadcast %mul3A_203 : f32 to vector<256x128xf32>
    %mul3A_205 = arith.mulf %mul3A_204, %add3A_199 : vector<256x128xf32>
    %select_n3A_206 = arith.select %ge3A_202, %add3A_199, %mul3A_205 : vector<256x128xi1>, vector<256x128xf32>
    %slice3A_207 = vector.extract_strided_slice %reshape3A_94 {offsets = [7, 0, 0], sizes = [1, 256, 128], strides = [1, 1, 1]} : vector<16x256x128xf32> to vector<1x256x128xf32>
    %squeeze3A_208 = vector.shape_cast %slice3A_207 : vector<1x256x128xf32> to vector<256x128xf32>
    %sub3A_209 = arith.subf %squeeze3A_208, %get3A_3 : vector<256x128xf32>
    %sub3A_210 = vector.broadcast %div3A_19 : vector<1x128xf32> to vector<256x128xf32>
    %sub3A_211 = arith.subf %sub3A_209, %sub3A_210 : vector<256x128xf32>
    %mul3A_212 = vector.broadcast %div3A_26 : vector<1x128xf32> to vector<256x128xf32>
    %mul3A_213 = arith.mulf %sub3A_211, %mul3A_212 : vector<256x128xf32>
    %add3A_214 = vector.broadcast %get3A_17 : vector<1x128xf32> to vector<256x128xf32>
    %add3A_215 = arith.addf %mul3A_213, %add3A_214 : vector<256x128xf32>
    %ge3A_216 = arith.constant 0.000000e+00 : f32
    %ge3A_217 = vector.broadcast %ge3A_216 : f32 to vector<256x128xf32>
    %ge3A_218 = arith.cmpf oge, %add3A_215, %ge3A_217 : vector<256x128xf32>
    %mul3A_219 = arith.constant 2.000000e-01 : f32
    %mul3A_220 = vector.broadcast %mul3A_219 : f32 to vector<256x128xf32>
    %mul3A_221 = arith.mulf %mul3A_220, %add3A_215 : vector<256x128xf32>
    %select_n3A_222 = arith.select %ge3A_218, %add3A_215, %mul3A_221 : vector<256x128xi1>, vector<256x128xf32>
    %slice3A_223 = vector.extract_strided_slice %reshape3A_94 {offsets = [8, 0, 0], sizes = [1, 256, 128], strides = [1, 1, 1]} : vector<16x256x128xf32> to vector<1x256x128xf32>
    %squeeze3A_224 = vector.shape_cast %slice3A_223 : vector<1x256x128xf32> to vector<256x128xf32>
    %sub3A_225 = arith.subf %squeeze3A_224, %get3A_3 : vector<256x128xf32>
    %sub3A_226 = vector.broadcast %div3A_19 : vector<1x128xf32> to vector<256x128xf32>
    %sub3A_227 = arith.subf %sub3A_225, %sub3A_226 : vector<256x128xf32>
    %mul3A_228 = vector.broadcast %div3A_26 : vector<1x128xf32> to vector<256x128xf32>
    %mul3A_229 = arith.mulf %sub3A_227, %mul3A_228 : vector<256x128xf32>
    %add3A_230 = vector.broadcast %get3A_17 : vector<1x128xf32> to vector<256x128xf32>
    %add3A_231 = arith.addf %mul3A_229, %add3A_230 : vector<256x128xf32>
    %ge3A_232 = arith.constant 0.000000e+00 : f32
    %ge3A_233 = vector.broadcast %ge3A_232 : f32 to vector<256x128xf32>
    %ge3A_234 = arith.cmpf oge, %add3A_231, %ge3A_233 : vector<256x128xf32>
    %mul3A_235 = arith.constant 2.000000e-01 : f32
    %mul3A_236 = vector.broadcast %mul3A_235 : f32 to vector<256x128xf32>
    %mul3A_237 = arith.mulf %mul3A_236, %add3A_231 : vector<256x128xf32>
    %select_n3A_238 = arith.select %ge3A_234, %add3A_231, %mul3A_237 : vector<256x128xi1>, vector<256x128xf32>
    %slice3A_239 = vector.extract_strided_slice %reshape3A_94 {offsets = [9, 0, 0], sizes = [1, 256, 128], strides = [1, 1, 1]} : vector<16x256x128xf32> to vector<1x256x128xf32>
    %squeeze3A_240 = vector.shape_cast %slice3A_239 : vector<1x256x128xf32> to vector<256x128xf32>
    %sub3A_241 = arith.subf %squeeze3A_240, %get3A_3 : vector<256x128xf32>
    %sub3A_242 = vector.broadcast %div3A_19 : vector<1x128xf32> to vector<256x128xf32>
    %sub3A_243 = arith.subf %sub3A_241, %sub3A_242 : vector<256x128xf32>
    %mul3A_244 = vector.broadcast %div3A_26 : vector<1x128xf32> to vector<256x128xf32>
    %mul3A_245 = arith.mulf %sub3A_243, %mul3A_244 : vector<256x128xf32>
    %add3A_246 = vector.broadcast %get3A_17 : vector<1x128xf32> to vector<256x128xf32>
    %add3A_247 = arith.addf %mul3A_245, %add3A_246 : vector<256x128xf32>
    %ge3A_248 = arith.constant 0.000000e+00 : f32
    %ge3A_249 = vector.broadcast %ge3A_248 : f32 to vector<256x128xf32>
    %ge3A_250 = arith.cmpf oge, %add3A_247, %ge3A_249 : vector<256x128xf32>
    %mul3A_251 = arith.constant 2.000000e-01 : f32
    %mul3A_252 = vector.broadcast %mul3A_251 : f32 to vector<256x128xf32>
    %mul3A_253 = arith.mulf %mul3A_252, %add3A_247 : vector<256x128xf32>
    %select_n3A_254 = arith.select %ge3A_250, %add3A_247, %mul3A_253 : vector<256x128xi1>, vector<256x128xf32>
    %slice3A_255 = vector.extract_strided_slice %reshape3A_94 {offsets = [10, 0, 0], sizes = [1, 256, 128], strides = [1, 1, 1]} : vector<16x256x128xf32> to vector<1x256x128xf32>
    %squeeze3A_256 = vector.shape_cast %slice3A_255 : vector<1x256x128xf32> to vector<256x128xf32>
    %sub3A_257 = arith.subf %squeeze3A_256, %get3A_3 : vector<256x128xf32>
    %sub3A_258 = vector.broadcast %div3A_19 : vector<1x128xf32> to vector<256x128xf32>
    %sub3A_259 = arith.subf %sub3A_257, %sub3A_258 : vector<256x128xf32>
    %mul3A_260 = vector.broadcast %div3A_26 : vector<1x128xf32> to vector<256x128xf32>
    %mul3A_261 = arith.mulf %sub3A_259, %mul3A_260 : vector<256x128xf32>
    %add3A_262 = vector.broadcast %get3A_17 : vector<1x128xf32> to vector<256x128xf32>
    %add3A_263 = arith.addf %mul3A_261, %add3A_262 : vector<256x128xf32>
    %ge3A_264 = arith.constant 0.000000e+00 : f32
    %ge3A_265 = vector.broadcast %ge3A_264 : f32 to vector<256x128xf32>
    %ge3A_266 = arith.cmpf oge, %add3A_263, %ge3A_265 : vector<256x128xf32>
    %mul3A_267 = arith.constant 2.000000e-01 : f32
    %mul3A_268 = vector.broadcast %mul3A_267 : f32 to vector<256x128xf32>
    %mul3A_269 = arith.mulf %mul3A_268, %add3A_263 : vector<256x128xf32>
    %select_n3A_270 = arith.select %ge3A_266, %add3A_263, %mul3A_269 : vector<256x128xi1>, vector<256x128xf32>
    %slice3A_271 = vector.extract_strided_slice %reshape3A_94 {offsets = [11, 0, 0], sizes = [1, 256, 128], strides = [1, 1, 1]} : vector<16x256x128xf32> to vector<1x256x128xf32>
    %squeeze3A_272 = vector.shape_cast %slice3A_271 : vector<1x256x128xf32> to vector<256x128xf32>
    %sub3A_273 = arith.subf %squeeze3A_272, %get3A_3 : vector<256x128xf32>
    %sub3A_274 = vector.broadcast %div3A_19 : vector<1x128xf32> to vector<256x128xf32>
    %sub3A_275 = arith.subf %sub3A_273, %sub3A_274 : vector<256x128xf32>
    %mul3A_276 = vector.broadcast %div3A_26 : vector<1x128xf32> to vector<256x128xf32>
    %mul3A_277 = arith.mulf %sub3A_275, %mul3A_276 : vector<256x128xf32>
    %add3A_278 = vector.broadcast %get3A_17 : vector<1x128xf32> to vector<256x128xf32>
    %add3A_279 = arith.addf %mul3A_277, %add3A_278 : vector<256x128xf32>
    %ge3A_280 = arith.constant 0.000000e+00 : f32
    %ge3A_281 = vector.broadcast %ge3A_280 : f32 to vector<256x128xf32>
    %ge3A_282 = arith.cmpf oge, %add3A_279, %ge3A_281 : vector<256x128xf32>
    %mul3A_283 = arith.constant 2.000000e-01 : f32
    %mul3A_284 = vector.broadcast %mul3A_283 : f32 to vector<256x128xf32>
    %mul3A_285 = arith.mulf %mul3A_284, %add3A_279 : vector<256x128xf32>
    %select_n3A_286 = arith.select %ge3A_282, %add3A_279, %mul3A_285 : vector<256x128xi1>, vector<256x128xf32>
    %slice3A_287 = vector.extract_strided_slice %reshape3A_94 {offsets = [12, 0, 0], sizes = [1, 256, 128], strides = [1, 1, 1]} : vector<16x256x128xf32> to vector<1x256x128xf32>
    %squeeze3A_288 = vector.shape_cast %slice3A_287 : vector<1x256x128xf32> to vector<256x128xf32>
    %sub3A_289 = arith.subf %squeeze3A_288, %get3A_3 : vector<256x128xf32>
    %sub3A_290 = vector.broadcast %div3A_19 : vector<1x128xf32> to vector<256x128xf32>
    %sub3A_291 = arith.subf %sub3A_289, %sub3A_290 : vector<256x128xf32>
    %mul3A_292 = vector.broadcast %div3A_26 : vector<1x128xf32> to vector<256x128xf32>
    %mul3A_293 = arith.mulf %sub3A_291, %mul3A_292 : vector<256x128xf32>
    %add3A_294 = vector.broadcast %get3A_17 : vector<1x128xf32> to vector<256x128xf32>
    %add3A_295 = arith.addf %mul3A_293, %add3A_294 : vector<256x128xf32>
    %ge3A_296 = arith.constant 0.000000e+00 : f32
    %ge3A_297 = vector.broadcast %ge3A_296 : f32 to vector<256x128xf32>
    %ge3A_298 = arith.cmpf oge, %add3A_295, %ge3A_297 : vector<256x128xf32>
    %mul3A_299 = arith.constant 2.000000e-01 : f32
    %mul3A_300 = vector.broadcast %mul3A_299 : f32 to vector<256x128xf32>
    %mul3A_301 = arith.mulf %mul3A_300, %add3A_295 : vector<256x128xf32>
    %select_n3A_302 = arith.select %ge3A_298, %add3A_295, %mul3A_301 : vector<256x128xi1>, vector<256x128xf32>
    %slice3A_303 = vector.extract_strided_slice %reshape3A_94 {offsets = [13, 0, 0], sizes = [1, 256, 128], strides = [1, 1, 1]} : vector<16x256x128xf32> to vector<1x256x128xf32>
    %squeeze3A_304 = vector.shape_cast %slice3A_303 : vector<1x256x128xf32> to vector<256x128xf32>
    %sub3A_305 = arith.subf %squeeze3A_304, %get3A_3 : vector<256x128xf32>
    %sub3A_306 = vector.broadcast %div3A_19 : vector<1x128xf32> to vector<256x128xf32>
    %sub3A_307 = arith.subf %sub3A_305, %sub3A_306 : vector<256x128xf32>
    %mul3A_308 = vector.broadcast %div3A_26 : vector<1x128xf32> to vector<256x128xf32>
    %mul3A_309 = arith.mulf %sub3A_307, %mul3A_308 : vector<256x128xf32>
    %add3A_310 = vector.broadcast %get3A_17 : vector<1x128xf32> to vector<256x128xf32>
    %add3A_311 = arith.addf %mul3A_309, %add3A_310 : vector<256x128xf32>
    %ge3A_312 = arith.constant 0.000000e+00 : f32
    %ge3A_313 = vector.broadcast %ge3A_312 : f32 to vector<256x128xf32>
    %ge3A_314 = arith.cmpf oge, %add3A_311, %ge3A_313 : vector<256x128xf32>
    %mul3A_315 = arith.constant 2.000000e-01 : f32
    %mul3A_316 = vector.broadcast %mul3A_315 : f32 to vector<256x128xf32>
    %mul3A_317 = arith.mulf %mul3A_316, %add3A_311 : vector<256x128xf32>
    %select_n3A_318 = arith.select %ge3A_314, %add3A_311, %mul3A_317 : vector<256x128xi1>, vector<256x128xf32>
    %slice3A_319 = vector.extract_strided_slice %reshape3A_94 {offsets = [14, 0, 0], sizes = [1, 256, 128], strides = [1, 1, 1]} : vector<16x256x128xf32> to vector<1x256x128xf32>
    %squeeze3A_320 = vector.shape_cast %slice3A_319 : vector<1x256x128xf32> to vector<256x128xf32>
    %sub3A_321 = arith.subf %squeeze3A_320, %get3A_3 : vector<256x128xf32>
    %sub3A_322 = vector.broadcast %div3A_19 : vector<1x128xf32> to vector<256x128xf32>
    %sub3A_323 = arith.subf %sub3A_321, %sub3A_322 : vector<256x128xf32>
    %mul3A_324 = vector.broadcast %div3A_26 : vector<1x128xf32> to vector<256x128xf32>
    %mul3A_325 = arith.mulf %sub3A_323, %mul3A_324 : vector<256x128xf32>
    %add3A_326 = vector.broadcast %get3A_17 : vector<1x128xf32> to vector<256x128xf32>
    %add3A_327 = arith.addf %mul3A_325, %add3A_326 : vector<256x128xf32>
    %ge3A_328 = arith.constant 0.000000e+00 : f32
    %ge3A_329 = vector.broadcast %ge3A_328 : f32 to vector<256x128xf32>
    %ge3A_330 = arith.cmpf oge, %add3A_327, %ge3A_329 : vector<256x128xf32>
    %mul3A_331 = arith.constant 2.000000e-01 : f32
    %mul3A_332 = vector.broadcast %mul3A_331 : f32 to vector<256x128xf32>
    %mul3A_333 = arith.mulf %mul3A_332, %add3A_327 : vector<256x128xf32>
    %select_n3A_334 = arith.select %ge3A_330, %add3A_327, %mul3A_333 : vector<256x128xi1>, vector<256x128xf32>
    %slice3A_335 = vector.extract_strided_slice %reshape3A_94 {offsets = [15, 0, 0], sizes = [1, 256, 128], strides = [1, 1, 1]} : vector<16x256x128xf32> to vector<1x256x128xf32>
    %squeeze3A_336 = vector.shape_cast %slice3A_335 : vector<1x256x128xf32> to vector<256x128xf32>
    %sub3A_337 = arith.subf %squeeze3A_336, %get3A_3 : vector<256x128xf32>
    %sub3A_338 = vector.broadcast %div3A_19 : vector<1x128xf32> to vector<256x128xf32>
    %sub3A_339 = arith.subf %sub3A_337, %sub3A_338 : vector<256x128xf32>
    %mul3A_340 = vector.broadcast %div3A_26 : vector<1x128xf32> to vector<256x128xf32>
    %mul3A_341 = arith.mulf %sub3A_339, %mul3A_340 : vector<256x128xf32>
    %add3A_342 = vector.broadcast %get3A_17 : vector<1x128xf32> to vector<256x128xf32>
    %add3A_343 = arith.addf %mul3A_341, %add3A_342 : vector<256x128xf32>
    %ge3A_344 = arith.constant 0.000000e+00 : f32
    %ge3A_345 = vector.broadcast %ge3A_344 : f32 to vector<256x128xf32>
    %ge3A_346 = arith.cmpf oge, %add3A_343, %ge3A_345 : vector<256x128xf32>
    %mul3A_347 = arith.constant 2.000000e-01 : f32
    %mul3A_348 = vector.broadcast %mul3A_347 : f32 to vector<256x128xf32>
    %mul3A_349 = arith.mulf %mul3A_348, %add3A_343 : vector<256x128xf32>
    %select_n3A_350 = arith.select %ge3A_346, %add3A_343, %mul3A_349 : vector<256x128xi1>, vector<256x128xf32>
    %concatenate3A = tpu.concatenate %select_n3A, %select_n3A_126, %select_n3A_142, %select_n3A_158, %select_n3A_174, %select_n3A_190, %select_n3A_206, %select_n3A_222, %select_n3A_238, %select_n3A_254, %select_n3A_270, %select_n3A_286, %select_n3A_302, %select_n3A_318, %select_n3A_334, %select_n3A_350 in 0 : vector<256x128xf32>, vector<256x128xf32>, vector<256x128xf32>, vector<256x128xf32>, vector<256x128xf32>, vector<256x128xf32>, vector<256x128xf32>, vector<256x128xf32>, vector<256x128xf32>, vector<256x128xf32>, vector<256x128xf32>, vector<256x128xf32>, vector<256x128xf32>, vector<256x128xf32>, vector<256x128xf32>, vector<256x128xf32> -> vector<4096x128xf32>
    %get3A_351 = arith.constant 0 : index
    %get3A_352 = arith.constant 0 : index
    %get3A_353 = vector.load %arg11[%get3A_351, %get3A_352] : memref<128x256xf32, #tpu.memory_space<vmem>>, vector<128x256xf32>
    %dot_general3A_354 = arith.constant dense<0.000000e+00> : vector<4096x256xf32>
    %dot_general3A_355 = tpu.matmul %concatenate3A, %get3A_353, %dot_general3A_354 {dimension_numbers = #tpu.dot_dimension_numbers<[1], [0], [0], [1], [0, 0, 1, 1], [], []>, transpose_lhs_hint = false} : vector<4096x128xf32>, vector<128x256xf32>, vector<4096x256xf32> -> vector<4096x256xf32>
    %get3A_356 = arith.constant 0 : index
    %get3A_357 = arith.constant 0 : index
    %get3A_358 = vector.load %arg12[%get3A_356, %get3A_357] : memref<1x256xf32, #tpu.memory_space<vmem>>, vector<1x256xf32>
    %add3A_359 = vector.broadcast %get3A_358 : vector<1x256xf32> to vector<4096x256xf32>
    %add3A_360 = arith.addf %dot_general3A_355, %add3A_359 : vector<4096x256xf32>
    %reshape3A_361 = vector.shape_cast %add3A_360 : vector<4096x256xf32> to vector<16x256x256xf32>
    %slice3A_362 = vector.extract_strided_slice %reshape3A_361 {offsets = [0, 0, 0], sizes = [1, 256, 256], strides = [1, 1, 1]} : vector<16x256x256xf32> to vector<1x256x256xf32>
    %squeeze3A_363 = vector.shape_cast %slice3A_362 : vector<1x256x256xf32> to vector<256x256xf32>
    %sub3A_364 = vector.broadcast %div3A_39 : vector<1x256xf32> to vector<256x256xf32>
    %sub3A_365 = arith.subf %squeeze3A_363, %sub3A_364 : vector<256x256xf32>
    %mul3A_366 = vector.broadcast %div3A_50 : vector<1x256xf32> to vector<256x256xf32>
    %mul3A_367 = arith.mulf %sub3A_365, %mul3A_366 : vector<256x256xf32>
    %add3A_368 = vector.broadcast %get3A_35 : vector<1x256xf32> to vector<256x256xf32>
    %add3A_369 = arith.addf %mul3A_367, %add3A_368 : vector<256x256xf32>
    %ge3A_370 = arith.constant 0.000000e+00 : f32
    %ge3A_371 = vector.broadcast %ge3A_370 : f32 to vector<256x256xf32>
    %ge3A_372 = arith.cmpf oge, %add3A_369, %ge3A_371 : vector<256x256xf32>
    %mul3A_373 = arith.constant 2.000000e-01 : f32
    %mul3A_374 = vector.broadcast %mul3A_373 : f32 to vector<256x256xf32>
    %mul3A_375 = arith.mulf %mul3A_374, %add3A_369 : vector<256x256xf32>
    %select_n3A_376 = arith.select %ge3A_372, %add3A_369, %mul3A_375 : vector<256x256xi1>, vector<256x256xf32>
    %slice3A_377 = vector.extract_strided_slice %reshape3A_97 {offsets = [0, 0, 0], sizes = [1, 256, 256], strides = [1, 1, 1]} : vector<16x256x256xf32> to vector<1x256x256xf32>
    %squeeze3A_378 = vector.shape_cast %slice3A_377 : vector<1x256x256xf32> to vector<256x256xf32>
    %add3A_379 = arith.addf %squeeze3A_378, %get3A_8 : vector<256x256xf32>
    %sub3A_380 = vector.broadcast %div3A_63 : vector<1x256xf32> to vector<256x256xf32>
    %sub3A_381 = arith.subf %add3A_379, %sub3A_380 : vector<256x256xf32>
    %mul3A_382 = vector.broadcast %div3A_74 : vector<1x256xf32> to vector<256x256xf32>
    %mul3A_383 = arith.mulf %sub3A_381, %mul3A_382 : vector<256x256xf32>
    %add3A_384 = vector.broadcast %get3A_59 : vector<1x256xf32> to vector<256x256xf32>
    %add3A_385 = arith.addf %mul3A_383, %add3A_384 : vector<256x256xf32>
    %ge3A_386 = arith.constant 0.000000e+00 : f32
    %ge3A_387 = vector.broadcast %ge3A_386 : f32 to vector<256x256xf32>
    %ge3A_388 = arith.cmpf oge, %add3A_385, %ge3A_387 : vector<256x256xf32>
    %mul3A_389 = arith.constant 2.000000e-01 : f32
    %mul3A_390 = vector.broadcast %mul3A_389 : f32 to vector<256x256xf32>
    %mul3A_391 = arith.mulf %mul3A_390, %add3A_385 : vector<256x256xf32>
    %select_n3A_392 = arith.select %ge3A_388, %add3A_385, %mul3A_391 : vector<256x256xi1>, vector<256x256xf32>
    %slice3A_393 = vector.extract_strided_slice %reshape3A_361 {offsets = [1, 0, 0], sizes = [1, 256, 256], strides = [1, 1, 1]} : vector<16x256x256xf32> to vector<1x256x256xf32>
    %squeeze3A_394 = vector.shape_cast %slice3A_393 : vector<1x256x256xf32> to vector<256x256xf32>
    %sub3A_395 = vector.broadcast %div3A_39 : vector<1x256xf32> to vector<256x256xf32>
    %sub3A_396 = arith.subf %squeeze3A_394, %sub3A_395 : vector<256x256xf32>
    %mul3A_397 = vector.broadcast %div3A_50 : vector<1x256xf32> to vector<256x256xf32>
    %mul3A_398 = arith.mulf %sub3A_396, %mul3A_397 : vector<256x256xf32>
    %add3A_399 = vector.broadcast %get3A_35 : vector<1x256xf32> to vector<256x256xf32>
    %add3A_400 = arith.addf %mul3A_398, %add3A_399 : vector<256x256xf32>
    %ge3A_401 = arith.constant 0.000000e+00 : f32
    %ge3A_402 = vector.broadcast %ge3A_401 : f32 to vector<256x256xf32>
    %ge3A_403 = arith.cmpf oge, %add3A_400, %ge3A_402 : vector<256x256xf32>
    %mul3A_404 = arith.constant 2.000000e-01 : f32
    %mul3A_405 = vector.broadcast %mul3A_404 : f32 to vector<256x256xf32>
    %mul3A_406 = arith.mulf %mul3A_405, %add3A_400 : vector<256x256xf32>
    %select_n3A_407 = arith.select %ge3A_403, %add3A_400, %mul3A_406 : vector<256x256xi1>, vector<256x256xf32>
    %slice3A_408 = vector.extract_strided_slice %reshape3A_97 {offsets = [1, 0, 0], sizes = [1, 256, 256], strides = [1, 1, 1]} : vector<16x256x256xf32> to vector<1x256x256xf32>
    %squeeze3A_409 = vector.shape_cast %slice3A_408 : vector<1x256x256xf32> to vector<256x256xf32>
    %add3A_410 = arith.addf %squeeze3A_409, %get3A_8 : vector<256x256xf32>
    %sub3A_411 = vector.broadcast %div3A_63 : vector<1x256xf32> to vector<256x256xf32>
    %sub3A_412 = arith.subf %add3A_410, %sub3A_411 : vector<256x256xf32>
    %mul3A_413 = vector.broadcast %div3A_74 : vector<1x256xf32> to vector<256x256xf32>
    %mul3A_414 = arith.mulf %sub3A_412, %mul3A_413 : vector<256x256xf32>
    %add3A_415 = vector.broadcast %get3A_59 : vector<1x256xf32> to vector<256x256xf32>
    %add3A_416 = arith.addf %mul3A_414, %add3A_415 : vector<256x256xf32>
    %ge3A_417 = arith.constant 0.000000e+00 : f32
    %ge3A_418 = vector.broadcast %ge3A_417 : f32 to vector<256x256xf32>
    %ge3A_419 = arith.cmpf oge, %add3A_416, %ge3A_418 : vector<256x256xf32>
    %mul3A_420 = arith.constant 2.000000e-01 : f32
    %mul3A_421 = vector.broadcast %mul3A_420 : f32 to vector<256x256xf32>
    %mul3A_422 = arith.mulf %mul3A_421, %add3A_416 : vector<256x256xf32>
    %select_n3A_423 = arith.select %ge3A_419, %add3A_416, %mul3A_422 : vector<256x256xi1>, vector<256x256xf32>
    %slice3A_424 = vector.extract_strided_slice %reshape3A_361 {offsets = [2, 0, 0], sizes = [1, 256, 256], strides = [1, 1, 1]} : vector<16x256x256xf32> to vector<1x256x256xf32>
    %squeeze3A_425 = vector.shape_cast %slice3A_424 : vector<1x256x256xf32> to vector<256x256xf32>
    %sub3A_426 = vector.broadcast %div3A_39 : vector<1x256xf32> to vector<256x256xf32>
    %sub3A_427 = arith.subf %squeeze3A_425, %sub3A_426 : vector<256x256xf32>
    %mul3A_428 = vector.broadcast %div3A_50 : vector<1x256xf32> to vector<256x256xf32>
    %mul3A_429 = arith.mulf %sub3A_427, %mul3A_428 : vector<256x256xf32>
    %add3A_430 = vector.broadcast %get3A_35 : vector<1x256xf32> to vector<256x256xf32>
    %add3A_431 = arith.addf %mul3A_429, %add3A_430 : vector<256x256xf32>
    %ge3A_432 = arith.constant 0.000000e+00 : f32
    %ge3A_433 = vector.broadcast %ge3A_432 : f32 to vector<256x256xf32>
    %ge3A_434 = arith.cmpf oge, %add3A_431, %ge3A_433 : vector<256x256xf32>
    %mul3A_435 = arith.constant 2.000000e-01 : f32
    %mul3A_436 = vector.broadcast %mul3A_435 : f32 to vector<256x256xf32>
    %mul3A_437 = arith.mulf %mul3A_436, %add3A_431 : vector<256x256xf32>
    %select_n3A_438 = arith.select %ge3A_434, %add3A_431, %mul3A_437 : vector<256x256xi1>, vector<256x256xf32>
    %slice3A_439 = vector.extract_strided_slice %reshape3A_97 {offsets = [2, 0, 0], sizes = [1, 256, 256], strides = [1, 1, 1]} : vector<16x256x256xf32> to vector<1x256x256xf32>
    %squeeze3A_440 = vector.shape_cast %slice3A_439 : vector<1x256x256xf32> to vector<256x256xf32>
    %add3A_441 = arith.addf %squeeze3A_440, %get3A_8 : vector<256x256xf32>
    %sub3A_442 = vector.broadcast %div3A_63 : vector<1x256xf32> to vector<256x256xf32>
    %sub3A_443 = arith.subf %add3A_441, %sub3A_442 : vector<256x256xf32>
    %mul3A_444 = vector.broadcast %div3A_74 : vector<1x256xf32> to vector<256x256xf32>
    %mul3A_445 = arith.mulf %sub3A_443, %mul3A_444 : vector<256x256xf32>
    %add3A_446 = vector.broadcast %get3A_59 : vector<1x256xf32> to vector<256x256xf32>
    %add3A_447 = arith.addf %mul3A_445, %add3A_446 : vector<256x256xf32>
    %ge3A_448 = arith.constant 0.000000e+00 : f32
    %ge3A_449 = vector.broadcast %ge3A_448 : f32 to vector<256x256xf32>
    %ge3A_450 = arith.cmpf oge, %add3A_447, %ge3A_449 : vector<256x256xf32>
    %mul3A_451 = arith.constant 2.000000e-01 : f32
    %mul3A_452 = vector.broadcast %mul3A_451 : f32 to vector<256x256xf32>
    %mul3A_453 = arith.mulf %mul3A_452, %add3A_447 : vector<256x256xf32>
    %select_n3A_454 = arith.select %ge3A_450, %add3A_447, %mul3A_453 : vector<256x256xi1>, vector<256x256xf32>
    %slice3A_455 = vector.extract_strided_slice %reshape3A_361 {offsets = [3, 0, 0], sizes = [1, 256, 256], strides = [1, 1, 1]} : vector<16x256x256xf32> to vector<1x256x256xf32>
    %squeeze3A_456 = vector.shape_cast %slice3A_455 : vector<1x256x256xf32> to vector<256x256xf32>
    %sub3A_457 = vector.broadcast %div3A_39 : vector<1x256xf32> to vector<256x256xf32>
    %sub3A_458 = arith.subf %squeeze3A_456, %sub3A_457 : vector<256x256xf32>
    %mul3A_459 = vector.broadcast %div3A_50 : vector<1x256xf32> to vector<256x256xf32>
    %mul3A_460 = arith.mulf %sub3A_458, %mul3A_459 : vector<256x256xf32>
    %add3A_461 = vector.broadcast %get3A_35 : vector<1x256xf32> to vector<256x256xf32>
    %add3A_462 = arith.addf %mul3A_460, %add3A_461 : vector<256x256xf32>
    %ge3A_463 = arith.constant 0.000000e+00 : f32
    %ge3A_464 = vector.broadcast %ge3A_463 : f32 to vector<256x256xf32>
    %ge3A_465 = arith.cmpf oge, %add3A_462, %ge3A_464 : vector<256x256xf32>
    %mul3A_466 = arith.constant 2.000000e-01 : f32
    %mul3A_467 = vector.broadcast %mul3A_466 : f32 to vector<256x256xf32>
    %mul3A_468 = arith.mulf %mul3A_467, %add3A_462 : vector<256x256xf32>
    %select_n3A_469 = arith.select %ge3A_465, %add3A_462, %mul3A_468 : vector<256x256xi1>, vector<256x256xf32>
    %slice3A_470 = vector.extract_strided_slice %reshape3A_97 {offsets = [3, 0, 0], sizes = [1, 256, 256], strides = [1, 1, 1]} : vector<16x256x256xf32> to vector<1x256x256xf32>
    %squeeze3A_471 = vector.shape_cast %slice3A_470 : vector<1x256x256xf32> to vector<256x256xf32>
    %add3A_472 = arith.addf %squeeze3A_471, %get3A_8 : vector<256x256xf32>
    %sub3A_473 = vector.broadcast %div3A_63 : vector<1x256xf32> to vector<256x256xf32>
    %sub3A_474 = arith.subf %add3A_472, %sub3A_473 : vector<256x256xf32>
    %mul3A_475 = vector.broadcast %div3A_74 : vector<1x256xf32> to vector<256x256xf32>
    %mul3A_476 = arith.mulf %sub3A_474, %mul3A_475 : vector<256x256xf32>
    %add3A_477 = vector.broadcast %get3A_59 : vector<1x256xf32> to vector<256x256xf32>
    %add3A_478 = arith.addf %mul3A_476, %add3A_477 : vector<256x256xf32>
    %ge3A_479 = arith.constant 0.000000e+00 : f32
    %ge3A_480 = vector.broadcast %ge3A_479 : f32 to vector<256x256xf32>
    %ge3A_481 = arith.cmpf oge, %add3A_478, %ge3A_480 : vector<256x256xf32>
    %mul3A_482 = arith.constant 2.000000e-01 : f32
    %mul3A_483 = vector.broadcast %mul3A_482 : f32 to vector<256x256xf32>
    %mul3A_484 = arith.mulf %mul3A_483, %add3A_478 : vector<256x256xf32>
    %select_n3A_485 = arith.select %ge3A_481, %add3A_478, %mul3A_484 : vector<256x256xi1>, vector<256x256xf32>
    %slice3A_486 = vector.extract_strided_slice %reshape3A_361 {offsets = [4, 0, 0], sizes = [1, 256, 256], strides = [1, 1, 1]} : vector<16x256x256xf32> to vector<1x256x256xf32>
    %squeeze3A_487 = vector.shape_cast %slice3A_486 : vector<1x256x256xf32> to vector<256x256xf32>
    %sub3A_488 = vector.broadcast %div3A_39 : vector<1x256xf32> to vector<256x256xf32>
    %sub3A_489 = arith.subf %squeeze3A_487, %sub3A_488 : vector<256x256xf32>
    %mul3A_490 = vector.broadcast %div3A_50 : vector<1x256xf32> to vector<256x256xf32>
    %mul3A_491 = arith.mulf %sub3A_489, %mul3A_490 : vector<256x256xf32>
    %add3A_492 = vector.broadcast %get3A_35 : vector<1x256xf32> to vector<256x256xf32>
    %add3A_493 = arith.addf %mul3A_491, %add3A_492 : vector<256x256xf32>
    %ge3A_494 = arith.constant 0.000000e+00 : f32
    %ge3A_495 = vector.broadcast %ge3A_494 : f32 to vector<256x256xf32>
    %ge3A_496 = arith.cmpf oge, %add3A_493, %ge3A_495 : vector<256x256xf32>
    %mul3A_497 = arith.constant 2.000000e-01 : f32
    %mul3A_498 = vector.broadcast %mul3A_497 : f32 to vector<256x256xf32>
    %mul3A_499 = arith.mulf %mul3A_498, %add3A_493 : vector<256x256xf32>
    %select_n3A_500 = arith.select %ge3A_496, %add3A_493, %mul3A_499 : vector<256x256xi1>, vector<256x256xf32>
    %slice3A_501 = vector.extract_strided_slice %reshape3A_97 {offsets = [4, 0, 0], sizes = [1, 256, 256], strides = [1, 1, 1]} : vector<16x256x256xf32> to vector<1x256x256xf32>
    %squeeze3A_502 = vector.shape_cast %slice3A_501 : vector<1x256x256xf32> to vector<256x256xf32>
    %add3A_503 = arith.addf %squeeze3A_502, %get3A_8 : vector<256x256xf32>
    %sub3A_504 = vector.broadcast %div3A_63 : vector<1x256xf32> to vector<256x256xf32>
    %sub3A_505 = arith.subf %add3A_503, %sub3A_504 : vector<256x256xf32>
    %mul3A_506 = vector.broadcast %div3A_74 : vector<1x256xf32> to vector<256x256xf32>
    %mul3A_507 = arith.mulf %sub3A_505, %mul3A_506 : vector<256x256xf32>
    %add3A_508 = vector.broadcast %get3A_59 : vector<1x256xf32> to vector<256x256xf32>
    %add3A_509 = arith.addf %mul3A_507, %add3A_508 : vector<256x256xf32>
    %ge3A_510 = arith.constant 0.000000e+00 : f32
    %ge3A_511 = vector.broadcast %ge3A_510 : f32 to vector<256x256xf32>
    %ge3A_512 = arith.cmpf oge, %add3A_509, %ge3A_511 : vector<256x256xf32>
    %mul3A_513 = arith.constant 2.000000e-01 : f32
    %mul3A_514 = vector.broadcast %mul3A_513 : f32 to vector<256x256xf32>
    %mul3A_515 = arith.mulf %mul3A_514, %add3A_509 : vector<256x256xf32>
    %select_n3A_516 = arith.select %ge3A_512, %add3A_509, %mul3A_515 : vector<256x256xi1>, vector<256x256xf32>
    %slice3A_517 = vector.extract_strided_slice %reshape3A_361 {offsets = [5, 0, 0], sizes = [1, 256, 256], strides = [1, 1, 1]} : vector<16x256x256xf32> to vector<1x256x256xf32>
    %squeeze3A_518 = vector.shape_cast %slice3A_517 : vector<1x256x256xf32> to vector<256x256xf32>
    %sub3A_519 = vector.broadcast %div3A_39 : vector<1x256xf32> to vector<256x256xf32>
    %sub3A_520 = arith.subf %squeeze3A_518, %sub3A_519 : vector<256x256xf32>
    %mul3A_521 = vector.broadcast %div3A_50 : vector<1x256xf32> to vector<256x256xf32>
    %mul3A_522 = arith.mulf %sub3A_520, %mul3A_521 : vector<256x256xf32>
    %add3A_523 = vector.broadcast %get3A_35 : vector<1x256xf32> to vector<256x256xf32>
    %add3A_524 = arith.addf %mul3A_522, %add3A_523 : vector<256x256xf32>
    %ge3A_525 = arith.constant 0.000000e+00 : f32
    %ge3A_526 = vector.broadcast %ge3A_525 : f32 to vector<256x256xf32>
    %ge3A_527 = arith.cmpf oge, %add3A_524, %ge3A_526 : vector<256x256xf32>
    %mul3A_528 = arith.constant 2.000000e-01 : f32
    %mul3A_529 = vector.broadcast %mul3A_528 : f32 to vector<256x256xf32>
    %mul3A_530 = arith.mulf %mul3A_529, %add3A_524 : vector<256x256xf32>
    %select_n3A_531 = arith.select %ge3A_527, %add3A_524, %mul3A_530 : vector<256x256xi1>, vector<256x256xf32>
    %slice3A_532 = vector.extract_strided_slice %reshape3A_97 {offsets = [5, 0, 0], sizes = [1, 256, 256], strides = [1, 1, 1]} : vector<16x256x256xf32> to vector<1x256x256xf32>
    %squeeze3A_533 = vector.shape_cast %slice3A_532 : vector<1x256x256xf32> to vector<256x256xf32>
    %add3A_534 = arith.addf %squeeze3A_533, %get3A_8 : vector<256x256xf32>
    %sub3A_535 = vector.broadcast %div3A_63 : vector<1x256xf32> to vector<256x256xf32>
    %sub3A_536 = arith.subf %add3A_534, %sub3A_535 : vector<256x256xf32>
    %mul3A_537 = vector.broadcast %div3A_74 : vector<1x256xf32> to vector<256x256xf32>
    %mul3A_538 = arith.mulf %sub3A_536, %mul3A_537 : vector<256x256xf32>
    %add3A_539 = vector.broadcast %get3A_59 : vector<1x256xf32> to vector<256x256xf32>
    %add3A_540 = arith.addf %mul3A_538, %add3A_539 : vector<256x256xf32>
    %ge3A_541 = arith.constant 0.000000e+00 : f32
    %ge3A_542 = vector.broadcast %ge3A_541 : f32 to vector<256x256xf32>
    %ge3A_543 = arith.cmpf oge, %add3A_540, %ge3A_542 : vector<256x256xf32>
    %mul3A_544 = arith.constant 2.000000e-01 : f32
    %mul3A_545 = vector.broadcast %mul3A_544 : f32 to vector<256x256xf32>
    %mul3A_546 = arith.mulf %mul3A_545, %add3A_540 : vector<256x256xf32>
    %select_n3A_547 = arith.select %ge3A_543, %add3A_540, %mul3A_546 : vector<256x256xi1>, vector<256x256xf32>
    %slice3A_548 = vector.extract_strided_slice %reshape3A_361 {offsets = [6, 0, 0], sizes = [1, 256, 256], strides = [1, 1, 1]} : vector<16x256x256xf32> to vector<1x256x256xf32>
    %squeeze3A_549 = vector.shape_cast %slice3A_548 : vector<1x256x256xf32> to vector<256x256xf32>
    %sub3A_550 = vector.broadcast %div3A_39 : vector<1x256xf32> to vector<256x256xf32>
    %sub3A_551 = arith.subf %squeeze3A_549, %sub3A_550 : vector<256x256xf32>
    %mul3A_552 = vector.broadcast %div3A_50 : vector<1x256xf32> to vector<256x256xf32>
    %mul3A_553 = arith.mulf %sub3A_551, %mul3A_552 : vector<256x256xf32>
    %add3A_554 = vector.broadcast %get3A_35 : vector<1x256xf32> to vector<256x256xf32>
    %add3A_555 = arith.addf %mul3A_553, %add3A_554 : vector<256x256xf32>
    %ge3A_556 = arith.constant 0.000000e+00 : f32
    %ge3A_557 = vector.broadcast %ge3A_556 : f32 to vector<256x256xf32>
    %ge3A_558 = arith.cmpf oge, %add3A_555, %ge3A_557 : vector<256x256xf32>
    %mul3A_559 = arith.constant 2.000000e-01 : f32
    %mul3A_560 = vector.broadcast %mul3A_559 : f32 to vector<256x256xf32>
    %mul3A_561 = arith.mulf %mul3A_560, %add3A_555 : vector<256x256xf32>
    %select_n3A_562 = arith.select %ge3A_558, %add3A_555, %mul3A_561 : vector<256x256xi1>, vector<256x256xf32>
    %slice3A_563 = vector.extract_strided_slice %reshape3A_97 {offsets = [6, 0, 0], sizes = [1, 256, 256], strides = [1, 1, 1]} : vector<16x256x256xf32> to vector<1x256x256xf32>
    %squeeze3A_564 = vector.shape_cast %slice3A_563 : vector<1x256x256xf32> to vector<256x256xf32>
    %add3A_565 = arith.addf %squeeze3A_564, %get3A_8 : vector<256x256xf32>
    %sub3A_566 = vector.broadcast %div3A_63 : vector<1x256xf32> to vector<256x256xf32>
    %sub3A_567 = arith.subf %add3A_565, %sub3A_566 : vector<256x256xf32>
    %mul3A_568 = vector.broadcast %div3A_74 : vector<1x256xf32> to vector<256x256xf32>
    %mul3A_569 = arith.mulf %sub3A_567, %mul3A_568 : vector<256x256xf32>
    %add3A_570 = vector.broadcast %get3A_59 : vector<1x256xf32> to vector<256x256xf32>
    %add3A_571 = arith.addf %mul3A_569, %add3A_570 : vector<256x256xf32>
    %ge3A_572 = arith.constant 0.000000e+00 : f32
    %ge3A_573 = vector.broadcast %ge3A_572 : f32 to vector<256x256xf32>
    %ge3A_574 = arith.cmpf oge, %add3A_571, %ge3A_573 : vector<256x256xf32>
    %mul3A_575 = arith.constant 2.000000e-01 : f32
    %mul3A_576 = vector.broadcast %mul3A_575 : f32 to vector<256x256xf32>
    %mul3A_577 = arith.mulf %mul3A_576, %add3A_571 : vector<256x256xf32>
    %select_n3A_578 = arith.select %ge3A_574, %add3A_571, %mul3A_577 : vector<256x256xi1>, vector<256x256xf32>
    %slice3A_579 = vector.extract_strided_slice %reshape3A_361 {offsets = [7, 0, 0], sizes = [1, 256, 256], strides = [1, 1, 1]} : vector<16x256x256xf32> to vector<1x256x256xf32>
    %squeeze3A_580 = vector.shape_cast %slice3A_579 : vector<1x256x256xf32> to vector<256x256xf32>
    %sub3A_581 = vector.broadcast %div3A_39 : vector<1x256xf32> to vector<256x256xf32>
    %sub3A_582 = arith.subf %squeeze3A_580, %sub3A_581 : vector<256x256xf32>
    %mul3A_583 = vector.broadcast %div3A_50 : vector<1x256xf32> to vector<256x256xf32>
    %mul3A_584 = arith.mulf %sub3A_582, %mul3A_583 : vector<256x256xf32>
    %add3A_585 = vector.broadcast %get3A_35 : vector<1x256xf32> to vector<256x256xf32>
    %add3A_586 = arith.addf %mul3A_584, %add3A_585 : vector<256x256xf32>
    %ge3A_587 = arith.constant 0.000000e+00 : f32
    %ge3A_588 = vector.broadcast %ge3A_587 : f32 to vector<256x256xf32>
    %ge3A_589 = arith.cmpf oge, %add3A_586, %ge3A_588 : vector<256x256xf32>
    %mul3A_590 = arith.constant 2.000000e-01 : f32
    %mul3A_591 = vector.broadcast %mul3A_590 : f32 to vector<256x256xf32>
    %mul3A_592 = arith.mulf %mul3A_591, %add3A_586 : vector<256x256xf32>
    %select_n3A_593 = arith.select %ge3A_589, %add3A_586, %mul3A_592 : vector<256x256xi1>, vector<256x256xf32>
    %slice3A_594 = vector.extract_strided_slice %reshape3A_97 {offsets = [7, 0, 0], sizes = [1, 256, 256], strides = [1, 1, 1]} : vector<16x256x256xf32> to vector<1x256x256xf32>
    %squeeze3A_595 = vector.shape_cast %slice3A_594 : vector<1x256x256xf32> to vector<256x256xf32>
    %add3A_596 = arith.addf %squeeze3A_595, %get3A_8 : vector<256x256xf32>
    %sub3A_597 = vector.broadcast %div3A_63 : vector<1x256xf32> to vector<256x256xf32>
    %sub3A_598 = arith.subf %add3A_596, %sub3A_597 : vector<256x256xf32>
    %mul3A_599 = vector.broadcast %div3A_74 : vector<1x256xf32> to vector<256x256xf32>
    %mul3A_600 = arith.mulf %sub3A_598, %mul3A_599 : vector<256x256xf32>
    %add3A_601 = vector.broadcast %get3A_59 : vector<1x256xf32> to vector<256x256xf32>
    %add3A_602 = arith.addf %mul3A_600, %add3A_601 : vector<256x256xf32>
    %ge3A_603 = arith.constant 0.000000e+00 : f32
    %ge3A_604 = vector.broadcast %ge3A_603 : f32 to vector<256x256xf32>
    %ge3A_605 = arith.cmpf oge, %add3A_602, %ge3A_604 : vector<256x256xf32>
    %mul3A_606 = arith.constant 2.000000e-01 : f32
    %mul3A_607 = vector.broadcast %mul3A_606 : f32 to vector<256x256xf32>
    %mul3A_608 = arith.mulf %mul3A_607, %add3A_602 : vector<256x256xf32>
    %select_n3A_609 = arith.select %ge3A_605, %add3A_602, %mul3A_608 : vector<256x256xi1>, vector<256x256xf32>
    %slice3A_610 = vector.extract_strided_slice %reshape3A_361 {offsets = [8, 0, 0], sizes = [1, 256, 256], strides = [1, 1, 1]} : vector<16x256x256xf32> to vector<1x256x256xf32>
    %squeeze3A_611 = vector.shape_cast %slice3A_610 : vector<1x256x256xf32> to vector<256x256xf32>
    %sub3A_612 = vector.broadcast %div3A_39 : vector<1x256xf32> to vector<256x256xf32>
    %sub3A_613 = arith.subf %squeeze3A_611, %sub3A_612 : vector<256x256xf32>
    %mul3A_614 = vector.broadcast %div3A_50 : vector<1x256xf32> to vector<256x256xf32>
    %mul3A_615 = arith.mulf %sub3A_613, %mul3A_614 : vector<256x256xf32>
    %add3A_616 = vector.broadcast %get3A_35 : vector<1x256xf32> to vector<256x256xf32>
    %add3A_617 = arith.addf %mul3A_615, %add3A_616 : vector<256x256xf32>
    %ge3A_618 = arith.constant 0.000000e+00 : f32
    %ge3A_619 = vector.broadcast %ge3A_618 : f32 to vector<256x256xf32>
    %ge3A_620 = arith.cmpf oge, %add3A_617, %ge3A_619 : vector<256x256xf32>
    %mul3A_621 = arith.constant 2.000000e-01 : f32
    %mul3A_622 = vector.broadcast %mul3A_621 : f32 to vector<256x256xf32>
    %mul3A_623 = arith.mulf %mul3A_622, %add3A_617 : vector<256x256xf32>
    %select_n3A_624 = arith.select %ge3A_620, %add3A_617, %mul3A_623 : vector<256x256xi1>, vector<256x256xf32>
    %slice3A_625 = vector.extract_strided_slice %reshape3A_97 {offsets = [8, 0, 0], sizes = [1, 256, 256], strides = [1, 1, 1]} : vector<16x256x256xf32> to vector<1x256x256xf32>
    %squeeze3A_626 = vector.shape_cast %slice3A_625 : vector<1x256x256xf32> to vector<256x256xf32>
    %add3A_627 = arith.addf %squeeze3A_626, %get3A_8 : vector<256x256xf32>
    %sub3A_628 = vector.broadcast %div3A_63 : vector<1x256xf32> to vector<256x256xf32>
    %sub3A_629 = arith.subf %add3A_627, %sub3A_628 : vector<256x256xf32>
    %mul3A_630 = vector.broadcast %div3A_74 : vector<1x256xf32> to vector<256x256xf32>
    %mul3A_631 = arith.mulf %sub3A_629, %mul3A_630 : vector<256x256xf32>
    %add3A_632 = vector.broadcast %get3A_59 : vector<1x256xf32> to vector<256x256xf32>
    %add3A_633 = arith.addf %mul3A_631, %add3A_632 : vector<256x256xf32>
    %ge3A_634 = arith.constant 0.000000e+00 : f32
    %ge3A_635 = vector.broadcast %ge3A_634 : f32 to vector<256x256xf32>
    %ge3A_636 = arith.cmpf oge, %add3A_633, %ge3A_635 : vector<256x256xf32>
    %mul3A_637 = arith.constant 2.000000e-01 : f32
    %mul3A_638 = vector.broadcast %mul3A_637 : f32 to vector<256x256xf32>
    %mul3A_639 = arith.mulf %mul3A_638, %add3A_633 : vector<256x256xf32>
    %select_n3A_640 = arith.select %ge3A_636, %add3A_633, %mul3A_639 : vector<256x256xi1>, vector<256x256xf32>
    %slice3A_641 = vector.extract_strided_slice %reshape3A_361 {offsets = [9, 0, 0], sizes = [1, 256, 256], strides = [1, 1, 1]} : vector<16x256x256xf32> to vector<1x256x256xf32>
    %squeeze3A_642 = vector.shape_cast %slice3A_641 : vector<1x256x256xf32> to vector<256x256xf32>
    %sub3A_643 = vector.broadcast %div3A_39 : vector<1x256xf32> to vector<256x256xf32>
    %sub3A_644 = arith.subf %squeeze3A_642, %sub3A_643 : vector<256x256xf32>
    %mul3A_645 = vector.broadcast %div3A_50 : vector<1x256xf32> to vector<256x256xf32>
    %mul3A_646 = arith.mulf %sub3A_644, %mul3A_645 : vector<256x256xf32>
    %add3A_647 = vector.broadcast %get3A_35 : vector<1x256xf32> to vector<256x256xf32>
    %add3A_648 = arith.addf %mul3A_646, %add3A_647 : vector<256x256xf32>
    %ge3A_649 = arith.constant 0.000000e+00 : f32
    %ge3A_650 = vector.broadcast %ge3A_649 : f32 to vector<256x256xf32>
    %ge3A_651 = arith.cmpf oge, %add3A_648, %ge3A_650 : vector<256x256xf32>
    %mul3A_652 = arith.constant 2.000000e-01 : f32
    %mul3A_653 = vector.broadcast %mul3A_652 : f32 to vector<256x256xf32>
    %mul3A_654 = arith.mulf %mul3A_653, %add3A_648 : vector<256x256xf32>
    %select_n3A_655 = arith.select %ge3A_651, %add3A_648, %mul3A_654 : vector<256x256xi1>, vector<256x256xf32>
    %slice3A_656 = vector.extract_strided_slice %reshape3A_97 {offsets = [9, 0, 0], sizes = [1, 256, 256], strides = [1, 1, 1]} : vector<16x256x256xf32> to vector<1x256x256xf32>
    %squeeze3A_657 = vector.shape_cast %slice3A_656 : vector<1x256x256xf32> to vector<256x256xf32>
    %add3A_658 = arith.addf %squeeze3A_657, %get3A_8 : vector<256x256xf32>
    %sub3A_659 = vector.broadcast %div3A_63 : vector<1x256xf32> to vector<256x256xf32>
    %sub3A_660 = arith.subf %add3A_658, %sub3A_659 : vector<256x256xf32>
    %mul3A_661 = vector.broadcast %div3A_74 : vector<1x256xf32> to vector<256x256xf32>
    %mul3A_662 = arith.mulf %sub3A_660, %mul3A_661 : vector<256x256xf32>
    %add3A_663 = vector.broadcast %get3A_59 : vector<1x256xf32> to vector<256x256xf32>
    %add3A_664 = arith.addf %mul3A_662, %add3A_663 : vector<256x256xf32>
    %ge3A_665 = arith.constant 0.000000e+00 : f32
    %ge3A_666 = vector.broadcast %ge3A_665 : f32 to vector<256x256xf32>
    %ge3A_667 = arith.cmpf oge, %add3A_664, %ge3A_666 : vector<256x256xf32>
    %mul3A_668 = arith.constant 2.000000e-01 : f32
    %mul3A_669 = vector.broadcast %mul3A_668 : f32 to vector<256x256xf32>
    %mul3A_670 = arith.mulf %mul3A_669, %add3A_664 : vector<256x256xf32>
    %select_n3A_671 = arith.select %ge3A_667, %add3A_664, %mul3A_670 : vector<256x256xi1>, vector<256x256xf32>
    %slice3A_672 = vector.extract_strided_slice %reshape3A_361 {offsets = [10, 0, 0], sizes = [1, 256, 256], strides = [1, 1, 1]} : vector<16x256x256xf32> to vector<1x256x256xf32>
    %squeeze3A_673 = vector.shape_cast %slice3A_672 : vector<1x256x256xf32> to vector<256x256xf32>
    %sub3A_674 = vector.broadcast %div3A_39 : vector<1x256xf32> to vector<256x256xf32>
    %sub3A_675 = arith.subf %squeeze3A_673, %sub3A_674 : vector<256x256xf32>
    %mul3A_676 = vector.broadcast %div3A_50 : vector<1x256xf32> to vector<256x256xf32>
    %mul3A_677 = arith.mulf %sub3A_675, %mul3A_676 : vector<256x256xf32>
    %add3A_678 = vector.broadcast %get3A_35 : vector<1x256xf32> to vector<256x256xf32>
    %add3A_679 = arith.addf %mul3A_677, %add3A_678 : vector<256x256xf32>
    %ge3A_680 = arith.constant 0.000000e+00 : f32
    %ge3A_681 = vector.broadcast %ge3A_680 : f32 to vector<256x256xf32>
    %ge3A_682 = arith.cmpf oge, %add3A_679, %ge3A_681 : vector<256x256xf32>
    %mul3A_683 = arith.constant 2.000000e-01 : f32
    %mul3A_684 = vector.broadcast %mul3A_683 : f32 to vector<256x256xf32>
    %mul3A_685 = arith.mulf %mul3A_684, %add3A_679 : vector<256x256xf32>
    %select_n3A_686 = arith.select %ge3A_682, %add3A_679, %mul3A_685 : vector<256x256xi1>, vector<256x256xf32>
    %slice3A_687 = vector.extract_strided_slice %reshape3A_97 {offsets = [10, 0, 0], sizes = [1, 256, 256], strides = [1, 1, 1]} : vector<16x256x256xf32> to vector<1x256x256xf32>
    %squeeze3A_688 = vector.shape_cast %slice3A_687 : vector<1x256x256xf32> to vector<256x256xf32>
    %add3A_689 = arith.addf %squeeze3A_688, %get3A_8 : vector<256x256xf32>
    %sub3A_690 = vector.broadcast %div3A_63 : vector<1x256xf32> to vector<256x256xf32>
    %sub3A_691 = arith.subf %add3A_689, %sub3A_690 : vector<256x256xf32>
    %mul3A_692 = vector.broadcast %div3A_74 : vector<1x256xf32> to vector<256x256xf32>
    %mul3A_693 = arith.mulf %sub3A_691, %mul3A_692 : vector<256x256xf32>
    %add3A_694 = vector.broadcast %get3A_59 : vector<1x256xf32> to vector<256x256xf32>
    %add3A_695 = arith.addf %mul3A_693, %add3A_694 : vector<256x256xf32>
    %ge3A_696 = arith.constant 0.000000e+00 : f32
    %ge3A_697 = vector.broadcast %ge3A_696 : f32 to vector<256x256xf32>
    %ge3A_698 = arith.cmpf oge, %add3A_695, %ge3A_697 : vector<256x256xf32>
    %mul3A_699 = arith.constant 2.000000e-01 : f32
    %mul3A_700 = vector.broadcast %mul3A_699 : f32 to vector<256x256xf32>
    %mul3A_701 = arith.mulf %mul3A_700, %add3A_695 : vector<256x256xf32>
    %select_n3A_702 = arith.select %ge3A_698, %add3A_695, %mul3A_701 : vector<256x256xi1>, vector<256x256xf32>
    %slice3A_703 = vector.extract_strided_slice %reshape3A_361 {offsets = [11, 0, 0], sizes = [1, 256, 256], strides = [1, 1, 1]} : vector<16x256x256xf32> to vector<1x256x256xf32>
    %squeeze3A_704 = vector.shape_cast %slice3A_703 : vector<1x256x256xf32> to vector<256x256xf32>
    %sub3A_705 = vector.broadcast %div3A_39 : vector<1x256xf32> to vector<256x256xf32>
    %sub3A_706 = arith.subf %squeeze3A_704, %sub3A_705 : vector<256x256xf32>
    %mul3A_707 = vector.broadcast %div3A_50 : vector<1x256xf32> to vector<256x256xf32>
    %mul3A_708 = arith.mulf %sub3A_706, %mul3A_707 : vector<256x256xf32>
    %add3A_709 = vector.broadcast %get3A_35 : vector<1x256xf32> to vector<256x256xf32>
    %add3A_710 = arith.addf %mul3A_708, %add3A_709 : vector<256x256xf32>
    %ge3A_711 = arith.constant 0.000000e+00 : f32
    %ge3A_712 = vector.broadcast %ge3A_711 : f32 to vector<256x256xf32>
    %ge3A_713 = arith.cmpf oge, %add3A_710, %ge3A_712 : vector<256x256xf32>
    %mul3A_714 = arith.constant 2.000000e-01 : f32
    %mul3A_715 = vector.broadcast %mul3A_714 : f32 to vector<256x256xf32>
    %mul3A_716 = arith.mulf %mul3A_715, %add3A_710 : vector<256x256xf32>
    %select_n3A_717 = arith.select %ge3A_713, %add3A_710, %mul3A_716 : vector<256x256xi1>, vector<256x256xf32>
    %slice3A_718 = vector.extract_strided_slice %reshape3A_97 {offsets = [11, 0, 0], sizes = [1, 256, 256], strides = [1, 1, 1]} : vector<16x256x256xf32> to vector<1x256x256xf32>
    %squeeze3A_719 = vector.shape_cast %slice3A_718 : vector<1x256x256xf32> to vector<256x256xf32>
    %add3A_720 = arith.addf %squeeze3A_719, %get3A_8 : vector<256x256xf32>
    %sub3A_721 = vector.broadcast %div3A_63 : vector<1x256xf32> to vector<256x256xf32>
    %sub3A_722 = arith.subf %add3A_720, %sub3A_721 : vector<256x256xf32>
    %mul3A_723 = vector.broadcast %div3A_74 : vector<1x256xf32> to vector<256x256xf32>
    %mul3A_724 = arith.mulf %sub3A_722, %mul3A_723 : vector<256x256xf32>
    %add3A_725 = vector.broadcast %get3A_59 : vector<1x256xf32> to vector<256x256xf32>
    %add3A_726 = arith.addf %mul3A_724, %add3A_725 : vector<256x256xf32>
    %ge3A_727 = arith.constant 0.000000e+00 : f32
    %ge3A_728 = vector.broadcast %ge3A_727 : f32 to vector<256x256xf32>
    %ge3A_729 = arith.cmpf oge, %add3A_726, %ge3A_728 : vector<256x256xf32>
    %mul3A_730 = arith.constant 2.000000e-01 : f32
    %mul3A_731 = vector.broadcast %mul3A_730 : f32 to vector<256x256xf32>
    %mul3A_732 = arith.mulf %mul3A_731, %add3A_726 : vector<256x256xf32>
    %select_n3A_733 = arith.select %ge3A_729, %add3A_726, %mul3A_732 : vector<256x256xi1>, vector<256x256xf32>
    %slice3A_734 = vector.extract_strided_slice %reshape3A_361 {offsets = [12, 0, 0], sizes = [1, 256, 256], strides = [1, 1, 1]} : vector<16x256x256xf32> to vector<1x256x256xf32>
    %squeeze3A_735 = vector.shape_cast %slice3A_734 : vector<1x256x256xf32> to vector<256x256xf32>
    %sub3A_736 = vector.broadcast %div3A_39 : vector<1x256xf32> to vector<256x256xf32>
    %sub3A_737 = arith.subf %squeeze3A_735, %sub3A_736 : vector<256x256xf32>
    %mul3A_738 = vector.broadcast %div3A_50 : vector<1x256xf32> to vector<256x256xf32>
    %mul3A_739 = arith.mulf %sub3A_737, %mul3A_738 : vector<256x256xf32>
    %add3A_740 = vector.broadcast %get3A_35 : vector<1x256xf32> to vector<256x256xf32>
    %add3A_741 = arith.addf %mul3A_739, %add3A_740 : vector<256x256xf32>
    %ge3A_742 = arith.constant 0.000000e+00 : f32
    %ge3A_743 = vector.broadcast %ge3A_742 : f32 to vector<256x256xf32>
    %ge3A_744 = arith.cmpf oge, %add3A_741, %ge3A_743 : vector<256x256xf32>
    %mul3A_745 = arith.constant 2.000000e-01 : f32
    %mul3A_746 = vector.broadcast %mul3A_745 : f32 to vector<256x256xf32>
    %mul3A_747 = arith.mulf %mul3A_746, %add3A_741 : vector<256x256xf32>
    %select_n3A_748 = arith.select %ge3A_744, %add3A_741, %mul3A_747 : vector<256x256xi1>, vector<256x256xf32>
    %slice3A_749 = vector.extract_strided_slice %reshape3A_97 {offsets = [12, 0, 0], sizes = [1, 256, 256], strides = [1, 1, 1]} : vector<16x256x256xf32> to vector<1x256x256xf32>
    %squeeze3A_750 = vector.shape_cast %slice3A_749 : vector<1x256x256xf32> to vector<256x256xf32>
    %add3A_751 = arith.addf %squeeze3A_750, %get3A_8 : vector<256x256xf32>
    %sub3A_752 = vector.broadcast %div3A_63 : vector<1x256xf32> to vector<256x256xf32>
    %sub3A_753 = arith.subf %add3A_751, %sub3A_752 : vector<256x256xf32>
    %mul3A_754 = vector.broadcast %div3A_74 : vector<1x256xf32> to vector<256x256xf32>
    %mul3A_755 = arith.mulf %sub3A_753, %mul3A_754 : vector<256x256xf32>
    %add3A_756 = vector.broadcast %get3A_59 : vector<1x256xf32> to vector<256x256xf32>
    %add3A_757 = arith.addf %mul3A_755, %add3A_756 : vector<256x256xf32>
    %ge3A_758 = arith.constant 0.000000e+00 : f32
    %ge3A_759 = vector.broadcast %ge3A_758 : f32 to vector<256x256xf32>
    %ge3A_760 = arith.cmpf oge, %add3A_757, %ge3A_759 : vector<256x256xf32>
    %mul3A_761 = arith.constant 2.000000e-01 : f32
    %mul3A_762 = vector.broadcast %mul3A_761 : f32 to vector<256x256xf32>
    %mul3A_763 = arith.mulf %mul3A_762, %add3A_757 : vector<256x256xf32>
    %select_n3A_764 = arith.select %ge3A_760, %add3A_757, %mul3A_763 : vector<256x256xi1>, vector<256x256xf32>
    %slice3A_765 = vector.extract_strided_slice %reshape3A_361 {offsets = [13, 0, 0], sizes = [1, 256, 256], strides = [1, 1, 1]} : vector<16x256x256xf32> to vector<1x256x256xf32>
    %squeeze3A_766 = vector.shape_cast %slice3A_765 : vector<1x256x256xf32> to vector<256x256xf32>
    %sub3A_767 = vector.broadcast %div3A_39 : vector<1x256xf32> to vector<256x256xf32>
    %sub3A_768 = arith.subf %squeeze3A_766, %sub3A_767 : vector<256x256xf32>
    %mul3A_769 = vector.broadcast %div3A_50 : vector<1x256xf32> to vector<256x256xf32>
    %mul3A_770 = arith.mulf %sub3A_768, %mul3A_769 : vector<256x256xf32>
    %add3A_771 = vector.broadcast %get3A_35 : vector<1x256xf32> to vector<256x256xf32>
    %add3A_772 = arith.addf %mul3A_770, %add3A_771 : vector<256x256xf32>
    %ge3A_773 = arith.constant 0.000000e+00 : f32
    %ge3A_774 = vector.broadcast %ge3A_773 : f32 to vector<256x256xf32>
    %ge3A_775 = arith.cmpf oge, %add3A_772, %ge3A_774 : vector<256x256xf32>
    %mul3A_776 = arith.constant 2.000000e-01 : f32
    %mul3A_777 = vector.broadcast %mul3A_776 : f32 to vector<256x256xf32>
    %mul3A_778 = arith.mulf %mul3A_777, %add3A_772 : vector<256x256xf32>
    %select_n3A_779 = arith.select %ge3A_775, %add3A_772, %mul3A_778 : vector<256x256xi1>, vector<256x256xf32>
    %slice3A_780 = vector.extract_strided_slice %reshape3A_97 {offsets = [13, 0, 0], sizes = [1, 256, 256], strides = [1, 1, 1]} : vector<16x256x256xf32> to vector<1x256x256xf32>
    %squeeze3A_781 = vector.shape_cast %slice3A_780 : vector<1x256x256xf32> to vector<256x256xf32>
    %add3A_782 = arith.addf %squeeze3A_781, %get3A_8 : vector<256x256xf32>
    %sub3A_783 = vector.broadcast %div3A_63 : vector<1x256xf32> to vector<256x256xf32>
    %sub3A_784 = arith.subf %add3A_782, %sub3A_783 : vector<256x256xf32>
    %mul3A_785 = vector.broadcast %div3A_74 : vector<1x256xf32> to vector<256x256xf32>
    %mul3A_786 = arith.mulf %sub3A_784, %mul3A_785 : vector<256x256xf32>
    %add3A_787 = vector.broadcast %get3A_59 : vector<1x256xf32> to vector<256x256xf32>
    %add3A_788 = arith.addf %mul3A_786, %add3A_787 : vector<256x256xf32>
    %ge3A_789 = arith.constant 0.000000e+00 : f32
    %ge3A_790 = vector.broadcast %ge3A_789 : f32 to vector<256x256xf32>
    %ge3A_791 = arith.cmpf oge, %add3A_788, %ge3A_790 : vector<256x256xf32>
    %mul3A_792 = arith.constant 2.000000e-01 : f32
    %mul3A_793 = vector.broadcast %mul3A_792 : f32 to vector<256x256xf32>
    %mul3A_794 = arith.mulf %mul3A_793, %add3A_788 : vector<256x256xf32>
    %select_n3A_795 = arith.select %ge3A_791, %add3A_788, %mul3A_794 : vector<256x256xi1>, vector<256x256xf32>
    %slice3A_796 = vector.extract_strided_slice %reshape3A_361 {offsets = [14, 0, 0], sizes = [1, 256, 256], strides = [1, 1, 1]} : vector<16x256x256xf32> to vector<1x256x256xf32>
    %squeeze3A_797 = vector.shape_cast %slice3A_796 : vector<1x256x256xf32> to vector<256x256xf32>
    %sub3A_798 = vector.broadcast %div3A_39 : vector<1x256xf32> to vector<256x256xf32>
    %sub3A_799 = arith.subf %squeeze3A_797, %sub3A_798 : vector<256x256xf32>
    %mul3A_800 = vector.broadcast %div3A_50 : vector<1x256xf32> to vector<256x256xf32>
    %mul3A_801 = arith.mulf %sub3A_799, %mul3A_800 : vector<256x256xf32>
    %add3A_802 = vector.broadcast %get3A_35 : vector<1x256xf32> to vector<256x256xf32>
    %add3A_803 = arith.addf %mul3A_801, %add3A_802 : vector<256x256xf32>
    %ge3A_804 = arith.constant 0.000000e+00 : f32
    %ge3A_805 = vector.broadcast %ge3A_804 : f32 to vector<256x256xf32>
    %ge3A_806 = arith.cmpf oge, %add3A_803, %ge3A_805 : vector<256x256xf32>
    %mul3A_807 = arith.constant 2.000000e-01 : f32
    %mul3A_808 = vector.broadcast %mul3A_807 : f32 to vector<256x256xf32>
    %mul3A_809 = arith.mulf %mul3A_808, %add3A_803 : vector<256x256xf32>
    %select_n3A_810 = arith.select %ge3A_806, %add3A_803, %mul3A_809 : vector<256x256xi1>, vector<256x256xf32>
    %slice3A_811 = vector.extract_strided_slice %reshape3A_97 {offsets = [14, 0, 0], sizes = [1, 256, 256], strides = [1, 1, 1]} : vector<16x256x256xf32> to vector<1x256x256xf32>
    %squeeze3A_812 = vector.shape_cast %slice3A_811 : vector<1x256x256xf32> to vector<256x256xf32>
    %add3A_813 = arith.addf %squeeze3A_812, %get3A_8 : vector<256x256xf32>
    %sub3A_814 = vector.broadcast %div3A_63 : vector<1x256xf32> to vector<256x256xf32>
    %sub3A_815 = arith.subf %add3A_813, %sub3A_814 : vector<256x256xf32>
    %mul3A_816 = vector.broadcast %div3A_74 : vector<1x256xf32> to vector<256x256xf32>
    %mul3A_817 = arith.mulf %sub3A_815, %mul3A_816 : vector<256x256xf32>
    %add3A_818 = vector.broadcast %get3A_59 : vector<1x256xf32> to vector<256x256xf32>
    %add3A_819 = arith.addf %mul3A_817, %add3A_818 : vector<256x256xf32>
    %ge3A_820 = arith.constant 0.000000e+00 : f32
    %ge3A_821 = vector.broadcast %ge3A_820 : f32 to vector<256x256xf32>
    %ge3A_822 = arith.cmpf oge, %add3A_819, %ge3A_821 : vector<256x256xf32>
    %mul3A_823 = arith.constant 2.000000e-01 : f32
    %mul3A_824 = vector.broadcast %mul3A_823 : f32 to vector<256x256xf32>
    %mul3A_825 = arith.mulf %mul3A_824, %add3A_819 : vector<256x256xf32>
    %select_n3A_826 = arith.select %ge3A_822, %add3A_819, %mul3A_825 : vector<256x256xi1>, vector<256x256xf32>
    %slice3A_827 = vector.extract_strided_slice %reshape3A_361 {offsets = [15, 0, 0], sizes = [1, 256, 256], strides = [1, 1, 1]} : vector<16x256x256xf32> to vector<1x256x256xf32>
    %squeeze3A_828 = vector.shape_cast %slice3A_827 : vector<1x256x256xf32> to vector<256x256xf32>
    %sub3A_829 = vector.broadcast %div3A_39 : vector<1x256xf32> to vector<256x256xf32>
    %sub3A_830 = arith.subf %squeeze3A_828, %sub3A_829 : vector<256x256xf32>
    %mul3A_831 = vector.broadcast %div3A_50 : vector<1x256xf32> to vector<256x256xf32>
    %mul3A_832 = arith.mulf %sub3A_830, %mul3A_831 : vector<256x256xf32>
    %add3A_833 = vector.broadcast %get3A_35 : vector<1x256xf32> to vector<256x256xf32>
    %add3A_834 = arith.addf %mul3A_832, %add3A_833 : vector<256x256xf32>
    %ge3A_835 = arith.constant 0.000000e+00 : f32
    %ge3A_836 = vector.broadcast %ge3A_835 : f32 to vector<256x256xf32>
    %ge3A_837 = arith.cmpf oge, %add3A_834, %ge3A_836 : vector<256x256xf32>
    %mul3A_838 = arith.constant 2.000000e-01 : f32
    %mul3A_839 = vector.broadcast %mul3A_838 : f32 to vector<256x256xf32>
    %mul3A_840 = arith.mulf %mul3A_839, %add3A_834 : vector<256x256xf32>
    %select_n3A_841 = arith.select %ge3A_837, %add3A_834, %mul3A_840 : vector<256x256xi1>, vector<256x256xf32>
    %slice3A_842 = vector.extract_strided_slice %reshape3A_97 {offsets = [15, 0, 0], sizes = [1, 256, 256], strides = [1, 1, 1]} : vector<16x256x256xf32> to vector<1x256x256xf32>
    %squeeze3A_843 = vector.shape_cast %slice3A_842 : vector<1x256x256xf32> to vector<256x256xf32>
    %add3A_844 = arith.addf %squeeze3A_843, %get3A_8 : vector<256x256xf32>
    %sub3A_845 = vector.broadcast %div3A_63 : vector<1x256xf32> to vector<256x256xf32>
    %sub3A_846 = arith.subf %add3A_844, %sub3A_845 : vector<256x256xf32>
    %mul3A_847 = vector.broadcast %div3A_74 : vector<1x256xf32> to vector<256x256xf32>
    %mul3A_848 = arith.mulf %sub3A_846, %mul3A_847 : vector<256x256xf32>
    %add3A_849 = vector.broadcast %get3A_59 : vector<1x256xf32> to vector<256x256xf32>
    %add3A_850 = arith.addf %mul3A_848, %add3A_849 : vector<256x256xf32>
    %ge3A_851 = arith.constant 0.000000e+00 : f32
    %ge3A_852 = vector.broadcast %ge3A_851 : f32 to vector<256x256xf32>
    %ge3A_853 = arith.cmpf oge, %add3A_850, %ge3A_852 : vector<256x256xf32>
    %mul3A_854 = arith.constant 2.000000e-01 : f32
    %mul3A_855 = vector.broadcast %mul3A_854 : f32 to vector<256x256xf32>
    %mul3A_856 = arith.mulf %mul3A_855, %add3A_850 : vector<256x256xf32>
    %select_n3A_857 = arith.select %ge3A_853, %add3A_850, %mul3A_856 : vector<256x256xi1>, vector<256x256xf32>
    %max3A = arith.maximumf %select_n3A_376, %select_n3A_407 : vector<256x256xf32>
    %max3A_858 = arith.maximumf %max3A, %select_n3A_438 : vector<256x256xf32>
    %max3A_859 = arith.maximumf %max3A_858, %select_n3A_469 : vector<256x256xf32>
    %max3A_860 = arith.maximumf %max3A_859, %select_n3A_500 : vector<256x256xf32>
    %max3A_861 = arith.maximumf %max3A_860, %select_n3A_531 : vector<256x256xf32>
    %max3A_862 = arith.maximumf %max3A_861, %select_n3A_562 : vector<256x256xf32>
    %max3A_863 = arith.maximumf %max3A_862, %select_n3A_593 : vector<256x256xf32>
    %max3A_864 = arith.maximumf %max3A_863, %select_n3A_624 : vector<256x256xf32>
    %max3A_865 = arith.maximumf %max3A_864, %select_n3A_655 : vector<256x256xf32>
    %max3A_866 = arith.maximumf %max3A_865, %select_n3A_686 : vector<256x256xf32>
    %max3A_867 = arith.maximumf %max3A_866, %select_n3A_717 : vector<256x256xf32>
    %max3A_868 = arith.maximumf %max3A_867, %select_n3A_748 : vector<256x256xf32>
    %max3A_869 = arith.maximumf %max3A_868, %select_n3A_779 : vector<256x256xf32>
    %max3A_870 = arith.maximumf %max3A_869, %select_n3A_810 : vector<256x256xf32>
    %max3A_871 = arith.maximumf %max3A_870, %select_n3A_841 : vector<256x256xf32>
    %broadcast_in_dim3A = arith.constant 0.000000e+00 : f32
    %broadcast_in_dim3A_872 = vector.broadcast %broadcast_in_dim3A : f32 to vector<256x256xf32>
    %sub3A_873 = arith.subf %select_n3A_376, %max3A_871 : vector<256x256xf32>
    %exp3A = math.exp %sub3A_873 : vector<256x256xf32>
    %add3A_874 = arith.addf %broadcast_in_dim3A_872, %exp3A : vector<256x256xf32>
    %sub3A_875 = arith.subf %select_n3A_407, %max3A_871 : vector<256x256xf32>
    %exp3A_876 = math.exp %sub3A_875 : vector<256x256xf32>
    %add3A_877 = arith.addf %add3A_874, %exp3A_876 : vector<256x256xf32>
    %sub3A_878 = arith.subf %select_n3A_438, %max3A_871 : vector<256x256xf32>
    %exp3A_879 = math.exp %sub3A_878 : vector<256x256xf32>
    %add3A_880 = arith.addf %add3A_877, %exp3A_879 : vector<256x256xf32>
    %sub3A_881 = arith.subf %select_n3A_469, %max3A_871 : vector<256x256xf32>
    %exp3A_882 = math.exp %sub3A_881 : vector<256x256xf32>
    %add3A_883 = arith.addf %add3A_880, %exp3A_882 : vector<256x256xf32>
    %sub3A_884 = arith.subf %select_n3A_500, %max3A_871 : vector<256x256xf32>
    %exp3A_885 = math.exp %sub3A_884 : vector<256x256xf32>
    %add3A_886 = arith.addf %add3A_883, %exp3A_885 : vector<256x256xf32>
    %sub3A_887 = arith.subf %select_n3A_531, %max3A_871 : vector<256x256xf32>
    %exp3A_888 = math.exp %sub3A_887 : vector<256x256xf32>
    %add3A_889 = arith.addf %add3A_886, %exp3A_888 : vector<256x256xf32>
    %sub3A_890 = arith.subf %select_n3A_562, %max3A_871 : vector<256x256xf32>
    %exp3A_891 = math.exp %sub3A_890 : vector<256x256xf32>
    %add3A_892 = arith.addf %add3A_889, %exp3A_891 : vector<256x256xf32>
    %sub3A_893 = arith.subf %select_n3A_593, %max3A_871 : vector<256x256xf32>
    %exp3A_894 = math.exp %sub3A_893 : vector<256x256xf32>
    %add3A_895 = arith.addf %add3A_892, %exp3A_894 : vector<256x256xf32>
    %sub3A_896 = arith.subf %select_n3A_624, %max3A_871 : vector<256x256xf32>
    %exp3A_897 = math.exp %sub3A_896 : vector<256x256xf32>
    %add3A_898 = arith.addf %add3A_895, %exp3A_897 : vector<256x256xf32>
    %sub3A_899 = arith.subf %select_n3A_655, %max3A_871 : vector<256x256xf32>
    %exp3A_900 = math.exp %sub3A_899 : vector<256x256xf32>
    %add3A_901 = arith.addf %add3A_898, %exp3A_900 : vector<256x256xf32>
    %sub3A_902 = arith.subf %select_n3A_686, %max3A_871 : vector<256x256xf32>
    %exp3A_903 = math.exp %sub3A_902 : vector<256x256xf32>
    %add3A_904 = arith.addf %add3A_901, %exp3A_903 : vector<256x256xf32>
    %sub3A_905 = arith.subf %select_n3A_717, %max3A_871 : vector<256x256xf32>
    %exp3A_906 = math.exp %sub3A_905 : vector<256x256xf32>
    %add3A_907 = arith.addf %add3A_904, %exp3A_906 : vector<256x256xf32>
    %sub3A_908 = arith.subf %select_n3A_748, %max3A_871 : vector<256x256xf32>
    %exp3A_909 = math.exp %sub3A_908 : vector<256x256xf32>
    %add3A_910 = arith.addf %add3A_907, %exp3A_909 : vector<256x256xf32>
    %sub3A_911 = arith.subf %select_n3A_779, %max3A_871 : vector<256x256xf32>
    %exp3A_912 = math.exp %sub3A_911 : vector<256x256xf32>
    %add3A_913 = arith.addf %add3A_910, %exp3A_912 : vector<256x256xf32>
    %sub3A_914 = arith.subf %select_n3A_810, %max3A_871 : vector<256x256xf32>
    %exp3A_915 = math.exp %sub3A_914 : vector<256x256xf32>
    %add3A_916 = arith.addf %add3A_913, %exp3A_915 : vector<256x256xf32>
    %sub3A_917 = arith.subf %select_n3A_841, %max3A_871 : vector<256x256xf32>
    %exp3A_918 = math.exp %sub3A_917 : vector<256x256xf32>
    %add3A_919 = arith.addf %add3A_916, %exp3A_918 : vector<256x256xf32>
    %div3A_920 = arith.constant 1.000000e+00 : f32
    %div3A_921 = vector.broadcast %div3A_920 : f32 to vector<256x256xf32>
    %div3A_922 = arith.divf %div3A_921, %add3A_919 : vector<256x256xf32>
    %broadcast_in_dim3A_923 = arith.constant 0.000000e+00 : f32
    %broadcast_in_dim3A_924 = vector.broadcast %broadcast_in_dim3A_923 : f32 to vector<256x256xf32>
    %mul3A_925 = arith.mulf %select_n3A_392, %exp3A : vector<256x256xf32>
    %mul3A_926 = arith.mulf %mul3A_925, %div3A_922 : vector<256x256xf32>
    %get3A_927 = arith.constant 0 : index
    %get3A_928 = arith.constant 0 : index
    %get3A_929 = arith.constant 0 : index
    %get3A_930 = vector.load %arg19[%get3A_927, %get3A_928, %get3A_929] : memref<16x256x256xf32, #tpu.memory_space<vmem>>, vector<1x256x256xf32>
    %get3A_931 = vector.shape_cast %get3A_930 : vector<1x256x256xf32> to vector<256x256xf32>
    %dot_general3A_932 = arith.constant dense<0.000000e+00> : vector<256x256xf32>
    %dot_general3A_933 = tpu.matmul %mul3A_926, %get3A_931, %dot_general3A_932 {dimension_numbers = #tpu.dot_dimension_numbers<[1], [0], [0], [1], [0, 0, 1, 1], [], []>, transpose_lhs_hint = false} : vector<256x256xf32>, vector<256x256xf32>, vector<256x256xf32> -> vector<256x256xf32>
    %add3A_934 = arith.addf %broadcast_in_dim3A_924, %dot_general3A_933 : vector<256x256xf32>
    %mul3A_935 = arith.mulf %select_n3A_423, %exp3A_876 : vector<256x256xf32>
    %mul3A_936 = arith.mulf %mul3A_935, %div3A_922 : vector<256x256xf32>
    %get3A_937 = arith.constant 1 : index
    %get3A_938 = arith.constant 0 : index
    %get3A_939 = arith.constant 0 : index
    %get3A_940 = vector.load %arg19[%get3A_937, %get3A_938, %get3A_939] : memref<16x256x256xf32, #tpu.memory_space<vmem>>, vector<1x256x256xf32>
    %get3A_941 = vector.shape_cast %get3A_940 : vector<1x256x256xf32> to vector<256x256xf32>
    %dot_general3A_942 = arith.constant dense<0.000000e+00> : vector<256x256xf32>
    %dot_general3A_943 = tpu.matmul %mul3A_936, %get3A_941, %dot_general3A_942 {dimension_numbers = #tpu.dot_dimension_numbers<[1], [0], [0], [1], [0, 0, 1, 1], [], []>, transpose_lhs_hint = false} : vector<256x256xf32>, vector<256x256xf32>, vector<256x256xf32> -> vector<256x256xf32>
    %add3A_944 = arith.addf %add3A_934, %dot_general3A_943 : vector<256x256xf32>
    %mul3A_945 = arith.mulf %select_n3A_454, %exp3A_879 : vector<256x256xf32>
    %mul3A_946 = arith.mulf %mul3A_945, %div3A_922 : vector<256x256xf32>
    %get3A_947 = arith.constant 2 : index
    %get3A_948 = arith.constant 0 : index
    %get3A_949 = arith.constant 0 : index
    %get3A_950 = vector.load %arg19[%get3A_947, %get3A_948, %get3A_949] : memref<16x256x256xf32, #tpu.memory_space<vmem>>, vector<1x256x256xf32>
    %get3A_951 = vector.shape_cast %get3A_950 : vector<1x256x256xf32> to vector<256x256xf32>
    %dot_general3A_952 = arith.constant dense<0.000000e+00> : vector<256x256xf32>
    %dot_general3A_953 = tpu.matmul %mul3A_946, %get3A_951, %dot_general3A_952 {dimension_numbers = #tpu.dot_dimension_numbers<[1], [0], [0], [1], [0, 0, 1, 1], [], []>, transpose_lhs_hint = false} : vector<256x256xf32>, vector<256x256xf32>, vector<256x256xf32> -> vector<256x256xf32>
    %add3A_954 = arith.addf %add3A_944, %dot_general3A_953 : vector<256x256xf32>
    %mul3A_955 = arith.mulf %select_n3A_485, %exp3A_882 : vector<256x256xf32>
    %mul3A_956 = arith.mulf %mul3A_955, %div3A_922 : vector<256x256xf32>
    %get3A_957 = arith.constant 3 : index
    %get3A_958 = arith.constant 0 : index
    %get3A_959 = arith.constant 0 : index
    %get3A_960 = vector.load %arg19[%get3A_957, %get3A_958, %get3A_959] : memref<16x256x256xf32, #tpu.memory_space<vmem>>, vector<1x256x256xf32>
    %get3A_961 = vector.shape_cast %get3A_960 : vector<1x256x256xf32> to vector<256x256xf32>
    %dot_general3A_962 = arith.constant dense<0.000000e+00> : vector<256x256xf32>
    %dot_general3A_963 = tpu.matmul %mul3A_956, %get3A_961, %dot_general3A_962 {dimension_numbers = #tpu.dot_dimension_numbers<[1], [0], [0], [1], [0, 0, 1, 1], [], []>, transpose_lhs_hint = false} : vector<256x256xf32>, vector<256x256xf32>, vector<256x256xf32> -> vector<256x256xf32>
    %add3A_964 = arith.addf %add3A_954, %dot_general3A_963 : vector<256x256xf32>
    %mul3A_965 = arith.mulf %select_n3A_516, %exp3A_885 : vector<256x256xf32>
    %mul3A_966 = arith.mulf %mul3A_965, %div3A_922 : vector<256x256xf32>
    %get3A_967 = arith.constant 4 : index
    %get3A_968 = arith.constant 0 : index
    %get3A_969 = arith.constant 0 : index
    %get3A_970 = vector.load %arg19[%get3A_967, %get3A_968, %get3A_969] : memref<16x256x256xf32, #tpu.memory_space<vmem>>, vector<1x256x256xf32>
    %get3A_971 = vector.shape_cast %get3A_970 : vector<1x256x256xf32> to vector<256x256xf32>
    %dot_general3A_972 = arith.constant dense<0.000000e+00> : vector<256x256xf32>
    %dot_general3A_973 = tpu.matmul %mul3A_966, %get3A_971, %dot_general3A_972 {dimension_numbers = #tpu.dot_dimension_numbers<[1], [0], [0], [1], [0, 0, 1, 1], [], []>, transpose_lhs_hint = false} : vector<256x256xf32>, vector<256x256xf32>, vector<256x256xf32> -> vector<256x256xf32>
    %add3A_974 = arith.addf %add3A_964, %dot_general3A_973 : vector<256x256xf32>
    %mul3A_975 = arith.mulf %select_n3A_547, %exp3A_888 : vector<256x256xf32>
    %mul3A_976 = arith.mulf %mul3A_975, %div3A_922 : vector<256x256xf32>
    %get3A_977 = arith.constant 5 : index
    %get3A_978 = arith.constant 0 : index
    %get3A_979 = arith.constant 0 : index
    %get3A_980 = vector.load %arg19[%get3A_977, %get3A_978, %get3A_979] : memref<16x256x256xf32, #tpu.memory_space<vmem>>, vector<1x256x256xf32>
    %get3A_981 = vector.shape_cast %get3A_980 : vector<1x256x256xf32> to vector<256x256xf32>
    %dot_general3A_982 = arith.constant dense<0.000000e+00> : vector<256x256xf32>
    %dot_general3A_983 = tpu.matmul %mul3A_976, %get3A_981, %dot_general3A_982 {dimension_numbers = #tpu.dot_dimension_numbers<[1], [0], [0], [1], [0, 0, 1, 1], [], []>, transpose_lhs_hint = false} : vector<256x256xf32>, vector<256x256xf32>, vector<256x256xf32> -> vector<256x256xf32>
    %add3A_984 = arith.addf %add3A_974, %dot_general3A_983 : vector<256x256xf32>
    %mul3A_985 = arith.mulf %select_n3A_578, %exp3A_891 : vector<256x256xf32>
    %mul3A_986 = arith.mulf %mul3A_985, %div3A_922 : vector<256x256xf32>
    %get3A_987 = arith.constant 6 : index
    %get3A_988 = arith.constant 0 : index
    %get3A_989 = arith.constant 0 : index
    %get3A_990 = vector.load %arg19[%get3A_987, %get3A_988, %get3A_989] : memref<16x256x256xf32, #tpu.memory_space<vmem>>, vector<1x256x256xf32>
    %get3A_991 = vector.shape_cast %get3A_990 : vector<1x256x256xf32> to vector<256x256xf32>
    %dot_general3A_992 = arith.constant dense<0.000000e+00> : vector<256x256xf32>
    %dot_general3A_993 = tpu.matmul %mul3A_986, %get3A_991, %dot_general3A_992 {dimension_numbers = #tpu.dot_dimension_numbers<[1], [0], [0], [1], [0, 0, 1, 1], [], []>, transpose_lhs_hint = false} : vector<256x256xf32>, vector<256x256xf32>, vector<256x256xf32> -> vector<256x256xf32>
    %add3A_994 = arith.addf %add3A_984, %dot_general3A_993 : vector<256x256xf32>
    %mul3A_995 = arith.mulf %select_n3A_609, %exp3A_894 : vector<256x256xf32>
    %mul3A_996 = arith.mulf %mul3A_995, %div3A_922 : vector<256x256xf32>
    %get3A_997 = arith.constant 7 : index
    %get3A_998 = arith.constant 0 : index
    %get3A_999 = arith.constant 0 : index
    %get3A_1000 = vector.load %arg19[%get3A_997, %get3A_998, %get3A_999] : memref<16x256x256xf32, #tpu.memory_space<vmem>>, vector<1x256x256xf32>
    %get3A_1001 = vector.shape_cast %get3A_1000 : vector<1x256x256xf32> to vector<256x256xf32>
    %dot_general3A_1002 = arith.constant dense<0.000000e+00> : vector<256x256xf32>
    %dot_general3A_1003 = tpu.matmul %mul3A_996, %get3A_1001, %dot_general3A_1002 {dimension_numbers = #tpu.dot_dimension_numbers<[1], [0], [0], [1], [0, 0, 1, 1], [], []>, transpose_lhs_hint = false} : vector<256x256xf32>, vector<256x256xf32>, vector<256x256xf32> -> vector<256x256xf32>
    %add3A_1004 = arith.addf %add3A_994, %dot_general3A_1003 : vector<256x256xf32>
    %mul3A_1005 = arith.mulf %select_n3A_640, %exp3A_897 : vector<256x256xf32>
    %mul3A_1006 = arith.mulf %mul3A_1005, %div3A_922 : vector<256x256xf32>
    %get3A_1007 = arith.constant 8 : index
    %get3A_1008 = arith.constant 0 : index
    %get3A_1009 = arith.constant 0 : index
    %get3A_1010 = vector.load %arg19[%get3A_1007, %get3A_1008, %get3A_1009] : memref<16x256x256xf32, #tpu.memory_space<vmem>>, vector<1x256x256xf32>
    %get3A_1011 = vector.shape_cast %get3A_1010 : vector<1x256x256xf32> to vector<256x256xf32>
    %dot_general3A_1012 = arith.constant dense<0.000000e+00> : vector<256x256xf32>
    %dot_general3A_1013 = tpu.matmul %mul3A_1006, %get3A_1011, %dot_general3A_1012 {dimension_numbers = #tpu.dot_dimension_numbers<[1], [0], [0], [1], [0, 0, 1, 1], [], []>, transpose_lhs_hint = false} : vector<256x256xf32>, vector<256x256xf32>, vector<256x256xf32> -> vector<256x256xf32>
    %add3A_1014 = arith.addf %add3A_1004, %dot_general3A_1013 : vector<256x256xf32>
    %mul3A_1015 = arith.mulf %select_n3A_671, %exp3A_900 : vector<256x256xf32>
    %mul3A_1016 = arith.mulf %mul3A_1015, %div3A_922 : vector<256x256xf32>
    %get3A_1017 = arith.constant 9 : index
    %get3A_1018 = arith.constant 0 : index
    %get3A_1019 = arith.constant 0 : index
    %get3A_1020 = vector.load %arg19[%get3A_1017, %get3A_1018, %get3A_1019] : memref<16x256x256xf32, #tpu.memory_space<vmem>>, vector<1x256x256xf32>
    %get3A_1021 = vector.shape_cast %get3A_1020 : vector<1x256x256xf32> to vector<256x256xf32>
    %dot_general3A_1022 = arith.constant dense<0.000000e+00> : vector<256x256xf32>
    %dot_general3A_1023 = tpu.matmul %mul3A_1016, %get3A_1021, %dot_general3A_1022 {dimension_numbers = #tpu.dot_dimension_numbers<[1], [0], [0], [1], [0, 0, 1, 1], [], []>, transpose_lhs_hint = false} : vector<256x256xf32>, vector<256x256xf32>, vector<256x256xf32> -> vector<256x256xf32>
    %add3A_1024 = arith.addf %add3A_1014, %dot_general3A_1023 : vector<256x256xf32>
    %mul3A_1025 = arith.mulf %select_n3A_702, %exp3A_903 : vector<256x256xf32>
    %mul3A_1026 = arith.mulf %mul3A_1025, %div3A_922 : vector<256x256xf32>
    %get3A_1027 = arith.constant 10 : index
    %get3A_1028 = arith.constant 0 : index
    %get3A_1029 = arith.constant 0 : index
    %get3A_1030 = vector.load %arg19[%get3A_1027, %get3A_1028, %get3A_1029] : memref<16x256x256xf32, #tpu.memory_space<vmem>>, vector<1x256x256xf32>
    %get3A_1031 = vector.shape_cast %get3A_1030 : vector<1x256x256xf32> to vector<256x256xf32>
    %dot_general3A_1032 = arith.constant dense<0.000000e+00> : vector<256x256xf32>
    %dot_general3A_1033 = tpu.matmul %mul3A_1026, %get3A_1031, %dot_general3A_1032 {dimension_numbers = #tpu.dot_dimension_numbers<[1], [0], [0], [1], [0, 0, 1, 1], [], []>, transpose_lhs_hint = false} : vector<256x256xf32>, vector<256x256xf32>, vector<256x256xf32> -> vector<256x256xf32>
    %add3A_1034 = arith.addf %add3A_1024, %dot_general3A_1033 : vector<256x256xf32>
    %mul3A_1035 = arith.mulf %select_n3A_733, %exp3A_906 : vector<256x256xf32>
    %mul3A_1036 = arith.mulf %mul3A_1035, %div3A_922 : vector<256x256xf32>
    %get3A_1037 = arith.constant 11 : index
    %get3A_1038 = arith.constant 0 : index
    %get3A_1039 = arith.constant 0 : index
    %get3A_1040 = vector.load %arg19[%get3A_1037, %get3A_1038, %get3A_1039] : memref<16x256x256xf32, #tpu.memory_space<vmem>>, vector<1x256x256xf32>
    %get3A_1041 = vector.shape_cast %get3A_1040 : vector<1x256x256xf32> to vector<256x256xf32>
    %dot_general3A_1042 = arith.constant dense<0.000000e+00> : vector<256x256xf32>
    %dot_general3A_1043 = tpu.matmul %mul3A_1036, %get3A_1041, %dot_general3A_1042 {dimension_numbers = #tpu.dot_dimension_numbers<[1], [0], [0], [1], [0, 0, 1, 1], [], []>, transpose_lhs_hint = false} : vector<256x256xf32>, vector<256x256xf32>, vector<256x256xf32> -> vector<256x256xf32>
    %add3A_1044 = arith.addf %add3A_1034, %dot_general3A_1043 : vector<256x256xf32>
    %mul3A_1045 = arith.mulf %select_n3A_764, %exp3A_909 : vector<256x256xf32>
    %mul3A_1046 = arith.mulf %mul3A_1045, %div3A_922 : vector<256x256xf32>
    %get3A_1047 = arith.constant 12 : index
    %get3A_1048 = arith.constant 0 : index
    %get3A_1049 = arith.constant 0 : index
    %get3A_1050 = vector.load %arg19[%get3A_1047, %get3A_1048, %get3A_1049] : memref<16x256x256xf32, #tpu.memory_space<vmem>>, vector<1x256x256xf32>
    %get3A_1051 = vector.shape_cast %get3A_1050 : vector<1x256x256xf32> to vector<256x256xf32>
    %dot_general3A_1052 = arith.constant dense<0.000000e+00> : vector<256x256xf32>
    %dot_general3A_1053 = tpu.matmul %mul3A_1046, %get3A_1051, %dot_general3A_1052 {dimension_numbers = #tpu.dot_dimension_numbers<[1], [0], [0], [1], [0, 0, 1, 1], [], []>, transpose_lhs_hint = false} : vector<256x256xf32>, vector<256x256xf32>, vector<256x256xf32> -> vector<256x256xf32>
    %add3A_1054 = arith.addf %add3A_1044, %dot_general3A_1053 : vector<256x256xf32>
    %mul3A_1055 = arith.mulf %select_n3A_795, %exp3A_912 : vector<256x256xf32>
    %mul3A_1056 = arith.mulf %mul3A_1055, %div3A_922 : vector<256x256xf32>
    %get3A_1057 = arith.constant 13 : index
    %get3A_1058 = arith.constant 0 : index
    %get3A_1059 = arith.constant 0 : index
    %get3A_1060 = vector.load %arg19[%get3A_1057, %get3A_1058, %get3A_1059] : memref<16x256x256xf32, #tpu.memory_space<vmem>>, vector<1x256x256xf32>
    %get3A_1061 = vector.shape_cast %get3A_1060 : vector<1x256x256xf32> to vector<256x256xf32>
    %dot_general3A_1062 = arith.constant dense<0.000000e+00> : vector<256x256xf32>
    %dot_general3A_1063 = tpu.matmul %mul3A_1056, %get3A_1061, %dot_general3A_1062 {dimension_numbers = #tpu.dot_dimension_numbers<[1], [0], [0], [1], [0, 0, 1, 1], [], []>, transpose_lhs_hint = false} : vector<256x256xf32>, vector<256x256xf32>, vector<256x256xf32> -> vector<256x256xf32>
    %add3A_1064 = arith.addf %add3A_1054, %dot_general3A_1063 : vector<256x256xf32>
    %mul3A_1065 = arith.mulf %select_n3A_826, %exp3A_915 : vector<256x256xf32>
    %mul3A_1066 = arith.mulf %mul3A_1065, %div3A_922 : vector<256x256xf32>
    %get3A_1067 = arith.constant 14 : index
    %get3A_1068 = arith.constant 0 : index
    %get3A_1069 = arith.constant 0 : index
    %get3A_1070 = vector.load %arg19[%get3A_1067, %get3A_1068, %get3A_1069] : memref<16x256x256xf32, #tpu.memory_space<vmem>>, vector<1x256x256xf32>
    %get3A_1071 = vector.shape_cast %get3A_1070 : vector<1x256x256xf32> to vector<256x256xf32>
    %dot_general3A_1072 = arith.constant dense<0.000000e+00> : vector<256x256xf32>
    %dot_general3A_1073 = tpu.matmul %mul3A_1066, %get3A_1071, %dot_general3A_1072 {dimension_numbers = #tpu.dot_dimension_numbers<[1], [0], [0], [1], [0, 0, 1, 1], [], []>, transpose_lhs_hint = false} : vector<256x256xf32>, vector<256x256xf32>, vector<256x256xf32> -> vector<256x256xf32>
    %add3A_1074 = arith.addf %add3A_1064, %dot_general3A_1073 : vector<256x256xf32>
    %mul3A_1075 = arith.mulf %select_n3A_857, %exp3A_918 : vector<256x256xf32>
    %mul3A_1076 = arith.mulf %mul3A_1075, %div3A_922 : vector<256x256xf32>
    %get3A_1077 = arith.constant 15 : index
    %get3A_1078 = arith.constant 0 : index
    %get3A_1079 = arith.constant 0 : index
    %get3A_1080 = vector.load %arg19[%get3A_1077, %get3A_1078, %get3A_1079] : memref<16x256x256xf32, #tpu.memory_space<vmem>>, vector<1x256x256xf32>
    %get3A_1081 = vector.shape_cast %get3A_1080 : vector<1x256x256xf32> to vector<256x256xf32>
    %dot_general3A_1082 = arith.constant dense<0.000000e+00> : vector<256x256xf32>
    %dot_general3A_1083 = tpu.matmul %mul3A_1076, %get3A_1081, %dot_general3A_1082 {dimension_numbers = #tpu.dot_dimension_numbers<[1], [0], [0], [1], [0, 0, 1, 1], [], []>, transpose_lhs_hint = false} : vector<256x256xf32>, vector<256x256xf32>, vector<256x256xf32> -> vector<256x256xf32>
    %add3A_1084 = arith.addf %add3A_1074, %dot_general3A_1083 : vector<256x256xf32>
    %get3A_1085 = arith.constant 0 : index
    %get3A_1086 = arith.constant 0 : index
    %get3A_1087 = vector.load %arg20[%get3A_1085, %get3A_1086] : memref<1x256xf32, #tpu.memory_space<vmem>>, vector<1x256xf32>
    %add3A_1088 = vector.broadcast %get3A_1087 : vector<1x256xf32> to vector<256x256xf32>
    %add3A_1089 = arith.addf %add3A_1084, %add3A_1088 : vector<256x256xf32>
    %swap3A = arith.constant 0 : index
    %swap3A_1090 = arith.constant 0 : index
    %swap3A_1091 = arith.constant 0 : index
    %swap3A_1092 = vector.load %arg21[%swap3A, %swap3A_1090, %swap3A_1091] : memref<1x256x256xf32, #tpu.memory_space<vmem>>, vector<1x256x256xf32>
    %swap3A_1093 = vector.shape_cast %swap3A_1092 : vector<1x256x256xf32> to vector<256x256xf32>
    %swap3A_1094 = vector.shape_cast %add3A_1089 : vector<256x256xf32> to vector<1x256x256xf32>
    tpu.vector_store %arg21[%swap3A, %swap3A_1090, %swap3A_1091], %swap3A_1094 {strides = array<i32>} : memref<1x256x256xf32, #tpu.memory_space<vmem>>, vector<1x256x256xf32>,
    %reduce_sum3A = arith.constant dense<0.000000e+00> : vector<256xf32>
    %reduce_sum3A_1095 = vector.multi_reduction <add>, %add3A_1089, %reduce_sum3A [0] : vector<256x256xf32> to vector<256xf32>
    %broadcast_in_dim3A_1096 = vector.shape_cast %reduce_sum3A_1095 : vector<256xf32> to vector<1x256xf32>
    %mul3A_1097 = arith.mulf %add3A_1089, %add3A_1089 : vector<256x256xf32>
    %reduce_sum3A_1098 = arith.constant dense<0.000000e+00> : vector<256xf32>
    %reduce_sum3A_1099 = vector.multi_reduction <add>, %mul3A_1097, %reduce_sum3A_1098 [0] : vector<256x256xf32> to vector<256xf32>
    %broadcast_in_dim3A_1100 = vector.shape_cast %reduce_sum3A_1099 : vector<256xf32> to vector<1x256xf32>
    %broadcast_in_dim3A_1101 = arith.constant 0.000000e+00 : f32
    %broadcast_in_dim3A_1102 = vector.broadcast %broadcast_in_dim3A_1101 : f32 to vector<6x256xf32>
    %concatenate3A_1103 = tpu.concatenate %broadcast_in_dim3A_1096, %broadcast_in_dim3A_1100, %broadcast_in_dim3A_1102 in 0 : vector<1x256xf32>, vector<1x256xf32>, vector<6x256xf32> -> vector<8x256xf32>
    %eq3A = arith.constant 0 : i32
    %eq3A_1104 = arith.cmpi eq, %arg1, %eq3A : i32
    %convert_element_type3A = arith.extui %eq3A_1104 : i1 to i32
    %cond3A = arith.constant 0 : i32
    %cond3A_1105 = arith.cmpi ne, %convert_element_type3A, %cond3A : i32
    scf.if %cond3A_1105 {
      %broadcast_in_dim3A_1116 = arith.constant 0.000000e+00 : f32
      %broadcast_in_dim3A_1117 = vector.broadcast %broadcast_in_dim3A_1116 : f32 to vector<1x8x256xf32>
      %swap3A_1118 = arith.constant 0 : index
      %swap3A_1119 = arith.constant 0 : index
      %swap3A_1120 = arith.constant 0 : index
      %swap3A_1121 = vector.load %arg22[%swap3A_1118, %swap3A_1119, %swap3A_1120] : memref<1x8x256xf32, #tpu.memory_space<vmem>>, vector<1x8x256xf32>
      tpu.vector_store %arg22[%swap3A_1118, %swap3A_1119, %swap3A_1120], %broadcast_in_dim3A_1117 {strides = array<i32>} : memref<1x8x256xf32, #tpu.memory_space<vmem>>, vector<1x8x256xf32>,
    } else {
    }
    %get3A_1106 = arith.constant 0 : index
    %get3A_1107 = arith.constant 0 : index
    %get3A_1108 = arith.constant 0 : index
    %get3A_1109 = vector.load %arg22[%get3A_1106, %get3A_1107, %get3A_1108] : memref<1x8x256xf32, #tpu.memory_space<vmem>>, vector<1x8x256xf32>
    %broadcast_in_dim3A_1110 = vector.shape_cast %concatenate3A_1103 : vector<8x256xf32> to vector<1x8x256xf32>
    %add3A_1111 = arith.addf %get3A_1109, %broadcast_in_dim3A_1110 : vector<1x8x256xf32>
    %swap3A_1112 = arith.constant 0 : index
    %swap3A_1113 = arith.constant 0 : index
    %swap3A_1114 = arith.constant 0 : index
    %swap3A_1115 = vector.load %arg22[%swap3A_1112, %swap3A_1113, %swap3A_1114] : memref<1x8x256xf32, #tpu.memory_space<vmem>>, vector<1x8x256xf32>
    tpu.vector_store %arg22[%swap3A_1112, %swap3A_1113, %swap3A_1114], %add3A_1111 {strides = array<i32>} : memref<1x8x256xf32, #tpu.memory_space<vmem>>, vector<1x8x256xf32>,
    return
  }
  func.func @transform_0(%arg0: i32, %arg1: i32) -> (i32, i32, i32, i32) {
    %c0_i32 = arith.constant 0 : i32
    %c0_i32_0 = arith.constant 0 : i32
    %c0_i32_1 = arith.constant 0 : i32
    return %arg0, %c0_i32, %arg1, %c0_i32_0 : i32, i32, i32, i32
  }
  func.func @transform_1(%arg0: i32, %arg1: i32) -> (i32, i32, i32) {
    %c0_i32 = arith.constant 0 : i32
    %c0_i32_0 = arith.constant 0 : i32
    return %arg0, %arg1, %c0_i32 : i32, i32, i32
  }
  func.func @transform_2(%arg0: i32, %arg1: i32) -> (i32, i32, i32) {
    %c0_i32 = arith.constant 0 : i32
    %c0_i32_0 = arith.constant 0 : i32
    return %arg0, %arg1, %c0_i32 : i32, i32, i32
  }
  func.func @transform_3(%arg0: i32, %arg1: i32) -> (i32, i32) {
    %c0_i32 = arith.constant 0 : i32
    %c0_i32_0 = arith.constant 0 : i32
    %c0_i32_1 = arith.constant 0 : i32
    return %c0_i32, %c0_i32_0 : i32, i32
  }
  func.func @transform_4(%arg0: i32, %arg1: i32) -> (i32, i32) {
    %c0_i32 = arith.constant 0 : i32
    %c0_i32_0 = arith.constant 0 : i32
    %c0_i32_1 = arith.constant 0 : i32
    return %c0_i32, %c0_i32_0 : i32, i32
  }
  func.func @transform_5(%arg0: i32, %arg1: i32) -> (i32, i32) {
    %c0_i32 = arith.constant 0 : i32
    %c0_i32_0 = arith.constant 0 : i32
    %c0_i32_1 = arith.constant 0 : i32
    return %c0_i32, %c0_i32_0 : i32, i32
  }
  func.func @transform_6(%arg0: i32, %arg1: i32) -> (i32, i32) {
    %c0_i32 = arith.constant 0 : i32
    %c0_i32_0 = arith.constant 0 : i32
    %c0_i32_1 = arith.constant 0 : i32
    return %c0_i32, %c0_i32_0 : i32, i32
  }
  func.func @transform_7(%arg0: i32, %arg1: i32) -> (i32, i32) {
    %c0_i32 = arith.constant 0 : i32
    %c0_i32_0 = arith.constant 0 : i32
    %c0_i32_1 = arith.constant 0 : i32
    return %c0_i32, %c0_i32_0 : i32, i32
  }
  func.func @transform_8(%arg0: i32, %arg1: i32) -> (i32, i32) {
    %c0_i32 = arith.constant 0 : i32
    %c0_i32_0 = arith.constant 0 : i32
    %c0_i32_1 = arith.constant 0 : i32
    return %c0_i32, %c0_i32_0 : i32, i32
  }
  func.func @transform_9(%arg0: i32, %arg1: i32) -> (i32, i32) {
    %c0_i32 = arith.constant 0 : i32
    %c0_i32_0 = arith.constant 0 : i32
    %c0_i32_1 = arith.constant 0 : i32
    return %c0_i32, %c0_i32_0 : i32, i32
  }
  func.func @transform_10(%arg0: i32, %arg1: i32) -> (i32, i32) {
    %c0_i32 = arith.constant 0 : i32
    %c0_i32_0 = arith.constant 0 : i32
    %c0_i32_1 = arith.constant 0 : i32
    return %c0_i32, %c0_i32_0 : i32, i32
  }
  func.func @transform_11(%arg0: i32, %arg1: i32) -> (i32, i32) {
    %c0_i32 = arith.constant 0 : i32
    %c0_i32_0 = arith.constant 0 : i32
    %c0_i32_1 = arith.constant 0 : i32
    return %c0_i32, %c0_i32_0 : i32, i32
  }
  func.func @transform_12(%arg0: i32, %arg1: i32) -> (i32, i32) {
    %c0_i32 = arith.constant 0 : i32
    %c0_i32_0 = arith.constant 0 : i32
    %c0_i32_1 = arith.constant 0 : i32
    return %c0_i32, %c0_i32_0 : i32, i32
  }
  func.func @transform_13(%arg0: i32, %arg1: i32) -> (i32, i32) {
    %c0_i32 = arith.constant 0 : i32
    %c0_i32_0 = arith.constant 0 : i32
    %c0_i32_1 = arith.constant 0 : i32
    return %c0_i32, %c0_i32_0 : i32, i32
  }
  func.func @transform_14(%arg0: i32, %arg1: i32) -> (i32, i32) {
    %c0_i32 = arith.constant 0 : i32
    %c0_i32_0 = arith.constant 0 : i32
    %c0_i32_1 = arith.constant 0 : i32
    return %c0_i32, %c0_i32_0 : i32, i32
  }
  func.func @transform_15(%arg0: i32, %arg1: i32) -> (i32, i32) {
    %c0_i32 = arith.constant 0 : i32
    %c0_i32_0 = arith.constant 0 : i32
    %c0_i32_1 = arith.constant 0 : i32
    return %c0_i32, %c0_i32_0 : i32, i32
  }
  func.func @transform_16(%arg0: i32, %arg1: i32) -> (i32, i32) {
    %c0_i32 = arith.constant 0 : i32
    %c0_i32_0 = arith.constant 0 : i32
    %c0_i32_1 = arith.constant 0 : i32
    return %c0_i32, %c0_i32_0 : i32, i32
  }
  func.func @transform_17(%arg0: i32, %arg1: i32) -> (i32, i32, i32) {
    %c0_i32 = arith.constant 0 : i32
    %c0_i32_0 = arith.constant 0 : i32
    %c0_i32_1 = arith.constant 0 : i32
    %c0_i32_2 = arith.constant 0 : i32
    return %c0_i32, %c0_i32_0, %c0_i32_1 : i32, i32, i32
  }
  func.func @transform_18(%arg0: i32, %arg1: i32) -> (i32, i32) {
    %c0_i32 = arith.constant 0 : i32
    %c0_i32_0 = arith.constant 0 : i32
    %c0_i32_1 = arith.constant 0 : i32
    return %c0_i32, %c0_i32_0 : i32, i32
  }
  func.func @transform_19(%arg0: i32, %arg1: i32) -> (i32, i32, i32) {
    %c0_i32 = arith.constant 0 : i32
    %c0_i32_0 = arith.constant 0 : i32
    return %arg0, %arg1, %c0_i32 : i32, i32, i32
  }
  func.func @transform_20(%arg0: i32, %arg1: i32) -> (i32, i32, i32) {
    %c0_i32 = arith.constant 0 : i32
    %c0_i32_0 = arith.constant 0 : i32
    %c0_i32_1 = arith.constant 0 : i32
    return %arg0, %c0_i32, %c0_i32_0 : i32, i32, i32
  }
}

module attributes {stable_mosaic.version = 14 : i64} {
  func.func @_ada_body(%arg0: i32, %arg1: i32, %arg2: memref<1x256x256xf32, #tpu.memory_space<vmem>>, %arg3: memref<1x256x512xf32, #tpu.memory_space<vmem>>, %arg4: memref<1x8x256xf32, #tpu.memory_space<vmem>>, %arg5: memref<1x256x256xf32, #tpu.memory_space<vmem>>) attributes {dimension_semantics = [#tpu.dimension_semantics<arbitrary>, #tpu.dimension_semantics<arbitrary>], iteration_bounds = array<i64: 4, 8>, scalar_prefetch = 0 : i64, scratch_operands = 0 : i64, tpu.core_type = #tpu.core_type<tc>, window_params = [{transform_indices = @transform_0, window_bounds = array<i64: 1, 256, 256>}, {transform_indices = @transform_1, window_bounds = array<i64: 1, 256, 512>}, {transform_indices = @transform_2, window_bounds = array<i64: 1, 8, 256>}, {transform_indices = @transform_3, window_bounds = array<i64: 1, 256, 256>}]} {
    %get3A = arith.constant 0 : index
    %get3A_0 = arith.constant 0 : index
    %get3A_1 = arith.constant 0 : index
    %get3A_2 = vector.load %arg4[%get3A, %get3A_0, %get3A_1] : memref<1x8x256xf32, #tpu.memory_space<vmem>>, vector<1x8x256xf32>
    %get3A_3 = vector.shape_cast %get3A_2 : vector<1x8x256xf32> to vector<8x256xf32>
    %slice3A = vector.extract_strided_slice %get3A_3 {offsets = [0, 0], sizes = [1, 256], strides = [1, 1]} : vector<8x256xf32> to vector<1x256xf32>
    %div3A = arith.constant 2.048000e+03 : f32
    %div3A_4 = vector.broadcast %div3A : f32 to vector<1x256xf32>
    %div3A_5 = arith.divf %slice3A, %div3A_4 : vector<1x256xf32>
    %slice3A_6 = vector.extract_strided_slice %get3A_3 {offsets = [1, 0], sizes = [1, 256], strides = [1, 1]} : vector<8x256xf32> to vector<1x256xf32>
    %div3A_7 = arith.constant 2.048000e+03 : f32
    %div3A_8 = vector.broadcast %div3A_7 : f32 to vector<1x256xf32>
    %div3A_9 = arith.divf %slice3A_6, %div3A_8 : vector<1x256xf32>
    %mul3A = arith.mulf %div3A_5, %div3A_5 : vector<1x256xf32>
    %sub3A = arith.subf %div3A_9, %mul3A : vector<1x256xf32>
    %get3A_10 = arith.constant 0 : index
    %get3A_11 = arith.constant 0 : index
    %get3A_12 = arith.constant 0 : index
    %get3A_13 = vector.load %arg2[%get3A_10, %get3A_11, %get3A_12] : memref<1x256x256xf32, #tpu.memory_space<vmem>>, vector<1x256x256xf32>
    %get3A_14 = vector.shape_cast %get3A_13 : vector<1x256x256xf32> to vector<256x256xf32>
    %get3A_15 = arith.constant 0 : index
    %get3A_16 = arith.constant 0 : index
    %get3A_17 = arith.constant 0 : index
    %get3A_18 = vector.load %arg3[%get3A_15, %get3A_16, %get3A_17] : memref<1x256x512xf32, #tpu.memory_space<vmem>>, vector<1x256x512xf32>
    %get3A_19 = vector.shape_cast %get3A_18 : vector<1x256x512xf32> to vector<256x512xf32>
    %slice3A_20 = vector.extract_strided_slice %get3A_19 {offsets = [0, 0], sizes = [256, 256], strides = [1, 1]} : vector<256x512xf32> to vector<256x256xf32>
    %slice3A_21 = vector.extract_strided_slice %get3A_19 {offsets = [0, 256], sizes = [256, 256], strides = [1, 1]} : vector<256x512xf32> to vector<256x256xf32>
    %sub3A_22 = vector.broadcast %div3A_5 : vector<1x256xf32> to vector<256x256xf32>
    %sub3A_23 = arith.subf %get3A_14, %sub3A_22 : vector<256x256xf32>
    %mul3A_24 = arith.mulf %slice3A_20, %sub3A_23 : vector<256x256xf32>
    %add3A = arith.constant 9.99999974E-6 : f32
    %add3A_25 = vector.broadcast %add3A : f32 to vector<1x256xf32>
    %add3A_26 = arith.addf %sub3A, %add3A_25 : vector<1x256xf32>
    %sqrt3A = math.sqrt %add3A_26 : vector<1x256xf32>
    %div3A_27 = vector.broadcast %sqrt3A : vector<1x256xf32> to vector<256x256xf32>
    %div3A_28 = arith.divf %mul3A_24, %div3A_27 : vector<256x256xf32>
    %add3A_29 = arith.addf %div3A_28, %slice3A_21 : vector<256x256xf32>
    %ge3A = arith.constant 0.000000e+00 : f32
    %ge3A_30 = vector.broadcast %ge3A : f32 to vector<256x256xf32>
    %ge3A_31 = arith.cmpf oge, %add3A_29, %ge3A_30 : vector<256x256xf32>
    %mul3A_32 = arith.constant 2.000000e-01 : f32
    %mul3A_33 = vector.broadcast %mul3A_32 : f32 to vector<256x256xf32>
    %mul3A_34 = arith.mulf %mul3A_33, %add3A_29 : vector<256x256xf32>
    %select_n3A = arith.select %ge3A_31, %add3A_29, %mul3A_34 : vector<256x256xi1>, vector<256x256xf32>
    %swap3A = arith.constant 0 : index
    %swap3A_35 = arith.constant 0 : index
    %swap3A_36 = arith.constant 0 : index
    %swap3A_37 = vector.load %arg5[%swap3A, %swap3A_35, %swap3A_36] : memref<1x256x256xf32, #tpu.memory_space<vmem>>, vector<1x256x256xf32>
    %swap3A_38 = vector.shape_cast %swap3A_37 : vector<1x256x256xf32> to vector<256x256xf32>
    %swap3A_39 = vector.shape_cast %select_n3A : vector<256x256xf32> to vector<1x256x256xf32>
    tpu.vector_store %arg5[%swap3A, %swap3A_35, %swap3A_36], %swap3A_39 {strides = array<i32>} : memref<1x256x256xf32, #tpu.memory_space<vmem>>, vector<1x256x256xf32>,
    return
  }
  func.func @transform_0(%arg0: i32, %arg1: i32) -> (i32, i32, i32) {
    %c0_i32 = arith.constant 0 : i32
    %c0_i32_0 = arith.constant 0 : i32
    return %arg0, %arg1, %c0_i32 : i32, i32, i32
  }
  func.func @transform_1(%arg0: i32, %arg1: i32) -> (i32, i32, i32) {
    %c0_i32 = arith.constant 0 : i32
    %c0_i32_0 = arith.constant 0 : i32
    return %arg0, %arg1, %c0_i32 : i32, i32, i32
  }
  func.func @transform_2(%arg0: i32, %arg1: i32) -> (i32, i32, i32) {
    %c0_i32 = arith.constant 0 : i32
    %c0_i32_0 = arith.constant 0 : i32
    %c0_i32_1 = arith.constant 0 : i32
    return %arg0, %c0_i32, %c0_i32_0 : i32, i32, i32
  }
  func.func @transform_3(%arg0: i32, %arg1: i32) -> (i32, i32, i32) {
    %c0_i32 = arith.constant 0 : i32
    %c0_i32_0 = arith.constant 0 : i32
    return %arg0, %arg1, %c0_i32 : i32, i32, i32
  }
}

</mosaic_0001>

<sc_bundles>
// kernel: kernel.8.cloned.1.call-start
scs
__scs_entry_jumppad:
0x0: {  	(pc) =	sbr.rel $0x88, $3  }
0x1: {  	(tag) =	ssettag $0x0;
	lr =	simm.s32 $0x1  }
0x2: {  	[smem:$0x3F8F] =	sst lr;
	_ =	strace $0xD0000000  }
0x3: {  	_ = 	snop  }
0x4: {  	_ = 	snop  }
0x5: {  	_ = 	snop  }
0x6: {  	_ = 	snop  }
0x7: {  	_ = 	snop  }
__scs_overlays_trampoline_lowered:
0x8: {  	[smem:$0x3F9E] =	sst s0  }
0x9: {  	[smem:$0x3F9F] =	sst s1  }
0xa: {  	[smem:$0x3FA0] =	sst s2  }
0xb: {  	[smem:$0x3FA1] =	sst s3  }
0xc: {  	[smem:$0x3FA2] =	sst s4  }
0xd: {  	[smem:$0x3FA3] =	sst s5  }
0xe: {  	[smem:$0x3FA4] =	sst s6  }
0xf: {  	[smem:$0x3FA5] =	sst s7  }
0x10: {  	[smem:$0x3FA6] =	sst s8  }
0x11: {  	[smem:$0x3FA7] =	sst s9;
	s0 =	simm.s32 @!p0 $0x0  }
0x12: {  	s1 =	sld [smem:$0x3F8D];
	s0 =	simm.s32 @p0 $0x1  }
0x13: {  	[smem:$0x3FA8] =	sst s0;
	s0 =	simm.s32 @!p1 $0x0  }
0x14: {  	s2 =	sld [smem:$0x3F8C];
	s0 =	simm.s32 @p1 $0x1  }
0x15: {  	[smem:$0x3FA9] =	sst s0;
	s0 =	simm.s32 @!p2 $0x0  }
0x16: {  	s3 =	sld [smem:$0x3FDB];
	s0 =	simm.s32 @p2 $0x1  }
0x17: {  	s4 =	simm.s32 $0x1BF5;
	[smem:$0x3FAB] =	sst s0  }
0x18: {  	s0 =	sld [smem:$0x3F8E];
	_ =	swait.ge [sflag:s4], $0x0  }
0x19: {  	s7 =	sld [smem:$0x3F8F]  }
0x1a: {  	s8 =	sadd.s32 $0xFFFFE003, lr  }
0x1b: {  	s9 =	sadd.s32 $0xFFFFFEF7, lr;
	s5 =	simm.s32 $0xFFFFFFFF;
	p2 =	slt.u32 s8, $0xFFFFF086  }
0x1c: {  	p1 =	slt.u32 s9, $0xF7A;
	s5 =	simm.s32 @!p2 $0x0  }
0x1d: {  	s5 =	simm.s32 @p1 $0x1;
	p0 =	seq.s32 s7, s2  }
0x1e: {  	s7 =	smul.u32 @!p0 $0xF7A, s2;
	p2 =	seq.s32 @!p0 s5, $0x0  }
0x1f: {  	s9 =	smul.u32 $0xF7A, s1;
	s8 =	simm.s32 @!p0 $0x1BF5;
	p2 =	por !p2, p0  }
0x20: {  	[sflag:s8] =	ssyncset.s32 @!p0 $0xFFFFF086;
	s6 =	sadd.s32 @!p0 s3, s7;
	s7 =	simm.s32 @!p0 $0x108  }
0x21: {  	s3 =	sadd.s32 s3, s9;
	s6 =	sadd.s32 @!p0 $0x88, s6;
	s7 =	simm.s32 @p2 $0x1082  }
0x22: {  	[simem:s7], [sflag:s8] =	dma.local @!p0 [hbm:s6], $0xF7A  }
0x23: {  	s9 =	sor.u32 $0xD0000000, s2;
	s6 =	simm.s32 $0x108;
	_ =	swait.ge @!p0 [sflag:s8], $0x0  }
0x24: {  	s3 =	sadd.s32 $0x88, s3;
	s6 =	simm.s32 @!p1 $0x1082;
	[sflag:s4] =	ssyncset.s32 $0xFFFFF086  }
0x25: {  	[simem:s6], [sflag:s4] =	dma.local [hbm:s3], $0xF7A  }
0x26: {  	[smem:$0x3F8F] =	sst s1;
	(tag) =	ssettag s2;
	_ =	strace s9  }
0x27: {  	s1 =	sld [smem:$0x3F9F]  }
0x28: {  	s2 =	sld [smem:$0x3FA0]  }
0x29: {  	s4 =	sld [smem:$0x3FA2]  }
0x2a: {  	p0 =	seq.s32 s5, $0x0;
	s5 =	sld [smem:$0x3FA3]  }
0x2b: {  	s6 =	sld [smem:$0x3FA4]  }
0x2c: {  	s7 =	sld [smem:$0x3FA5]  }
0x2d: {  	s3 =	simm.s32 $0x108;
	s8 =	sld [smem:$0x3FA6]  }
0x2e: {  	s3 =	simm.s32 @!p0 $0x1082;
	s9 =	sld [smem:$0x3FA7]  }
0x2f: {  	lr =	sadd.s32 s0, s3;
	s0 =	sld [smem:$0x3F9E]  }
0x30: {  	s3 =	sld [smem:$0x3FA1]  }
0x31: {  	[smem:$0x3FAA] =	sst s10  }
0x32: {  	s10 =	sld [smem:$0x3FA8];
	_ =	sdelay $0x3  }
0x33: {  	p0 =	seq.s32 s10, $0x1;
	s10 =	sld [smem:$0x3FAA];
	_ =	sdelay $0x3  }
0x34: {  	[smem:$0x3FAA] =	sst s10  }
0x35: {  	s10 =	sld [smem:$0x3FA9];
	_ =	sdelay $0x3  }
0x36: {  	p1 =	seq.s32 s10, $0x1;
	s10 =	sld [smem:$0x3FAA];
	_ =	sdelay $0x3  }
0x37: {  	[smem:$0x3FAA] =	sst s10  }
0x38: {  	s10 =	sld [smem:$0x3FAB]  }
0x39: {  	_ = 	snop;
	(pc) =	sbr.ind lr, $3  }
0x3a: {  	_ = 	snop  }
0x3b: {  	_ = 	snop  }
0x3c: {  	p2 =	seq.s32 s10, $0x1;
	s10 =	sld [smem:$0x3FAA]  }
0x3d: {  	_ =	shalt  }
0x3e: {  	_ =	shalt  }
0x3f: {  	_ =	shalt  }
0x40: {  	_ =	shalt  }
0x41: {  	_ =	shalt  }
0x42: {  	_ =	shalt  }
0x43: {  	_ =	shalt  }
0x44: {  	_ =	shalt  }
0x45: {  	_ =	shalt  }
0x46: {  	_ =	shalt  }
0x47: {  	_ =	shalt  }
0x48: {  	_ =	shalt  }
0x49: {  	_ =	shalt  }
0x4a: {  	_ =	shalt  }
0x4b: {  	_ =	shalt  }
0x4c: {  	_ =	shalt  }
0x4d: {  	_ =	shalt  }
0x4e: {  	_ =	shalt  }
0x4f: {  	_ =	shalt  }
0x50: {  	_ =	shalt  }
0x51: {  	_ =	shalt  }
0x52: {  	_ =	shalt  }
0x53: {  	_ =	shalt  }
0x54: {  	_ =	shalt  }
0x55: {  	_ =	shalt  }
0x56: {  	_ =	shalt  }
0x57: {  	_ =	shalt  }
0x58: {  	_ =	shalt  }
0x59: {  	_ =	shalt  }
0x5a: {  	_ =	shalt  }
0x5b: {  	_ =	shalt  }
0x5c: {  	_ =	shalt  }
0x5d: {  	_ =	shalt  }
0x5e: {  	_ =	shalt  }
0x5f: {  	_ =	shalt  }
0x60: {  	_ =	shalt  }
0x61: {  	_ =	shalt  }
0x62: {  	_ =	shalt  }
0x63: {  	_ =	shalt  }
0x64: {  	_ =	shalt  }
0x65: {  	_ =	shalt  }
0x66: {  	_ =	shalt  }
0x67: {  	_ =	shalt  }
0x68: {  	_ =	shalt  }
0x69: {  	_ =	shalt  }
0x6a: {  	_ =	shalt  }
0x6b: {  	_ =	shalt  }
0x6c: {  	_ =	shalt  }
0x6d: {  	_ =	shalt  }
0x6e: {  	_ =	shalt  }
0x6f: {  	_ =	shalt  }
0x70: {  	_ =	shalt  }
0x71: {  	_ =	shalt  }
0x72: {  	_ =	shalt  }
0x73: {  	_ =	shalt  }
0x74: {  	_ =	shalt  }
0x75: {  	_ =	shalt  }
0x76: {  	_ =	shalt  }
0x77: {  	_ =	shalt  }
0x78: {  	_ =	shalt  }
0x79: {  	_ =	shalt  }
0x7a: {  	_ =	shalt  }
0x7b: {  	_ =	shalt  }
0x7c: {  	_ =	shalt  }
0x7d: {  	_ =	shalt  }
0x7e: {  	_ =	shalt  }
0x7f: {  	_ =	shalt  }
0x80: {  	_ =	shalt  }
0x81: {  	_ =	shalt  }
0x82: {  	_ =	shalt  }
0x83: {  	_ =	shalt  }
0x84: {  	_ =	shalt  }
0x85: {  	_ =	shalt  }
0x86: {  	_ =	shalt  }
0x87: {  	_ =	shalt  }
.Lfunc_end0:
.L_simem_size_0:
called_computation_lowered:
.L_overlay_start_0:
0x88: {  	s2 =	sld [smem:$0x3FD9]  }
0x89: {  	s3 =	sld [smem:$0x3FFE];
	_ =	sdelay $0x1  }
0x8a: {  	s1 =	srdreg.scid  }
0x8b: {  	s0 =	sand.u32 $0x1, s1  }
0x8c: {  	s17 =	sshll.u32 s0, $0xA;
	s2 =	sadd.s32 s3, s2  }
0x8d: {  	s2 =	sadd.s32 s2, s17  }
0x8e: {  	[smem:$0x3FB6] =	sst s2  }
0x8f: {  	_ = 	snop  }
0x90: {  	s2 =	sld [smem:$0x3FD0];
	(tm) =	ssettm $0x1  }
0x91: {  	s18 =	sld [smem:$0x3FFB];
	_ =	sdelay $0x3  }
0x92: {  	_ =	strace s18  }
0x93: {  	s3 =	sld [smem:$0x3FFC];
	_ =	sdelay $0x3  }
0x94: {  	_ =	strace s3  }
0x95: {  	s3 =	sld [smem:$0x3FFD];
	_ =	sdelay $0x3  }
0x96: {  	_ =	strace s3  }
0x97: {  	_ =	strace $0x8FFFFFFF  }
0x98: {  	s19 =	sld [smem:$0x3FDB];
	_ =	sdelay $0x1  }
0x99: {  	s4 =	simm.s32 $_scs_section_size  }
0x9a: {  	s5 =	simm.s32 $_size__tile_overlayer_lowered;
	s6 =	simm.s32 $_tile_overlayer_lowered  }
0x9b: {  	s22 =	simm.s32 $0x1BFF;
	s21 =	sshll.u32 s6, $0x1;
	s3 =	sadd.s32 s4, s19  }
0x9c: {  	s7 =	simm.s32 $0x0;
	s20 =	sshll.u32 s5, $0x1;
	s5 =	sadd.s32 s21, s3  }
0x9d: {  	[timem:s7], [sflag:s22] =	dma.local [hbm:s5], s20  }
0x9e: {  	_ =	swait.ge [sflag:s22], s20  }
0x9f: {  	s4 =	ssub.s32 $0x0, s20;
	[sflag:s22] =	ssyncset.done $0x0  }
0xa0: {  	[sflag:s22] =	ssyncadd.s32 s4;
	_ =	sdelay $0x1  }
0xa1: {  	s23 =	simm.s32 $0x1B8B  }
0xa2: {  	_ =	swait.ge [sflag:s23], $0x1  }
0xa3: {  	[sflag:s23] =	ssyncset.done $0x0  }
0xa4: {  	s25 =	simm.s32 $0x1B8E;
	s24 =	sld [smem:$0x3FFE];
	[sflag:s23] =	ssyncadd.s32 $0xFFFFFFFF  }
0xa5: {  	s26 =	simm.s32 $execute0_lowered;
	[smem:$0x3FD2] =	sst s25  }
0xa6: {  	s5 =	sshll.u32 s26, $0x1;
	_ =	strace $0x80000046;
	[dreg:$0x1] =	wrdreg $0xFFFFFFFF  }
0xa7: {  	s28 =	simm.s32 $_size_execute0_lowered;
	s3 =	sadd.s32 s3, s5;
	[dreg:$0x0] =	wrdreg $0x0  }
0xa8: {  	s5 =	sshll.u32 s28, $0x1;
	[dreg:$0x2] =	wrdreg s3  }
0xa9: {  	[dreg:$0x3] =	wrdreg s5  }
0xaa: {  	[dreg:$0x4] =	wrdreg $0xC0  }
0xab: {  	_ =	task [dreg:s7], $0x5FFFF  }
0xac: {  	[dreg:$0x1] =	wrdreg $0xFFFFFFFF  }
0xad: {  	[dreg:$0x0] =	wrdreg $0x60  }
0xae: {  	[dreg:$0x2] =	wrdreg s24  }
0xaf: {  	[dreg:$0x3] =	wrdreg s2  }
0xb0: {  	[dreg:$0x4] =	wrdreg $0x9  }
0xb1: {  	_ =	task.clear_ibuf [dreg:s7], $0x5FFFF;
	_ =	strace $0x90000046  }
0xb2: {  	s29 =	simm.s32 $0x9;
	_ =	strace $0x80000048  }
0xb3: {  	_ =	swait.ge [sflag:s29], $0x1  }
0xb4: {  	[sflag:s29] =	ssyncadd.s32 $0xFFFFFFFF  }
0xb5: {  	_ =	strace $0x90000048  }
0xb6: {  	_ =	sfence  }
0xb7: {  	s30 =	sld [smem:$0x0];
	_ =	sdelay $0x2  }
0xb8: {  	s31 =	sshll.u32 s1, $0xD;
	s1 =	sshrl.u32 s1, $0x2  }
0xb9: {  	s3 =	sand.u32 $0x4000, s31;
	s1 =	sadd.s32 s1, s30  }
0xba: {  	s0 =	sor.u32 s3, s0;
	s1 =	sshll.u32 s1, $0x11  }
0xbb: {  	s0 =	sor.u32 s1, s0  }
0xbc: {  	s0 =	sadd.s32 $0x8F2B, s0  }
0xbd: {  	[sflag:s0] =	ssyncadd.remote.s32 $0x1  }
0xbe: {  	_ =	sfence.sel $0xFFFF  }
0xbf: {  	[dreg:$0x0] =	wrdreg $0xFFFFFFFF;
	(pc) =	sbr.abs _section_cstart, $3  }
0xc0: {  	[dreg:$0x1] =	wrdreg $0xFFFFFFFF  }
0xc1: {  	_ =	task.clear_ibuf [dreg:s7], $0x2FFFF;
	_ =	strace $0x9FFFFFFF  }
0xc2: {  	(tm) =	ssettm $0x7FFFFFFF  }
0xc3: {  	_ =	shalt  }
tec
execute0_lowered:
.L_overlay_start_1:
0x0: {  	(tag) =	ssettag $0x1  }
0x1: {  	s4 =	rddreg [dreg:$0x0]  }
0x2: {  	s5 =	rddreg [dreg:$0x1]  }
0x3: {  	s0 =	rddreg [dreg:$0x2];
	s2 =	simm.s32 $0x0;
	s3 =	srdreg.scid  }
0x4: {  	s1 =	stileid.u32;
	s11 =	simm.s32 $0x1000;
	s12 =	simm.s32 $0x5000  }
0x5: {  	s13 =	simm.s32 $0x1;
	s14 =	simm.s32 $0x2;
	s15 =	simm.s32 $0x0  }
0x6: {  	[smem:$0x7FF] =	sst s2;
	s7 =	sand.u32 $0x1, s3;
	s6 =	sshll.u32 s1, $0xD  }
0x7: {  	s3 =	sadd.s32 $0x3200, s4;
	s25 =	sadd.s32 $0xE3200, s4;
	s30 =	sshll.u32 s1, $0x11  }
0x8: {  	_ =	strace $0x80000047;
	s8 =	sshll.u32 s7, $0xC;
	s9 =	ssub.s32 $0x2, s7  }
0x9: {  	s31 =	sshll.u32 s7, $0x10;
	s6 =	sor.u32 s8, s6;
	s26 =	sshrl.u32 s9, $0x1  }
0xa: {  	s8 =	sadd.s32 s30, s25;
	s10 =	sshrl.u32 s6, $0x3;
	s9 =	ssub.s32 s9, s26  }
0xb: {  	s28 =	sshll.u32 s6, $0x4;
	s8 =	sadd.s32 s31, s8;
	s4 =	sadd.s32 s5, s10  }
0xc: {  	s29 =	sadd.s32 s25, s28;
	s5 =	smax.u32 s9, $0x1;
	s9 =	simm.s32 $0x3  }
0xd: {  	s10 =	simm.s32 $0x80;
	s6 =	sadd.s32 $0xF000, s29;
	s7 =	sadd.s32 $0xF800, s29  }
.LBB2_1:
0xe: {  	[tilespmem:s2], [sflag:$0x3] =	stream.linear.gather [hbm4b:s4+s2], $0x1000, $0x38;
	[tilespmem:$0x9000] =	vst v63  }
0xf: {  	_ =	swait.ge [sflag:s9], $0x1000  }
0x10: {  	[sflag:s9] =	ssyncset.done $0x0  }
0x11: {  	[sflag:s9] =	ssyncadd.s32 $0xFFFFF000  }
0x12: {  	[tilespmem:s11], [sflag:$0x1] =	stream.indirect.gather [hbm4b:s3+s10], $0x80, s2, s10, $0xb8;
	[tilespmem:$0x9000] =	vst v63  }
0x13: {  	_ = 	snop  }
0x14: {  	[tilespmem:s12], [sflag:$0x2] =	stream.indirect.gather [hbm4b:s3+s10], $0x80, s10, s10, $0xb8;
	[tilespmem:$0x9000] =	vst v63  }
0x15: {  	_ =	swait.ge [sflag:s13], $0x4000  }
0x16: {  	[sflag:s13] =	ssyncset.done $0x0  }
0x17: {  	s16 =	sadd.s32 $0x0, s8;
	[sflag:s13] =	ssyncadd.s32 $0xFFFFC000  }
0x18: {  	[hbm4b:s16+s2] =	stream.linear.scatter [tilespmem:s11], [sflag:$0x3], $0x4000, $0x38;
	[tilespmem:$0x9000] =	vst v63  }
0x19: {  	_ =	swait.ge [sflag:s9], $0x4000  }
0x1a: {  	[sflag:s9] =	ssyncset.done $0x0  }
0x1b: {  	s17 =	simm.s32 $0x100;
	[sflag:s9] =	ssyncadd.s32 $0xFFFFC000  }
0x1c: {  	[tilespmem:s11], [sflag:$0x1] =	stream.indirect.gather [hbm4b:s3+s10], $0x80, s17, s10, $0xb8;
	[tilespmem:$0x9000] =	vst v63  }
0x1d: {  	_ =	swait.ge [sflag:s14], $0x4000  }
0x1e: {  	[sflag:s14] =	ssyncset.done $0x0  }
0x1f: {  	s16 =	sadd.s32 $0x800, s16;
	[sflag:s14] =	ssyncadd.s32 $0xFFFFC000  }
0x20: {  	[hbm4b:s16+s2] =	stream.linear.scatter [tilespmem:s12], [sflag:$0x3], $0x4000, $0x38;
	[tilespmem:$0x9000] =	vst v63  }
0x21: {  	_ =	swait.ge [sflag:s9], $0x4000  }
0x22: {  	s18 =	simm.s32 $0x280;
	[sflag:s9] =	ssyncset.done $0x0  }
0x23: {  	s17 =	simm.s32 $0x1000;
	s16 =	simm.s32 $0x180;
	[sflag:s9] =	ssyncadd.s32 $0xFFFFC000  }
.LBB2_2:
0x24: {  	[tilespmem:s12], [sflag:$0x2] =	stream.indirect.gather [hbm4b:s3+s10], $0x80, s16, s10, $0xb8;
	[tilespmem:$0x9000] =	vst v63  }
0x25: {  	s19 =	smov.u32 s17;
	s16 =	smov.u32 s18  }
0x26: {  	p0 =	sne.s32 s17, $0xE000;
	s17 =	sadd.s32 $0x1000, s17;
	_ =	swait.ge [sflag:s13], $0x4000  }
0x27: {  	[sflag:s13] =	ssyncset.done $0x0  }
0x28: {  	s19 =	sadd.s32 s19, s8;
	[sflag:s13] =	ssyncadd.s32 $0xFFFFC000  }
0x29: {  	[hbm4b:s19+s2] =	stream.linear.scatter [tilespmem:s11], [sflag:$0x3], $0x4000, $0x38;
	[tilespmem:$0x9000] =	vst v63  }
0x2a: {  	_ =	swait.ge [sflag:s9], $0x4000  }
0x2b: {  	[sflag:s9] =	ssyncset.done $0x0  }
0x2c: {  	s20 =	sadd.s32 $0xFFFFFF80, s18;
	[sflag:s9] =	ssyncadd.s32 $0xFFFFC000  }
0x2d: {  	[tilespmem:s11], [sflag:$0x1] =	stream.indirect.gather [hbm4b:s3+s10], $0x80, s20, s10, $0xb8;
	[tilespmem:$0x9000] =	vst v63  }
0x2e: {  	_ =	swait.ge [sflag:s14], $0x4000  }
0x2f: {  	[sflag:s14] =	ssyncset.done $0x0  }
.Ltmp0:
0x30: {  	s19 =	sadd.s32 $0x800, s19;
	[sflag:s14] =	ssyncadd.s32 $0xFFFFC000;
	(pc) =	sbr.rel @p0 .LBB2_2-.Ltmp0, $4  }
0x31: {  	[hbm4b:s19+s2] =	stream.linear.scatter [tilespmem:s12], [sflag:$0x3], $0x4000, $0x38;
	[tilespmem:$0x9000] =	vst v63  }
0x32: {  	_ =	swait.ge [sflag:s9], $0x4000  }
0x33: {  	[sflag:s9] =	ssyncset.done $0x0  }
0x34: {  	s18 =	sadd.s32 $0x100, s18;
	[sflag:s9] =	ssyncadd.s32 $0xFFFFC000  }
0x35: {  	[tilespmem:s12], [sflag:$0x2] =	stream.indirect.gather [hbm4b:s3+s10], $0x80, s16, s10, $0xb8;
	[tilespmem:$0x9000] =	vst v63  }
0x36: {  	_ =	swait.ge [sflag:s13], $0x4000  }
0x37: {  	[sflag:s13] =	ssyncset.done $0x0  }
0x38: {  	[sflag:s13] =	ssyncadd.s32 $0xFFFFC000  }
0x39: {  	[hbm4b:s6+s2] =	stream.linear.scatter [tilespmem:s11], [sflag:$0x3], $0x4000, $0x38;
	[tilespmem:$0x9000] =	vst v63  }
0x3a: {  	_ =	swait.ge [sflag:s9], $0x4000  }
0x3b: {  	[sflag:s9] =	ssyncset.done $0x0  }
0x3c: {  	[sflag:s9] =	ssyncadd.s32 $0xFFFFC000  }
0x3d: {  	s15 =	sadd.s32 $0x1, s15;
	_ =	swait.ge [sflag:s14], $0x4000  }
0x3e: {  	p0 =	sne.s32 s15, s5;
	[sflag:s14] =	ssyncset.done $0x0  }
.Ltmp1:
0x3f: {  	[sflag:s14] =	ssyncadd.s32 $0xFFFFC000;
	(pc) =	sbr.rel @p0 .LBB2_1-.Ltmp1, $4  }
0x40: {  	[hbm4b:s7+s2] =	stream.linear.scatter [tilespmem:s12], [sflag:$0x3], $0x4000, $0x38;
	[tilespmem:$0x9000] =	vst v63  }
0x41: {  	_ =	swait.ge [sflag:s9], $0x4000  }
0x42: {  	[sflag:s9] =	ssyncset.done $0x0  }
0x43: {  	[sflag:s9] =	ssyncadd.s32 $0xFFFFC000  }
0x44: {  	_ =	sfence.sel $0x180000  }
0x45: {  	[bflag:$0x0] =	sbarrier.arrive $0xFFFF  }
0x46: {  	p0 =	sne.s32 s1, $0x0;
	_ =	strace $0x90000047  }
0x47: {  	s0 =	sadd.s32 @!p0 $0x100000, s0;
	[bflag:$0x2] =	sbarrier.arrive $0xFFFF  }
0x48: {  	[sflag:s0] =	ssyncadd.tile.s32 @!p0 $0x1;
	_ =	shalt  }
.Lfunc_end2:
_tile_overlayer_lowered:
.L_overlay_start_2:
0x49: {  	(tag) =	ssettag $0x2  }
0x4a: {  	s0 =	rddreg [dreg:$0x0];
	s2 =	stileid.u32  }
0x4b: {  	s1 =	rddreg [dreg:$0x1];
	p0 =	sne.s32 s2, $0x0  }
0x4c: {  	s3 =	rddreg [dreg:$0x2];
	[bflag:$0x3] =	sbarrier.arrive $0xFFFF;
	s2 =	simm.s32 @!p0 $0x1C03  }
0x4d: {  	[timem:s3], [sflag:s2] =	dma.local @!p0 [hbm:s0], s1  }
0x4e: {  	s0 =	simm.s32 @!p0 $0x3  }
0x4f: {  	_ =	swait.ge @!p0 [sflag:s0], s1  }
0x50: {  	s1 =	ssub.s32 @!p0 $0x0, s1;
	[sflag:s0] =	ssyncset.done @!p0 $0x0  }
0x51: {  	[sflag:s0] =	ssyncadd.s32 @!p0 s1  }
0x52: {  	[bflag:$0x3] =	sbarrier.arrive $0xFFFF  }
0x53: {  	_ =	shalt  }

</sc_bundles>
